<compile_context>
chip_gen: v7x
topology: tpu7x:2x2x1
jax: 0.10.2.dev20260603
libtpu: 0.0.44.dev20260713+nightly
codegen_flags: <defaults>
</compile_context>

<pallas_src>
import functools

import jax
import jax.numpy as jnp
from jax import lax
from jax.experimental import pallas as pl
from jax.experimental.pallas import tpu as pltpu
from jax.experimental.pallas import tpu_sc as plsc

_NC = 2
_NS = 16


def _sc_mesh():
    return plsc.VectorSubcoreMesh(core_axis_name="c", subcore_axis_name="s",
                                  num_cores=_NC, num_subcores=_NS)


def _per_tile_rows(n_rows, s, copy_fn):
    r0 = (n_rows // _NS) // 8 * 8
    last = n_rows - r0 * (_NS - 1)

    @pl.when(s < _NS - 1)
    def _():
        copy_fn(pl.multiple_of(s * r0, 8), r0)

    @pl.when(s == _NS - 1)
    def _():
        copy_fn((_NS - 1) * r0, last)


def _sc_degree(dst_blk, zeros8, ones8, E):
    N = zeros8.shape[0]
    K = ones8.shape[0]
    per_tile = E // (_NC * _NS)
    nchunk = per_tile // K

    @functools.partial(
        pl.kernel,
        out_type=jax.ShapeDtypeStruct((_NC, N, 8), jnp.float32),
        mesh=_sc_mesh(),
        compiler_params=pltpu.CompilerParams(use_tc_tiling_on_sc=False),
        scratch_types=[
            pltpu.VMEM((per_tile // K, K), jnp.int32),
            pltpu.VMEM((K, 8), jnp.float32),
            pltpu.VMEM_SHARED((N, 8), jnp.float32),
            pltpu.SemaphoreType.DMA,
        ],
    )
    def deg_kernel(dst_hbm, z_hbm, ones_hbm, out_hbm, dstb, onesbuf, deg_sh,
                   sem):
        c = lax.axis_index("c")
        s = lax.axis_index("s")
        w = c * _NS + s
        pltpu.sync_copy(dst_hbm.at[pl.ds(w * nchunk, nchunk)], dstb)
        pltpu.sync_copy(ones_hbm, onesbuf)
        _per_tile_rows(N, s, lambda r, m: pltpu.sync_copy(
            z_hbm.at[pl.ds(r, m)], deg_sh.at[pl.ds(r, m)]))
        plsc.subcore_barrier()

        def body(j, carry):
            pltpu.async_copy(onesbuf, deg_sh.at[dstb.at[j]], sem, add=True)
            return carry

        lax.fori_loop(0, nchunk, body, 0)

        def drain(j, carry):
            pltpu.make_async_copy(onesbuf, deg_sh.at[dstb.at[j]], sem).wait()
            return carry

        lax.fori_loop(0, nchunk, drain, 0)
        plsc.subcore_barrier()
        _per_tile_rows(N, s, lambda r, m: pltpu.sync_copy(
            deg_sh.at[pl.ds(r, m)], out_hbm.at[c, pl.ds(r, m)]))

    return deg_kernel(dst_blk, zeros8, ones8)


def _sc_scatter(g2n, src_blk, dst_blk, E, K, NB):
    N = g2n.shape[0] // 2
    D2 = g2n.shape[1]
    per_tile = E // _NS
    nchunk = per_tile // K
    n_it = nchunk // NB

    @functools.partial(
        pl.kernel,
        out_type=jax.ShapeDtypeStruct((_NC, N, D2), jnp.float32),
        mesh=_sc_mesh(),
        compiler_params=pltpu.CompilerParams(use_tc_tiling_on_sc=False),
        scratch_types=[
            pltpu.VMEM((nchunk, K), jnp.int32),
            pltpu.VMEM((nchunk, K), jnp.int32),
            [pltpu.VMEM((K, D2), jnp.float32)] * NB,
            pltpu.VMEM_SHARED((N, D2), jnp.float32),
            [pltpu.SemaphoreType.DMA] * NB,
            [pltpu.SemaphoreType.DMA] * NB,
        ],
    )
    def scat_kernel(g_hbm, src_hbm, dst_hbm, out_hbm,
                    srcb, dstb, rows, acc, sem_g, sem_s):
        c = lax.axis_index("c")
        s = lax.axis_index("s")
        pltpu.sync_copy(src_hbm.at[pl.ds((c * _NS + s) * nchunk, nchunk)],
                        srcb)
        pltpu.sync_copy(dst_hbm.at[pl.ds(s * nchunk, nchunk)], dstb)
        for b in range(NB - 1):
            pltpu.async_copy(g_hbm.at[srcb.at[b]], rows[b], sem_g[b])
        _per_tile_rows(N, s, lambda r, m: pltpu.sync_copy(
            g_hbm.at[pl.ds(c * N + r, m)], acc.at[pl.ds(r, m)]))
        plsc.subcore_barrier()

        def body(i, carry):
            for b in range(NB):
                j = NB * i + b
                bn = (b + NB - 1) % NB
                pltpu.make_async_copy(g_hbm.at[srcb.at[j]], rows[b],
                                      sem_g[b]).wait()
                pltpu.async_copy(rows[b], acc.at[dstb.at[j]], sem_s[b],
                                 add=True)

                def wait_prev():
                    pltpu.make_async_copy(rows[bn], acc.at[dstb.at[j - 1]],
                                          sem_s[bn]).wait()

                def issue_next():
                    pltpu.async_copy(g_hbm.at[srcb.at[j + NB - 1]], rows[bn],
                                     sem_g[bn])

                if b == 0:
                    pl.when(i > 0)(wait_prev)
                    issue_next()
                else:
                    def recycle():
                        wait_prev()
                        issue_next()

                    pl.when(i + 1 < n_it)(recycle)
            return carry

        lax.fori_loop(0, n_it, body, 0)
        for j in range(nchunk - NB, nchunk):
            pltpu.make_async_copy(rows[j % NB], acc.at[dstb.at[j]],
                                  sem_s[j % NB]).wait()
        plsc.subcore_barrier()
        _per_tile_rows(N, s, lambda r, m: pltpu.sync_copy(
            acc.at[pl.ds(r, m)], out_hbm.at[c, pl.ds(r, m)]))

    return scat_kernel(g2n, src_blk, dst_blk)


def _tc_layer1(x, W1, p0, p1, blk):
    N, D = x.shape
    H = W1.shape[1]
    Hh = H // 2

    def body(x_ref, w_ref, p0_ref, p1_ref, g_ref, dv_ref):
        dv = lax.rsqrt(p0_ref[...] + p1_ref[...] + 1.0)
        h = jnp.dot(x_ref[...], w_ref[...],
                    preferred_element_type=jnp.float32)
        g_ref[0] = h[:, :Hh] * dv
        g_ref[1] = h[:, Hh:] * dv
        dv_ref[...] = dv

    return pl.pallas_call(
        body,
        grid=(N // blk,),
        in_specs=[
            pl.BlockSpec((blk, D), lambda i: (i, 0)),
            pl.BlockSpec((D, H), lambda i: (0, 0)),
            pl.BlockSpec((blk, 1), lambda i: (i, 0)),
            pl.BlockSpec((blk, 1), lambda i: (i, 0)),
        ],
        out_specs=[
            pl.BlockSpec((2, blk, Hh), lambda i: (0, i, 0)),
            pl.BlockSpec((blk, 1), lambda i: (i, 0)),
        ],
        out_shape=[
            jax.ShapeDtypeStruct((2, N, Hh), jnp.float32),
            jax.ShapeDtypeStruct((N, 1), jnp.float32),
        ],
    )(x, W1, p0, p1)


def _tc_layer2(s1, dinv, b1, W2, blk):
    N = s1.shape[1]
    H = 2 * s1.shape[2]
    O = W2.shape[1]
    Oh = O // 2

    def body(s_ref, dv_ref, b_ref, w_ref, g_ref):
        dv = dv_ref[...]
        h = jnp.concatenate([s_ref[0], s_ref[1]], axis=1) * dv + b_ref[...]
        h = jnp.maximum(h, 0.0)
        g = jnp.dot(h, w_ref[...], preferred_element_type=jnp.float32) * dv
        g_ref[0] = g[:, :Oh]
        g_ref[1] = g[:, Oh:]

    return pl.pallas_call(
        body,
        grid=(N // blk,),
        in_specs=[
            pl.BlockSpec((2, blk, H // 2), lambda i: (0, i, 0)),
            pl.BlockSpec((blk, 1), lambda i: (i, 0)),
            pl.BlockSpec((1, H), lambda i: (0, 0)),
            pl.BlockSpec((H, O), lambda i: (0, 0)),
        ],
        out_specs=pl.BlockSpec((2, blk, Oh), lambda i: (0, i, 0)),
        out_shape=jax.ShapeDtypeStruct((2, N, Oh), jnp.float32),
    )(s1, dinv, b1, W2)


def _tc_layer3(s2, dinv, b2, blk):
    N = s2.shape[1]
    O = 2 * s2.shape[2]

    def body(s_ref, dv_ref, b_ref, o_ref):
        o = (jnp.concatenate([s_ref[0], s_ref[1]], axis=1) * dv_ref[...]
             + b_ref[...])
        m = jnp.max(o, axis=1, keepdims=True)
        e = jnp.exp(o - m)
        lse = jnp.log(jnp.sum(e, axis=1, keepdims=True))
        o_ref[...] = o - m - lse

    return pl.pallas_call(
        body,
        grid=(N // blk,),
        in_specs=[
            pl.BlockSpec((2, blk, O // 2), lambda i: (0, i, 0)),
            pl.BlockSpec((blk, 1), lambda i: (i, 0)),
            pl.BlockSpec((1, O), lambda i: (0, 0)),
        ],
        out_specs=pl.BlockSpec((blk, O), lambda i: (i, 0)),
        out_shape=jax.ShapeDtypeStruct((N, O), jnp.float32),
    )(s2, dinv, b2)


def kernel(x, edge_index, W1, b1, W2, b2):
    N = x.shape[0]
    E = edge_index.shape[1]
    K = 40
    src = edge_index[0].astype(jnp.int32)
    dst = edge_index[1].astype(jnp.int32)
    src_blk = jnp.concatenate([src, src + N]).reshape(-1, K)
    dst_blk = dst.reshape(-1, K)

    zeros8 = jnp.zeros((N, 8), jnp.float32)
    ones8 = jnp.ones((K, 8), jnp.float32)
    parts = _sc_degree(dst_blk, zeros8, ones8, E)
    p0 = parts[0, :, 0:1]
    p1 = parts[1, :, 0:1]

    blk = 1000
    g1, dinv = _tc_layer1(x, W1, p0, p1, blk)
    s1 = _sc_scatter(g1.reshape(2 * N, -1), src_blk, dst_blk, E, K, 5)
    g2 = _tc_layer2(s1, dinv, b1.reshape(1, -1), W2, blk)
    K2 = 100
    src_blk2 = src_blk.reshape(-1, K2)
    dst_blk2 = dst_blk.reshape(-1, K2)
    s2 = _sc_scatter(g2.reshape(2 * N, -1), src_blk2, dst_blk2, E, K2, 10)
    return _tc_layer3(s2, dinv, b2.reshape(1, -1), blk)

# --- scband reference (transcript-rebuilt; emitter-appended) ---
"""Pipeline reference for scband-gcnmodel-52269751993055 (READ-ONLY COPY).

The authoritative reference and input builder live on the scoring server;
editing this copy changes nothing except your own understanding.
"""

import jax, jax.numpy as jnp
import numpy as np

N_NODES = 10000
D_IN = 256
D_HID = 256
D_OUT = 64
N_EDGES = 160000


def gcn_conv(x, edge_index, W, b, num_nodes):
    # Linear transform
    h = x @ W
    src = edge_index[0]
    dst = edge_index[1]
    # Add self-loops (PyG GCNConv default add_self_loops=True)
    loop = jnp.arange(num_nodes, dtype=src.dtype)
    src = jnp.concatenate([src, loop])
    dst = jnp.concatenate([dst, loop])
    # Symmetric normalization deg^-1/2 computed on destination degree
    deg = jnp.zeros((num_nodes,), dtype=h.dtype).at[dst].add(1.0)
    dinv = jnp.where(deg > 0, jax.lax.rsqrt(deg), 0.0)
    norm = dinv[src] * dinv[dst]
    msg = h[src] * norm[:, None]
    out = jnp.zeros((num_nodes, h.shape[1]), dtype=h.dtype).at[dst].add(msg)
    return out + b


def setup_inputs(seed: int = 0) -> dict:
    key = jax.random.key(seed)
    k1, k2, k3, k4, k5, k6 = jax.random.split(key, 6)
    x = jax.random.normal(k1, (N_NODES, D_IN), dtype=jnp.float32)
    edge_index = jax.random.randint(k2, (2, N_EDGES), 0, N_NODES, dtype=jnp.int64)
    # Glorot-style init for GCN weights
    W1 = jax.random.normal(k3, (D_IN, D_HID), dtype=jnp.float32) * (1.0 / np.sqrt(D_IN))
    b1 = jnp.zeros((D_HID,), dtype=jnp.float32)
    W2 = jax.random.normal(k4, (D_HID, D_OUT), dtype=jnp.float32) * (1.0 / np.sqrt(D_HID))
    b2 = jnp.zeros((D_OUT,), dtype=jnp.float32)
    return {"x": x, "edge_index": edge_index, "W1": W1, "b1": b1, "W2": W2, "b2": b2}


def reference(x, edge_index, W1, b1, W2, b2):
    num_nodes = x.shape[0]
    h = gcn_conv(x, edge_index, W1, b1, num_nodes)
    h = jax.nn.relu(h)
    # dropout(p=0.5) is identity at inference time
    out = gcn_conv(h, edge_index, W2, b2, num_nodes)
    return jax.nn.log_softmax(out, axis=1)

if __name__ == "__main__":
    import jax
    _d = setup_inputs()
    print(jax.jit(kernel)(*tuple(_d.values())))

</pallas_src>

<mosaic_0001>
#map = affine_map<(d0, d1) -> (0, 0)>
#map1 = affine_map<(d0, d1) -> (0, 0, 0)>
module attributes {stable_mosaic.version = 14 : i64} {
  func.func @scat_kernel(%arg0: i32, %arg1: i32, %arg2: memref<20000x32xf32, #tpu.memory_space<hbm>>, %arg3: memref<3200x100xi32, #tpu.memory_space<hbm>>, %arg4: memref<1600x100xi32, #tpu.memory_space<hbm>>, %arg5: memref<2x10000x32xf32, #tpu.memory_space<hbm>>, %arg6: memref<100x100xi32, #tpu.memory_space<vmem>>, %arg7: memref<100x100xi32, #tpu.memory_space<vmem>>, %arg8: memref<100x32xf32, #tpu.memory_space<vmem>>, %arg9: memref<100x32xf32, #tpu.memory_space<vmem>>, %arg10: memref<100x32xf32, #tpu.memory_space<vmem>>, %arg11: memref<100x32xf32, #tpu.memory_space<vmem>>, %arg12: memref<100x32xf32, #tpu.memory_space<vmem>>, %arg13: memref<100x32xf32, #tpu.memory_space<vmem>>, %arg14: memref<100x32xf32, #tpu.memory_space<vmem>>, %arg15: memref<100x32xf32, #tpu.memory_space<vmem>>, %arg16: memref<100x32xf32, #tpu.memory_space<vmem>>, %arg17: memref<100x32xf32, #tpu.memory_space<vmem>>, %arg18: memref<10000x32xf32, #tpu.memory_space<vmem_shared>>, %arg19: memref<!tpu.dma_semaphore, #tpu.memory_space<semaphore_mem>>, %arg20: memref<!tpu.dma_semaphore, #tpu.memory_space<semaphore_mem>>, %arg21: memref<!tpu.dma_semaphore, #tpu.memory_space<semaphore_mem>>, %arg22: memref<!tpu.dma_semaphore, #tpu.memory_space<semaphore_mem>>, %arg23: memref<!tpu.dma_semaphore, #tpu.memory_space<semaphore_mem>>, %arg24: memref<!tpu.dma_semaphore, #tpu.memory_space<semaphore_mem>>, %arg25: memref<!tpu.dma_semaphore, #tpu.memory_space<semaphore_mem>>, %arg26: memref<!tpu.dma_semaphore, #tpu.memory_space<semaphore_mem>>, %arg27: memref<!tpu.dma_semaphore, #tpu.memory_space<semaphore_mem>>, %arg28: memref<!tpu.dma_semaphore, #tpu.memory_space<semaphore_mem>>, %arg29: memref<!tpu.dma_semaphore, #tpu.memory_space<semaphore_mem>>, %arg30: memref<!tpu.dma_semaphore, #tpu.memory_space<semaphore_mem>>, %arg31: memref<!tpu.dma_semaphore, #tpu.memory_space<semaphore_mem>>, %arg32: memref<!tpu.dma_semaphore, #tpu.memory_space<semaphore_mem>>, %arg33: memref<!tpu.dma_semaphore, #tpu.memory_space<semaphore_mem>>, %arg34: memref<!tpu.dma_semaphore, #tpu.memory_space<semaphore_mem>>, %arg35: memref<!tpu.dma_semaphore, #tpu.memory_space<semaphore_mem>>, %arg36: memref<!tpu.dma_semaphore, #tpu.memory_space<semaphore_mem>>, %arg37: memref<!tpu.dma_semaphore, #tpu.memory_space<semaphore_mem>>, %arg38: memref<!tpu.dma_semaphore, #tpu.memory_space<semaphore_mem>>) attributes {dimension_semantics = [#tpu.dimension_semantics<core_parallel>, #tpu.dimension_semantics<subcore_parallel>], iteration_bounds = array<i64: 2, 16>, scalar_prefetch = 0 : i64, scratch_operands = 33 : i64, tpu.core_type = #tpu.core_type<sc_vector_subcore>, window_params = [{transform_indices = #map}, {transform_indices = #map}, {transform_indices = #map}, {transform_indices = #map1}]} {
    %mul3A = arith.constant 16 : i32
    %mul3A_0 = arith.muli %arg0, %mul3A : i32
    %add3A = arith.addi %mul3A_0, %arg1 : i32
    %mul3A_1 = arith.constant 100 : i32
    %mul3A_2 = arith.muli %add3A, %mul3A_1 : i32
    "tpu.region"() ({
      %run_scoped3A = tpu.sem_alloc : memref<!tpu.dma_semaphore, #tpu.memory_space<semaphore_mem>>
      %dma_start3A_158 = arith.constant 0 : i32
      %dma_start3A_159 = tpu.memref_slice %arg3[%mul3A_2, %dma_start3A_158] : memref<3200x100xi32, #tpu.memory_space<hbm>> -> memref<100x100xi32, #tpu.memory_space<hbm>>
      %dma_start3A_160 = arith.constant 0 : i32
      %dma_start3A_161 = tpu.memref_slice %arg3[%mul3A_2, %dma_start3A_160] : memref<3200x100xi32, #tpu.memory_space<hbm>> -> memref<100x100xi32, #tpu.memory_space<hbm>>
      tpu.enqueue_dma source(%dma_start3A_161 : memref<100x100xi32, #tpu.memory_space<hbm>>) target(%arg6 : memref<100x100xi32, #tpu.memory_space<vmem>>) target_semaphore(%run_scoped3A : memref<!tpu.dma_semaphore, #tpu.memory_space<semaphore_mem>>)
      %dma_wait3A_162 = arith.constant 0 : i32
      %dma_wait3A_163 = tpu.memref_slice %arg3[%mul3A_2, %dma_wait3A_162] : memref<3200x100xi32, #tpu.memory_space<hbm>> -> memref<100x100xi32, #tpu.memory_space<hbm>>
      %dma_wait3A_164 = arith.constant 0 : i32
      %dma_wait3A_165 = tpu.memref_slice %arg3[%mul3A_2, %dma_wait3A_164] : memref<3200x100xi32, #tpu.memory_space<hbm>> -> memref<100x100xi32, #tpu.memory_space<hbm>>
      tpu.wait_dma2 semaphore(%run_scoped3A : memref<!tpu.dma_semaphore, #tpu.memory_space<semaphore_mem>>) src(%dma_wait3A_165 : memref<100x100xi32, #tpu.memory_space<hbm>>) dst(%arg6 : memref<100x100xi32, #tpu.memory_space<vmem>>)
      tpu.yield
    }) : () -> ()
    %mul3A_3 = arith.constant 100 : i32
    %mul3A_4 = arith.muli %arg1, %mul3A_3 : i32
    "tpu.region"() ({
      %run_scoped3A = tpu.sem_alloc : memref<!tpu.dma_semaphore, #tpu.memory_space<semaphore_mem>>
      %dma_start3A_158 = arith.constant 0 : i32
      %dma_start3A_159 = tpu.memref_slice %arg4[%mul3A_4, %dma_start3A_158] : memref<1600x100xi32, #tpu.memory_space<hbm>> -> memref<100x100xi32, #tpu.memory_space<hbm>>
      %dma_start3A_160 = arith.constant 0 : i32
      %dma_start3A_161 = tpu.memref_slice %arg4[%mul3A_4, %dma_start3A_160] : memref<1600x100xi32, #tpu.memory_space<hbm>> -> memref<100x100xi32, #tpu.memory_space<hbm>>
      tpu.enqueue_dma source(%dma_start3A_161 : memref<100x100xi32, #tpu.memory_space<hbm>>) target(%arg7 : memref<100x100xi32, #tpu.memory_space<vmem>>) target_semaphore(%run_scoped3A : memref<!tpu.dma_semaphore, #tpu.memory_space<semaphore_mem>>)
      %dma_wait3A_162 = arith.constant 0 : i32
      %dma_wait3A_163 = tpu.memref_slice %arg4[%mul3A_4, %dma_wait3A_162] : memref<1600x100xi32, #tpu.memory_space<hbm>> -> memref<100x100xi32, #tpu.memory_space<hbm>>
      %dma_wait3A_164 = arith.constant 0 : i32
      %dma_wait3A_165 = tpu.memref_slice %arg4[%mul3A_4, %dma_wait3A_164] : memref<1600x100xi32, #tpu.memory_space<hbm>> -> memref<100x100xi32, #tpu.memory_space<hbm>>
      tpu.wait_dma2 semaphore(%run_scoped3A : memref<!tpu.dma_semaphore, #tpu.memory_space<semaphore_mem>>) src(%dma_wait3A_165 : memref<100x100xi32, #tpu.memory_space<hbm>>) dst(%arg7 : memref<100x100xi32, #tpu.memory_space<vmem>>)
      tpu.yield
    }) : () -> ()
    %dma_start3A = arith.constant 0 : i32
    %dma_start3A_5 = arith.constant 0 : i32
    %dma_start3A_6 = tpu.memref_slice %arg6[%dma_start3A, %dma_start3A_5] : memref<100x100xi32, #tpu.memory_space<vmem>> -> memref<1x100xi32, #tpu.memory_space<vmem>>
    %dma_start3A_7 = tpu.memref_squeeze %dma_start3A_6 : memref<1x100xi32, #tpu.memory_space<vmem>> -> memref<100xi32, #tpu.memory_space<vmem>>
    %dma_start3A_8 = arith.constant 0 : i32
    %dma_start3A_9 = arith.constant 0 : i32
    %dma_start3A_10 = tpu.memref_slice %arg2[%dma_start3A_8, %dma_start3A_9] : memref<20000x32xf32, #tpu.memory_space<hbm>> -> memref<20000x32xf32, #tpu.memory_space<hbm>>
    tpu.enqueue_indirect_dma source(%dma_start3A_10 : memref<20000x32xf32, #tpu.memory_space<hbm>>) target(%arg8 : memref<100x32xf32, #tpu.memory_space<vmem>>) offsets(%dma_start3A_7 : memref<100xi32, #tpu.memory_space<vmem>>) semaphore(%arg19 : memref<!tpu.dma_semaphore, #tpu.memory_space<semaphore_mem>>)
    %dma_start3A_11 = arith.constant 1 : i32
    %dma_start3A_12 = arith.constant 0 : i32
    %dma_start3A_13 = tpu.memref_slice %arg6[%dma_start3A_11, %dma_start3A_12] : memref<100x100xi32, #tpu.memory_space<vmem>> -> memref<1x100xi32, #tpu.memory_space<vmem>>
    %dma_start3A_14 = tpu.memref_squeeze %dma_start3A_13 : memref<1x100xi32, #tpu.memory_space<vmem>> -> memref<100xi32, #tpu.memory_space<vmem>>
    %dma_start3A_15 = arith.constant 0 : i32
    %dma_start3A_16 = arith.constant 0 : i32
    %dma_start3A_17 = tpu.memref_slice %arg2[%dma_start3A_15, %dma_start3A_16] : memref<20000x32xf32, #tpu.memory_space<hbm>> -> memref<20000x32xf32, #tpu.memory_space<hbm>>
    tpu.enqueue_indirect_dma source(%dma_start3A_17 : memref<20000x32xf32, #tpu.memory_space<hbm>>) target(%arg9 : memref<100x32xf32, #tpu.memory_space<vmem>>) offsets(%dma_start3A_14 : memref<100xi32, #tpu.memory_space<vmem>>) semaphore(%arg20 : memref<!tpu.dma_semaphore, #tpu.memory_space<semaphore_mem>>)
    %dma_start3A_18 = arith.constant 2 : i32
    %dma_start3A_19 = arith.constant 0 : i32
    %dma_start3A_20 = tpu.memref_slice %arg6[%dma_start3A_18, %dma_start3A_19] : memref<100x100xi32, #tpu.memory_space<vmem>> -> memref<1x100xi32, #tpu.memory_space<vmem>>
    %dma_start3A_21 = tpu.memref_squeeze %dma_start3A_20 : memref<1x100xi32, #tpu.memory_space<vmem>> -> memref<100xi32, #tpu.memory_space<vmem>>
    %dma_start3A_22 = arith.constant 0 : i32
    %dma_start3A_23 = arith.constant 0 : i32
    %dma_start3A_24 = tpu.memref_slice %arg2[%dma_start3A_22, %dma_start3A_23] : memref<20000x32xf32, #tpu.memory_space<hbm>> -> memref<20000x32xf32, #tpu.memory_space<hbm>>
    tpu.enqueue_indirect_dma source(%dma_start3A_24 : memref<20000x32xf32, #tpu.memory_space<hbm>>) target(%arg10 : memref<100x32xf32, #tpu.memory_space<vmem>>) offsets(%dma_start3A_21 : memref<100xi32, #tpu.memory_space<vmem>>) semaphore(%arg21 : memref<!tpu.dma_semaphore, #tpu.memory_space<semaphore_mem>>)
    %dma_start3A_25 = arith.constant 3 : i32
    %dma_start3A_26 = arith.constant 0 : i32
    %dma_start3A_27 = tpu.memref_slice %arg6[%dma_start3A_25, %dma_start3A_26] : memref<100x100xi32, #tpu.memory_space<vmem>> -> memref<1x100xi32, #tpu.memory_space<vmem>>
    %dma_start3A_28 = tpu.memref_squeeze %dma_start3A_27 : memref<1x100xi32, #tpu.memory_space<vmem>> -> memref<100xi32, #tpu.memory_space<vmem>>
    %dma_start3A_29 = arith.constant 0 : i32
    %dma_start3A_30 = arith.constant 0 : i32
    %dma_start3A_31 = tpu.memref_slice %arg2[%dma_start3A_29, %dma_start3A_30] : memref<20000x32xf32, #tpu.memory_space<hbm>> -> memref<20000x32xf32, #tpu.memory_space<hbm>>
    tpu.enqueue_indirect_dma source(%dma_start3A_31 : memref<20000x32xf32, #tpu.memory_space<hbm>>) target(%arg11 : memref<100x32xf32, #tpu.memory_space<vmem>>) offsets(%dma_start3A_28 : memref<100xi32, #tpu.memory_space<vmem>>) semaphore(%arg22 : memref<!tpu.dma_semaphore, #tpu.memory_space<semaphore_mem>>)
    %dma_start3A_32 = arith.constant 4 : i32
    %dma_start3A_33 = arith.constant 0 : i32
    %dma_start3A_34 = tpu.memref_slice %arg6[%dma_start3A_32, %dma_start3A_33] : memref<100x100xi32, #tpu.memory_space<vmem>> -> memref<1x100xi32, #tpu.memory_space<vmem>>
    %dma_start3A_35 = tpu.memref_squeeze %dma_start3A_34 : memref<1x100xi32, #tpu.memory_space<vmem>> -> memref<100xi32, #tpu.memory_space<vmem>>
    %dma_start3A_36 = arith.constant 0 : i32
    %dma_start3A_37 = arith.constant 0 : i32
    %dma_start3A_38 = tpu.memref_slice %arg2[%dma_start3A_36, %dma_start3A_37] : memref<20000x32xf32, #tpu.memory_space<hbm>> -> memref<20000x32xf32, #tpu.memory_space<hbm>>
    tpu.enqueue_indirect_dma source(%dma_start3A_38 : memref<20000x32xf32, #tpu.memory_space<hbm>>) target(%arg12 : memref<100x32xf32, #tpu.memory_space<vmem>>) offsets(%dma_start3A_35 : memref<100xi32, #tpu.memory_space<vmem>>) semaphore(%arg23 : memref<!tpu.dma_semaphore, #tpu.memory_space<semaphore_mem>>)
    %dma_start3A_39 = arith.constant 5 : i32
    %dma_start3A_40 = arith.constant 0 : i32
    %dma_start3A_41 = tpu.memref_slice %arg6[%dma_start3A_39, %dma_start3A_40] : memref<100x100xi32, #tpu.memory_space<vmem>> -> memref<1x100xi32, #tpu.memory_space<vmem>>
    %dma_start3A_42 = tpu.memref_squeeze %dma_start3A_41 : memref<1x100xi32, #tpu.memory_space<vmem>> -> memref<100xi32, #tpu.memory_space<vmem>>
    %dma_start3A_43 = arith.constant 0 : i32
    %dma_start3A_44 = arith.constant 0 : i32
    %dma_start3A_45 = tpu.memref_slice %arg2[%dma_start3A_43, %dma_start3A_44] : memref<20000x32xf32, #tpu.memory_space<hbm>> -> memref<20000x32xf32, #tpu.memory_space<hbm>>
    tpu.enqueue_indirect_dma source(%dma_start3A_45 : memref<20000x32xf32, #tpu.memory_space<hbm>>) target(%arg13 : memref<100x32xf32, #tpu.memory_space<vmem>>) offsets(%dma_start3A_42 : memref<100xi32, #tpu.memory_space<vmem>>) semaphore(%arg24 : memref<!tpu.dma_semaphore, #tpu.memory_space<semaphore_mem>>)
    %dma_start3A_46 = arith.constant 6 : i32
    %dma_start3A_47 = arith.constant 0 : i32
    %dma_start3A_48 = tpu.memref_slice %arg6[%dma_start3A_46, %dma_start3A_47] : memref<100x100xi32, #tpu.memory_space<vmem>> -> memref<1x100xi32, #tpu.memory_space<vmem>>
    %dma_start3A_49 = tpu.memref_squeeze %dma_start3A_48 : memref<1x100xi32, #tpu.memory_space<vmem>> -> memref<100xi32, #tpu.memory_space<vmem>>
    %dma_start3A_50 = arith.constant 0 : i32
    %dma_start3A_51 = arith.constant 0 : i32
    %dma_start3A_52 = tpu.memref_slice %arg2[%dma_start3A_50, %dma_start3A_51] : memref<20000x32xf32, #tpu.memory_space<hbm>> -> memref<20000x32xf32, #tpu.memory_space<hbm>>
    tpu.enqueue_indirect_dma source(%dma_start3A_52 : memref<20000x32xf32, #tpu.memory_space<hbm>>) target(%arg14 : memref<100x32xf32, #tpu.memory_space<vmem>>) offsets(%dma_start3A_49 : memref<100xi32, #tpu.memory_space<vmem>>) semaphore(%arg25 : memref<!tpu.dma_semaphore, #tpu.memory_space<semaphore_mem>>)
    %dma_start3A_53 = arith.constant 7 : i32
    %dma_start3A_54 = arith.constant 0 : i32
    %dma_start3A_55 = tpu.memref_slice %arg6[%dma_start3A_53, %dma_start3A_54] : memref<100x100xi32, #tpu.memory_space<vmem>> -> memref<1x100xi32, #tpu.memory_space<vmem>>
    %dma_start3A_56 = tpu.memref_squeeze %dma_start3A_55 : memref<1x100xi32, #tpu.memory_space<vmem>> -> memref<100xi32, #tpu.memory_space<vmem>>
    %dma_start3A_57 = arith.constant 0 : i32
    %dma_start3A_58 = arith.constant 0 : i32
    %dma_start3A_59 = tpu.memref_slice %arg2[%dma_start3A_57, %dma_start3A_58] : memref<20000x32xf32, #tpu.memory_space<hbm>> -> memref<20000x32xf32, #tpu.memory_space<hbm>>
    tpu.enqueue_indirect_dma source(%dma_start3A_59 : memref<20000x32xf32, #tpu.memory_space<hbm>>) target(%arg15 : memref<100x32xf32, #tpu.memory_space<vmem>>) offsets(%dma_start3A_56 : memref<100xi32, #tpu.memory_space<vmem>>) semaphore(%arg26 : memref<!tpu.dma_semaphore, #tpu.memory_space<semaphore_mem>>)
    %dma_start3A_60 = arith.constant 8 : i32
    %dma_start3A_61 = arith.constant 0 : i32
    %dma_start3A_62 = tpu.memref_slice %arg6[%dma_start3A_60, %dma_start3A_61] : memref<100x100xi32, #tpu.memory_space<vmem>> -> memref<1x100xi32, #tpu.memory_space<vmem>>
    %dma_start3A_63 = tpu.memref_squeeze %dma_start3A_62 : memref<1x100xi32, #tpu.memory_space<vmem>> -> memref<100xi32, #tpu.memory_space<vmem>>
    %dma_start3A_64 = arith.constant 0 : i32
    %dma_start3A_65 = arith.constant 0 : i32
    %dma_start3A_66 = tpu.memref_slice %arg2[%dma_start3A_64, %dma_start3A_65] : memref<20000x32xf32, #tpu.memory_space<hbm>> -> memref<20000x32xf32, #tpu.memory_space<hbm>>
    tpu.enqueue_indirect_dma source(%dma_start3A_66 : memref<20000x32xf32, #tpu.memory_space<hbm>>) target(%arg16 : memref<100x32xf32, #tpu.memory_space<vmem>>) offsets(%dma_start3A_63 : memref<100xi32, #tpu.memory_space<vmem>>) semaphore(%arg27 : memref<!tpu.dma_semaphore, #tpu.memory_space<semaphore_mem>>)
    %lt3A = arith.constant 15 : i32
    %lt3A_67 = arith.cmpi slt, %arg1, %lt3A : i32
    %convert_element_type3A = arith.extui %lt3A_67 : i1 to i32
    %cond3A = arith.constant 0 : i32
    %cond3A_68 = arith.cmpi ne, %convert_element_type3A, %cond3A : i32
    scf.if %cond3A_68 {
      %mul3A_158 = arith.constant 624 : i32
      %mul3A_159 = arith.muli %arg1, %mul3A_158 : i32
      %multiple_of3A = tpu.assume_multiple %mul3A_159, 8 : i32
      %mul3A_160 = arith.constant 10000 : i32
      %mul3A_161 = arith.muli %arg0, %mul3A_160 : i32
      %add3A_162 = arith.addi %mul3A_161, %multiple_of3A : i32
      "tpu.region"() ({
        %run_scoped3A = tpu.sem_alloc : memref<!tpu.dma_semaphore, #tpu.memory_space<semaphore_mem>>
        %dma_start3A_163 = arith.constant 0 : i32
        %dma_start3A_164 = tpu.memref_slice %arg18[%multiple_of3A, %dma_start3A_163] : memref<10000x32xf32, #tpu.memory_space<vmem_shared>> -> memref<624x32xf32, #tpu.memory_space<vmem_shared>>
        %dma_start3A_165 = arith.constant 0 : i32
        %dma_start3A_166 = tpu.memref_slice %arg2[%add3A_162, %dma_start3A_165] : memref<20000x32xf32, #tpu.memory_space<hbm>> -> memref<624x32xf32, #tpu.memory_space<hbm>>
        tpu.enqueue_dma source(%dma_start3A_166 : memref<624x32xf32, #tpu.memory_space<hbm>>) target(%dma_start3A_164 : memref<624x32xf32, #tpu.memory_space<vmem_shared>>) target_semaphore(%run_scoped3A : memref<!tpu.dma_semaphore, #tpu.memory_space<semaphore_mem>>)
        %dma_wait3A_167 = arith.constant 0 : i32
        %dma_wait3A_168 = tpu.memref_slice %arg18[%multiple_of3A, %dma_wait3A_167] : memref<10000x32xf32, #tpu.memory_space<vmem_shared>> -> memref<624x32xf32, #tpu.memory_space<vmem_shared>>
        %dma_wait3A_169 = arith.constant 0 : i32
        %dma_wait3A_170 = tpu.memref_slice %arg2[%add3A_162, %dma_wait3A_169] : memref<20000x32xf32, #tpu.memory_space<hbm>> -> memref<624x32xf32, #tpu.memory_space<hbm>>
        tpu.wait_dma2 semaphore(%run_scoped3A : memref<!tpu.dma_semaphore, #tpu.memory_space<semaphore_mem>>) src(%dma_wait3A_170 : memref<624x32xf32, #tpu.memory_space<hbm>>) dst(%dma_wait3A_168 : memref<624x32xf32, #tpu.memory_space<vmem_shared>>)
        tpu.yield
      }) : () -> ()
    } else {
    }
    %eq3A = arith.constant 15 : i32
    %eq3A_69 = arith.cmpi eq, %arg1, %eq3A : i32
    %convert_element_type3A_70 = arith.extui %eq3A_69 : i1 to i32
    %cond3A_71 = arith.constant 0 : i32
    %cond3A_72 = arith.cmpi ne, %convert_element_type3A_70, %cond3A_71 : i32
    scf.if %cond3A_72 {
      %mul3A_158 = arith.constant 10000 : i32
      %mul3A_159 = arith.muli %arg0, %mul3A_158 : i32
      %add3A_160 = arith.constant 9360 : i32
      %add3A_161 = arith.addi %mul3A_159, %add3A_160 : i32
      "tpu.region"() ({
        %run_scoped3A = tpu.sem_alloc : memref<!tpu.dma_semaphore, #tpu.memory_space<semaphore_mem>>
        %dma_start3A_162 = arith.constant 9360 : i32
        %dma_start3A_163 = arith.constant 0 : i32
        %dma_start3A_164 = tpu.memref_slice %arg18[%dma_start3A_162, %dma_start3A_163] : memref<10000x32xf32, #tpu.memory_space<vmem_shared>> -> memref<640x32xf32, #tpu.memory_space<vmem_shared>>
        %dma_start3A_165 = arith.constant 0 : i32
        %dma_start3A_166 = tpu.memref_slice %arg2[%add3A_161, %dma_start3A_165] : memref<20000x32xf32, #tpu.memory_space<hbm>> -> memref<640x32xf32, #tpu.memory_space<hbm>>
        tpu.enqueue_dma source(%dma_start3A_166 : memref<640x32xf32, #tpu.memory_space<hbm>>) target(%dma_start3A_164 : memref<640x32xf32, #tpu.memory_space<vmem_shared>>) target_semaphore(%run_scoped3A : memref<!tpu.dma_semaphore, #tpu.memory_space<semaphore_mem>>)
        %dma_wait3A_167 = arith.constant 9360 : i32
        %dma_wait3A_168 = arith.constant 0 : i32
        %dma_wait3A_169 = tpu.memref_slice %arg18[%dma_wait3A_167, %dma_wait3A_168] : memref<10000x32xf32, #tpu.memory_space<vmem_shared>> -> memref<640x32xf32, #tpu.memory_space<vmem_shared>>
        %dma_wait3A_170 = arith.constant 0 : i32
        %dma_wait3A_171 = tpu.memref_slice %arg2[%add3A_161, %dma_wait3A_170] : memref<20000x32xf32, #tpu.memory_space<hbm>> -> memref<640x32xf32, #tpu.memory_space<hbm>>
        tpu.wait_dma2 semaphore(%run_scoped3A : memref<!tpu.dma_semaphore, #tpu.memory_space<semaphore_mem>>) src(%dma_wait3A_171 : memref<640x32xf32, #tpu.memory_space<hbm>>) dst(%dma_wait3A_169 : memref<640x32xf32, #tpu.memory_space<vmem_shared>>)
        tpu.yield
      }) : () -> ()
    } else {
    }
    %barrier3A = arith.constant 0 : index
    tpu.barrier barrier_id(%barrier3A)
    %scan3A = arith.constant 0 : i32
    %scan3A_73 = arith.constant 0 : i32
    %scan3A_74 = arith.constant 10 : i32
    %scan3A_75 = arith.addi %scan3A_73, %scan3A_74 : i32
    %scan3A_76 = arith.constant 1 : i32
    scf.for %scan3A_158 = %scan3A_73 to %scan3A_75 step %scan3A_76  : i32 {
      %mul3A_159 = arith.constant 10 : i32
      %mul3A_160 = arith.muli %mul3A_159, %scan3A_158 : i32
      %add3A_161 = arith.constant 0 : i32
      %add3A_162 = arith.addi %mul3A_160, %add3A_161 : i32
      %dma_wait3A_163 = arith.constant 0 : i32
      %dma_wait3A_164 = tpu.memref_slice %arg6[%add3A_162, %dma_wait3A_163] : memref<100x100xi32, #tpu.memory_space<vmem>> -> memref<1x100xi32, #tpu.memory_space<vmem>>
      %dma_wait3A_165 = tpu.memref_squeeze %dma_wait3A_164 : memref<1x100xi32, #tpu.memory_space<vmem>> -> memref<100xi32, #tpu.memory_space<vmem>>
      %dma_wait3A_166 = arith.constant 0 : i32
      %dma_wait3A_167 = arith.constant 0 : i32
      %dma_wait3A_168 = tpu.memref_slice %arg2[%dma_wait3A_166, %dma_wait3A_167] : memref<20000x32xf32, #tpu.memory_space<hbm>> -> memref<20000x32xf32, #tpu.memory_space<hbm>>
      tpu.wait_indirect_dma semaphore(%arg19 : memref<!tpu.dma_semaphore, #tpu.memory_space<semaphore_mem>>) src(%dma_wait3A_168 : memref<20000x32xf32, #tpu.memory_space<hbm>>) dst(%arg8 : memref<100x32xf32, #tpu.memory_space<vmem>>)
      %dma_start3A_169 = arith.constant 0 : i32
      %dma_start3A_170 = tpu.memref_slice %arg7[%add3A_162, %dma_start3A_169] : memref<100x100xi32, #tpu.memory_space<vmem>> -> memref<1x100xi32, #tpu.memory_space<vmem>>
      %dma_start3A_171 = tpu.memref_squeeze %dma_start3A_170 : memref<1x100xi32, #tpu.memory_space<vmem>> -> memref<100xi32, #tpu.memory_space<vmem>>
      %dma_start3A_172 = arith.constant 0 : i32
      %dma_start3A_173 = arith.constant 0 : i32
      %dma_start3A_174 = tpu.memref_slice %arg18[%dma_start3A_172, %dma_start3A_173] : memref<10000x32xf32, #tpu.memory_space<vmem_shared>> -> memref<10000x32xf32, #tpu.memory_space<vmem_shared>>
      tpu.enqueue_indirect_dma source(%arg8 : memref<100x32xf32, #tpu.memory_space<vmem>>) target(%dma_start3A_174 : memref<10000x32xf32, #tpu.memory_space<vmem_shared>>) offsets(%dma_start3A_171 : memref<100xi32, #tpu.memory_space<vmem>>) semaphore(%arg29 : memref<!tpu.dma_semaphore, #tpu.memory_space<semaphore_mem>>) {add = true}
      %gt3A = arith.constant 0 : i32
      %gt3A_175 = arith.cmpi sgt, %scan3A_158, %gt3A : i32
      %convert_element_type3A_176 = arith.extui %gt3A_175 : i1 to i32
      %cond3A_177 = arith.constant 0 : i32
      %cond3A_178 = arith.cmpi ne, %convert_element_type3A_176, %cond3A_177 : i32
      scf.if %cond3A_178 {
        %sub3A_395 = arith.constant 1 : i32
        %sub3A_396 = arith.subi %add3A_162, %sub3A_395 : i32
        %dma_wait3A_397 = arith.constant 0 : i32
        %dma_wait3A_398 = tpu.memref_slice %arg7[%sub3A_396, %dma_wait3A_397] : memref<100x100xi32, #tpu.memory_space<vmem>> -> memref<1x100xi32, #tpu.memory_space<vmem>>
        %dma_wait3A_399 = tpu.memref_squeeze %dma_wait3A_398 : memref<1x100xi32, #tpu.memory_space<vmem>> -> memref<100xi32, #tpu.memory_space<vmem>>
        %dma_wait3A_400 = arith.constant 0 : i32
        %dma_wait3A_401 = arith.constant 0 : i32
        %dma_wait3A_402 = tpu.memref_slice %arg18[%dma_wait3A_400, %dma_wait3A_401] : memref<10000x32xf32, #tpu.memory_space<vmem_shared>> -> memref<10000x32xf32, #tpu.memory_space<vmem_shared>>
        tpu.wait_indirect_dma semaphore(%arg38 : memref<!tpu.dma_semaphore, #tpu.memory_space<semaphore_mem>>) src(%arg17 : memref<100x32xf32, #tpu.memory_space<vmem>>) dst(%dma_wait3A_402 : memref<10000x32xf32, #tpu.memory_space<vmem_shared>>)
      } else {
      }
      %add3A_179 = arith.constant 10 : i32
      %add3A_180 = arith.addi %add3A_162, %add3A_179 : i32
      %sub3A = arith.constant 1 : i32
      %sub3A_181 = arith.subi %add3A_180, %sub3A : i32
      %dma_start3A_182 = arith.constant 0 : i32
      %dma_start3A_183 = tpu.memref_slice %arg6[%sub3A_181, %dma_start3A_182] : memref<100x100xi32, #tpu.memory_space<vmem>> -> memref<1x100xi32, #tpu.memory_space<vmem>>
      %dma_start3A_184 = tpu.memref_squeeze %dma_start3A_183 : memref<1x100xi32, #tpu.memory_space<vmem>> -> memref<100xi32, #tpu.memory_space<vmem>>
      %dma_start3A_185 = arith.constant 0 : i32
      %dma_start3A_186 = arith.constant 0 : i32
      %dma_start3A_187 = tpu.memref_slice %arg2[%dma_start3A_185, %dma_start3A_186] : memref<20000x32xf32, #tpu.memory_space<hbm>> -> memref<20000x32xf32, #tpu.memory_space<hbm>>
      tpu.enqueue_indirect_dma source(%dma_start3A_187 : memref<20000x32xf32, #tpu.memory_space<hbm>>) target(%arg17 : memref<100x32xf32, #tpu.memory_space<vmem>>) offsets(%dma_start3A_184 : memref<100xi32, #tpu.memory_space<vmem>>) semaphore(%arg28 : memref<!tpu.dma_semaphore, #tpu.memory_space<semaphore_mem>>)
      %mul3A_188 = arith.constant 10 : i32
      %mul3A_189 = arith.muli %mul3A_188, %scan3A_158 : i32
      %add3A_190 = arith.constant 1 : i32
      %add3A_191 = arith.addi %mul3A_189, %add3A_190 : i32
      %dma_wait3A_192 = arith.constant 0 : i32
      %dma_wait3A_193 = tpu.memref_slice %arg6[%add3A_191, %dma_wait3A_192] : memref<100x100xi32, #tpu.memory_space<vmem>> -> memref<1x100xi32, #tpu.memory_space<vmem>>
      %dma_wait3A_194 = tpu.memref_squeeze %dma_wait3A_193 : memref<1x100xi32, #tpu.memory_space<vmem>> -> memref<100xi32, #tpu.memory_space<vmem>>
      %dma_wait3A_195 = arith.constant 0 : i32
      %dma_wait3A_196 = arith.constant 0 : i32
      %dma_wait3A_197 = tpu.memref_slice %arg2[%dma_wait3A_195, %dma_wait3A_196] : memref<20000x32xf32, #tpu.memory_space<hbm>> -> memref<20000x32xf32, #tpu.memory_space<hbm>>
      tpu.wait_indirect_dma semaphore(%arg20 : memref<!tpu.dma_semaphore, #tpu.memory_space<semaphore_mem>>) src(%dma_wait3A_197 : memref<20000x32xf32, #tpu.memory_space<hbm>>) dst(%arg9 : memref<100x32xf32, #tpu.memory_space<vmem>>)
      %dma_start3A_198 = arith.constant 0 : i32
      %dma_start3A_199 = tpu.memref_slice %arg7[%add3A_191, %dma_start3A_198] : memref<100x100xi32, #tpu.memory_space<vmem>> -> memref<1x100xi32, #tpu.memory_space<vmem>>
      %dma_start3A_200 = tpu.memref_squeeze %dma_start3A_199 : memref<1x100xi32, #tpu.memory_space<vmem>> -> memref<100xi32, #tpu.memory_space<vmem>>
      %dma_start3A_201 = arith.constant 0 : i32
      %dma_start3A_202 = arith.constant 0 : i32
      %dma_start3A_203 = tpu.memref_slice %arg18[%dma_start3A_201, %dma_start3A_202] : memref<10000x32xf32, #tpu.memory_space<vmem_shared>> -> memref<10000x32xf32, #tpu.memory_space<vmem_shared>>
      tpu.enqueue_indirect_dma source(%arg9 : memref<100x32xf32, #tpu.memory_space<vmem>>) target(%dma_start3A_203 : memref<10000x32xf32, #tpu.memory_space<vmem_shared>>) offsets(%dma_start3A_200 : memref<100xi32, #tpu.memory_space<vmem>>) semaphore(%arg30 : memref<!tpu.dma_semaphore, #tpu.memory_space<semaphore_mem>>) {add = true}
      %add3A_204 = arith.constant 1 : i32
      %add3A_205 = arith.addi %scan3A_158, %add3A_204 : i32
      %lt3A_206 = arith.constant 10 : i32
      %lt3A_207 = arith.cmpi slt, %add3A_205, %lt3A_206 : i32
      %convert_element_type3A_208 = arith.extui %lt3A_207 : i1 to i32
      %cond3A_209 = arith.constant 0 : i32
      %cond3A_210 = arith.cmpi ne, %convert_element_type3A_208, %cond3A_209 : i32
      scf.if %cond3A_210 {
        %sub3A_395 = arith.constant 1 : i32
        %sub3A_396 = arith.subi %add3A_191, %sub3A_395 : i32
        %dma_wait3A_397 = arith.constant 0 : i32
        %dma_wait3A_398 = tpu.memref_slice %arg7[%sub3A_396, %dma_wait3A_397] : memref<100x100xi32, #tpu.memory_space<vmem>> -> memref<1x100xi32, #tpu.memory_space<vmem>>
        %dma_wait3A_399 = tpu.memref_squeeze %dma_wait3A_398 : memref<1x100xi32, #tpu.memory_space<vmem>> -> memref<100xi32, #tpu.memory_space<vmem>>
        %dma_wait3A_400 = arith.constant 0 : i32
        %dma_wait3A_401 = arith.constant 0 : i32
        %dma_wait3A_402 = tpu.memref_slice %arg18[%dma_wait3A_400, %dma_wait3A_401] : memref<10000x32xf32, #tpu.memory_space<vmem_shared>> -> memref<10000x32xf32, #tpu.memory_space<vmem_shared>>
        tpu.wait_indirect_dma semaphore(%arg29 : memref<!tpu.dma_semaphore, #tpu.memory_space<semaphore_mem>>) src(%arg8 : memref<100x32xf32, #tpu.memory_space<vmem>>) dst(%dma_wait3A_402 : memref<10000x32xf32, #tpu.memory_space<vmem_shared>>)
        %add3A_403 = arith.constant 10 : i32
        %add3A_404 = arith.addi %add3A_191, %add3A_403 : i32
        %sub3A_405 = arith.constant 1 : i32
        %sub3A_406 = arith.subi %add3A_404, %sub3A_405 : i32
        %dma_start3A_407 = arith.constant 0 : i32
        %dma_start3A_408 = tpu.memref_slice %arg6[%sub3A_406, %dma_start3A_407] : memref<100x100xi32, #tpu.memory_space<vmem>> -> memref<1x100xi32, #tpu.memory_space<vmem>>
        %dma_start3A_409 = tpu.memref_squeeze %dma_start3A_408 : memref<1x100xi32, #tpu.memory_space<vmem>> -> memref<100xi32, #tpu.memory_space<vmem>>
        %dma_start3A_410 = arith.constant 0 : i32
        %dma_start3A_411 = arith.constant 0 : i32
        %dma_start3A_412 = tpu.memref_slice %arg2[%dma_start3A_410, %dma_start3A_411] : memref<20000x32xf32, #tpu.memory_space<hbm>> -> memref<20000x32xf32, #tpu.memory_space<hbm>>
        tpu.enqueue_indirect_dma source(%dma_start3A_412 : memref<20000x32xf32, #tpu.memory_space<hbm>>) target(%arg8 : memref<100x32xf32, #tpu.memory_space<vmem>>) offsets(%dma_start3A_409 : memref<100xi32, #tpu.memory_space<vmem>>) semaphore(%arg19 : memref<!tpu.dma_semaphore, #tpu.memory_space<semaphore_mem>>)
      } else {
      }
      %mul3A_211 = arith.constant 10 : i32
      %mul3A_212 = arith.muli %mul3A_211, %scan3A_158 : i32
      %add3A_213 = arith.constant 2 : i32
      %add3A_214 = arith.addi %mul3A_212, %add3A_213 : i32
      %dma_wait3A_215 = arith.constant 0 : i32
      %dma_wait3A_216 = tpu.memref_slice %arg6[%add3A_214, %dma_wait3A_215] : memref<100x100xi32, #tpu.memory_space<vmem>> -> memref<1x100xi32, #tpu.memory_space<vmem>>
      %dma_wait3A_217 = tpu.memref_squeeze %dma_wait3A_216 : memref<1x100xi32, #tpu.memory_space<vmem>> -> memref<100xi32, #tpu.memory_space<vmem>>
      %dma_wait3A_218 = arith.constant 0 : i32
      %dma_wait3A_219 = arith.constant 0 : i32
      %dma_wait3A_220 = tpu.memref_slice %arg2[%dma_wait3A_218, %dma_wait3A_219] : memref<20000x32xf32, #tpu.memory_space<hbm>> -> memref<20000x32xf32, #tpu.memory_space<hbm>>
      tpu.wait_indirect_dma semaphore(%arg21 : memref<!tpu.dma_semaphore, #tpu.memory_space<semaphore_mem>>) src(%dma_wait3A_220 : memref<20000x32xf32, #tpu.memory_space<hbm>>) dst(%arg10 : memref<100x32xf32, #tpu.memory_space<vmem>>)
      %dma_start3A_221 = arith.constant 0 : i32
      %dma_start3A_222 = tpu.memref_slice %arg7[%add3A_214, %dma_start3A_221] : memref<100x100xi32, #tpu.memory_space<vmem>> -> memref<1x100xi32, #tpu.memory_space<vmem>>
      %dma_start3A_223 = tpu.memref_squeeze %dma_start3A_222 : memref<1x100xi32, #tpu.memory_space<vmem>> -> memref<100xi32, #tpu.memory_space<vmem>>
      %dma_start3A_224 = arith.constant 0 : i32
      %dma_start3A_225 = arith.constant 0 : i32
      %dma_start3A_226 = tpu.memref_slice %arg18[%dma_start3A_224, %dma_start3A_225] : memref<10000x32xf32, #tpu.memory_space<vmem_shared>> -> memref<10000x32xf32, #tpu.memory_space<vmem_shared>>
      tpu.enqueue_indirect_dma source(%arg10 : memref<100x32xf32, #tpu.memory_space<vmem>>) target(%dma_start3A_226 : memref<10000x32xf32, #tpu.memory_space<vmem_shared>>) offsets(%dma_start3A_223 : memref<100xi32, #tpu.memory_space<vmem>>) semaphore(%arg31 : memref<!tpu.dma_semaphore, #tpu.memory_space<semaphore_mem>>) {add = true}
      %add3A_227 = arith.constant 1 : i32
      %add3A_228 = arith.addi %scan3A_158, %add3A_227 : i32
      %lt3A_229 = arith.constant 10 : i32
      %lt3A_230 = arith.cmpi slt, %add3A_228, %lt3A_229 : i32
      %convert_element_type3A_231 = arith.extui %lt3A_230 : i1 to i32
      %cond3A_232 = arith.constant 0 : i32
      %cond3A_233 = arith.cmpi ne, %convert_element_type3A_231, %cond3A_232 : i32
      scf.if %cond3A_233 {
        %sub3A_395 = arith.constant 1 : i32
        %sub3A_396 = arith.subi %add3A_214, %sub3A_395 : i32
        %dma_wait3A_397 = arith.constant 0 : i32
        %dma_wait3A_398 = tpu.memref_slice %arg7[%sub3A_396, %dma_wait3A_397] : memref<100x100xi32, #tpu.memory_space<vmem>> -> memref<1x100xi32, #tpu.memory_space<vmem>>
        %dma_wait3A_399 = tpu.memref_squeeze %dma_wait3A_398 : memref<1x100xi32, #tpu.memory_space<vmem>> -> memref<100xi32, #tpu.memory_space<vmem>>
        %dma_wait3A_400 = arith.constant 0 : i32
        %dma_wait3A_401 = arith.constant 0 : i32
        %dma_wait3A_402 = tpu.memref_slice %arg18[%dma_wait3A_400, %dma_wait3A_401] : memref<10000x32xf32, #tpu.memory_space<vmem_shared>> -> memref<10000x32xf32, #tpu.memory_space<vmem_shared>>
        tpu.wait_indirect_dma semaphore(%arg30 : memref<!tpu.dma_semaphore, #tpu.memory_space<semaphore_mem>>) src(%arg9 : memref<100x32xf32, #tpu.memory_space<vmem>>) dst(%dma_wait3A_402 : memref<10000x32xf32, #tpu.memory_space<vmem_shared>>)
        %add3A_403 = arith.constant 10 : i32
        %add3A_404 = arith.addi %add3A_214, %add3A_403 : i32
        %sub3A_405 = arith.constant 1 : i32
        %sub3A_406 = arith.subi %add3A_404, %sub3A_405 : i32
        %dma_start3A_407 = arith.constant 0 : i32
        %dma_start3A_408 = tpu.memref_slice %arg6[%sub3A_406, %dma_start3A_407] : memref<100x100xi32, #tpu.memory_space<vmem>> -> memref<1x100xi32, #tpu.memory_space<vmem>>
        %dma_start3A_409 = tpu.memref_squeeze %dma_start3A_408 : memref<1x100xi32, #tpu.memory_space<vmem>> -> memref<100xi32, #tpu.memory_space<vmem>>
        %dma_start3A_410 = arith.constant 0 : i32
        %dma_start3A_411 = arith.constant 0 : i32
        %dma_start3A_412 = tpu.memref_slice %arg2[%dma_start3A_410, %dma_start3A_411] : memref<20000x32xf32, #tpu.memory_space<hbm>> -> memref<20000x32xf32, #tpu.memory_space<hbm>>
        tpu.enqueue_indirect_dma source(%dma_start3A_412 : memref<20000x32xf32, #tpu.memory_space<hbm>>) target(%arg9 : memref<100x32xf32, #tpu.memory_space<vmem>>) offsets(%dma_start3A_409 : memref<100xi32, #tpu.memory_space<vmem>>) semaphore(%arg20 : memref<!tpu.dma_semaphore, #tpu.memory_space<semaphore_mem>>)
      } else {
      }
      %mul3A_234 = arith.constant 10 : i32
      %mul3A_235 = arith.muli %mul3A_234, %scan3A_158 : i32
      %add3A_236 = arith.constant 3 : i32
      %add3A_237 = arith.addi %mul3A_235, %add3A_236 : i32
      %dma_wait3A_238 = arith.constant 0 : i32
      %dma_wait3A_239 = tpu.memref_slice %arg6[%add3A_237, %dma_wait3A_238] : memref<100x100xi32, #tpu.memory_space<vmem>> -> memref<1x100xi32, #tpu.memory_space<vmem>>
      %dma_wait3A_240 = tpu.memref_squeeze %dma_wait3A_239 : memref<1x100xi32, #tpu.memory_space<vmem>> -> memref<100xi32, #tpu.memory_space<vmem>>
      %dma_wait3A_241 = arith.constant 0 : i32
      %dma_wait3A_242 = arith.constant 0 : i32
      %dma_wait3A_243 = tpu.memref_slice %arg2[%dma_wait3A_241, %dma_wait3A_242] : memref<20000x32xf32, #tpu.memory_space<hbm>> -> memref<20000x32xf32, #tpu.memory_space<hbm>>
      tpu.wait_indirect_dma semaphore(%arg22 : memref<!tpu.dma_semaphore, #tpu.memory_space<semaphore_mem>>) src(%dma_wait3A_243 : memref<20000x32xf32, #tpu.memory_space<hbm>>) dst(%arg11 : memref<100x32xf32, #tpu.memory_space<vmem>>)
      %dma_start3A_244 = arith.constant 0 : i32
      %dma_start3A_245 = tpu.memref_slice %arg7[%add3A_237, %dma_start3A_244] : memref<100x100xi32, #tpu.memory_space<vmem>> -> memref<1x100xi32, #tpu.memory_space<vmem>>
      %dma_start3A_246 = tpu.memref_squeeze %dma_start3A_245 : memref<1x100xi32, #tpu.memory_space<vmem>> -> memref<100xi32, #tpu.memory_space<vmem>>
      %dma_start3A_247 = arith.constant 0 : i32
      %dma_start3A_248 = arith.constant 0 : i32
      %dma_start3A_249 = tpu.memref_slice %arg18[%dma_start3A_247, %dma_start3A_248] : memref<10000x32xf32, #tpu.memory_space<vmem_shared>> -> memref<10000x32xf32, #tpu.memory_space<vmem_shared>>
      tpu.enqueue_indirect_dma source(%arg11 : memref<100x32xf32, #tpu.memory_space<vmem>>) target(%dma_start3A_249 : memref<10000x32xf32, #tpu.memory_space<vmem_shared>>) offsets(%dma_start3A_246 : memref<100xi32, #tpu.memory_space<vmem>>) semaphore(%arg32 : memref<!tpu.dma_semaphore, #tpu.memory_space<semaphore_mem>>) {add = true}
      %add3A_250 = arith.constant 1 : i32
      %add3A_251 = arith.addi %scan3A_158, %add3A_250 : i32
      %lt3A_252 = arith.constant 10 : i32
      %lt3A_253 = arith.cmpi slt, %add3A_251, %lt3A_252 : i32
      %convert_element_type3A_254 = arith.extui %lt3A_253 : i1 to i32
      %cond3A_255 = arith.constant 0 : i32
      %cond3A_256 = arith.cmpi ne, %convert_element_type3A_254, %cond3A_255 : i32
      scf.if %cond3A_256 {
        %sub3A_395 = arith.constant 1 : i32
        %sub3A_396 = arith.subi %add3A_237, %sub3A_395 : i32
        %dma_wait3A_397 = arith.constant 0 : i32
        %dma_wait3A_398 = tpu.memref_slice %arg7[%sub3A_396, %dma_wait3A_397] : memref<100x100xi32, #tpu.memory_space<vmem>> -> memref<1x100xi32, #tpu.memory_space<vmem>>
        %dma_wait3A_399 = tpu.memref_squeeze %dma_wait3A_398 : memref<1x100xi32, #tpu.memory_space<vmem>> -> memref<100xi32, #tpu.memory_space<vmem>>
        %dma_wait3A_400 = arith.constant 0 : i32
        %dma_wait3A_401 = arith.constant 0 : i32
        %dma_wait3A_402 = tpu.memref_slice %arg18[%dma_wait3A_400, %dma_wait3A_401] : memref<10000x32xf32, #tpu.memory_space<vmem_shared>> -> memref<10000x32xf32, #tpu.memory_space<vmem_shared>>
        tpu.wait_indirect_dma semaphore(%arg31 : memref<!tpu.dma_semaphore, #tpu.memory_space<semaphore_mem>>) src(%arg10 : memref<100x32xf32, #tpu.memory_space<vmem>>) dst(%dma_wait3A_402 : memref<10000x32xf32, #tpu.memory_space<vmem_shared>>)
        %add3A_403 = arith.constant 10 : i32
        %add3A_404 = arith.addi %add3A_237, %add3A_403 : i32
        %sub3A_405 = arith.constant 1 : i32
        %sub3A_406 = arith.subi %add3A_404, %sub3A_405 : i32
        %dma_start3A_407 = arith.constant 0 : i32
        %dma_start3A_408 = tpu.memref_slice %arg6[%sub3A_406, %dma_start3A_407] : memref<100x100xi32, #tpu.memory_space<vmem>> -> memref<1x100xi32, #tpu.memory_space<vmem>>
        %dma_start3A_409 = tpu.memref_squeeze %dma_start3A_408 : memref<1x100xi32, #tpu.memory_space<vmem>> -> memref<100xi32, #tpu.memory_space<vmem>>
        %dma_start3A_410 = arith.constant 0 : i32
        %dma_start3A_411 = arith.constant 0 : i32
        %dma_start3A_412 = tpu.memref_slice %arg2[%dma_start3A_410, %dma_start3A_411] : memref<20000x32xf32, #tpu.memory_space<hbm>> -> memref<20000x32xf32, #tpu.memory_space<hbm>>
        tpu.enqueue_indirect_dma source(%dma_start3A_412 : memref<20000x32xf32, #tpu.memory_space<hbm>>) target(%arg10 : memref<100x32xf32, #tpu.memory_space<vmem>>) offsets(%dma_start3A_409 : memref<100xi32, #tpu.memory_space<vmem>>) semaphore(%arg21 : memref<!tpu.dma_semaphore, #tpu.memory_space<semaphore_mem>>)
      } else {
      }
      %mul3A_257 = arith.constant 10 : i32
      %mul3A_258 = arith.muli %mul3A_257, %scan3A_158 : i32
      %add3A_259 = arith.constant 4 : i32
      %add3A_260 = arith.addi %mul3A_258, %add3A_259 : i32
      %dma_wait3A_261 = arith.constant 0 : i32
      %dma_wait3A_262 = tpu.memref_slice %arg6[%add3A_260, %dma_wait3A_261] : memref<100x100xi32, #tpu.memory_space<vmem>> -> memref<1x100xi32, #tpu.memory_space<vmem>>
      %dma_wait3A_263 = tpu.memref_squeeze %dma_wait3A_262 : memref<1x100xi32, #tpu.memory_space<vmem>> -> memref<100xi32, #tpu.memory_space<vmem>>
      %dma_wait3A_264 = arith.constant 0 : i32
      %dma_wait3A_265 = arith.constant 0 : i32
      %dma_wait3A_266 = tpu.memref_slice %arg2[%dma_wait3A_264, %dma_wait3A_265] : memref<20000x32xf32, #tpu.memory_space<hbm>> -> memref<20000x32xf32, #tpu.memory_space<hbm>>
      tpu.wait_indirect_dma semaphore(%arg23 : memref<!tpu.dma_semaphore, #tpu.memory_space<semaphore_mem>>) src(%dma_wait3A_266 : memref<20000x32xf32, #tpu.memory_space<hbm>>) dst(%arg12 : memref<100x32xf32, #tpu.memory_space<vmem>>)
      %dma_start3A_267 = arith.constant 0 : i32
      %dma_start3A_268 = tpu.memref_slice %arg7[%add3A_260, %dma_start3A_267] : memref<100x100xi32, #tpu.memory_space<vmem>> -> memref<1x100xi32, #tpu.memory_space<vmem>>
      %dma_start3A_269 = tpu.memref_squeeze %dma_start3A_268 : memref<1x100xi32, #tpu.memory_space<vmem>> -> memref<100xi32, #tpu.memory_space<vmem>>
      %dma_start3A_270 = arith.constant 0 : i32
      %dma_start3A_271 = arith.constant 0 : i32
      %dma_start3A_272 = tpu.memref_slice %arg18[%dma_start3A_270, %dma_start3A_271] : memref<10000x32xf32, #tpu.memory_space<vmem_shared>> -> memref<10000x32xf32, #tpu.memory_space<vmem_shared>>
      tpu.enqueue_indirect_dma source(%arg12 : memref<100x32xf32, #tpu.memory_space<vmem>>) target(%dma_start3A_272 : memref<10000x32xf32, #tpu.memory_space<vmem_shared>>) offsets(%dma_start3A_269 : memref<100xi32, #tpu.memory_space<vmem>>) semaphore(%arg33 : memref<!tpu.dma_semaphore, #tpu.memory_space<semaphore_mem>>) {add = true}
      %add3A_273 = arith.constant 1 : i32
      %add3A_274 = arith.addi %scan3A_158, %add3A_273 : i32
      %lt3A_275 = arith.constant 10 : i32
      %lt3A_276 = arith.cmpi slt, %add3A_274, %lt3A_275 : i32
      %convert_element_type3A_277 = arith.extui %lt3A_276 : i1 to i32
      %cond3A_278 = arith.constant 0 : i32
      %cond3A_279 = arith.cmpi ne, %convert_element_type3A_277, %cond3A_278 : i32
      scf.if %cond3A_279 {
        %sub3A_395 = arith.constant 1 : i32
        %sub3A_396 = arith.subi %add3A_260, %sub3A_395 : i32
        %dma_wait3A_397 = arith.constant 0 : i32
        %dma_wait3A_398 = tpu.memref_slice %arg7[%sub3A_396, %dma_wait3A_397] : memref<100x100xi32, #tpu.memory_space<vmem>> -> memref<1x100xi32, #tpu.memory_space<vmem>>
        %dma_wait3A_399 = tpu.memref_squeeze %dma_wait3A_398 : memref<1x100xi32, #tpu.memory_space<vmem>> -> memref<100xi32, #tpu.memory_space<vmem>>
        %dma_wait3A_400 = arith.constant 0 : i32
        %dma_wait3A_401 = arith.constant 0 : i32
        %dma_wait3A_402 = tpu.memref_slice %arg18[%dma_wait3A_400, %dma_wait3A_401] : memref<10000x32xf32, #tpu.memory_space<vmem_shared>> -> memref<10000x32xf32, #tpu.memory_space<vmem_shared>>
        tpu.wait_indirect_dma semaphore(%arg32 : memref<!tpu.dma_semaphore, #tpu.memory_space<semaphore_mem>>) src(%arg11 : memref<100x32xf32, #tpu.memory_space<vmem>>) dst(%dma_wait3A_402 : memref<10000x32xf32, #tpu.memory_space<vmem_shared>>)
        %add3A_403 = arith.constant 10 : i32
        %add3A_404 = arith.addi %add3A_260, %add3A_403 : i32
        %sub3A_405 = arith.constant 1 : i32
        %sub3A_406 = arith.subi %add3A_404, %sub3A_405 : i32
        %dma_start3A_407 = arith.constant 0 : i32
        %dma_start3A_408 = tpu.memref_slice %arg6[%sub3A_406, %dma_start3A_407] : memref<100x100xi32, #tpu.memory_space<vmem>> -> memref<1x100xi32, #tpu.memory_space<vmem>>
        %dma_start3A_409 = tpu.memref_squeeze %dma_start3A_408 : memref<1x100xi32, #tpu.memory_space<vmem>> -> memref<100xi32, #tpu.memory_space<vmem>>
        %dma_start3A_410 = arith.constant 0 : i32
        %dma_start3A_411 = arith.constant 0 : i32
        %dma_start3A_412 = tpu.memref_slice %arg2[%dma_start3A_410, %dma_start3A_411] : memref<20000x32xf32, #tpu.memory_space<hbm>> -> memref<20000x32xf32, #tpu.memory_space<hbm>>
        tpu.enqueue_indirect_dma source(%dma_start3A_412 : memref<20000x32xf32, #tpu.memory_space<hbm>>) target(%arg11 : memref<100x32xf32, #tpu.memory_space<vmem>>) offsets(%dma_start3A_409 : memref<100xi32, #tpu.memory_space<vmem>>) semaphore(%arg22 : memref<!tpu.dma_semaphore, #tpu.memory_space<semaphore_mem>>)
      } else {
      }
      %mul3A_280 = arith.constant 10 : i32
      %mul3A_281 = arith.muli %mul3A_280, %scan3A_158 : i32
      %add3A_282 = arith.constant 5 : i32
      %add3A_283 = arith.addi %mul3A_281, %add3A_282 : i32
      %dma_wait3A_284 = arith.constant 0 : i32
      %dma_wait3A_285 = tpu.memref_slice %arg6[%add3A_283, %dma_wait3A_284] : memref<100x100xi32, #tpu.memory_space<vmem>> -> memref<1x100xi32, #tpu.memory_space<vmem>>
      %dma_wait3A_286 = tpu.memref_squeeze %dma_wait3A_285 : memref<1x100xi32, #tpu.memory_space<vmem>> -> memref<100xi32, #tpu.memory_space<vmem>>
      %dma_wait3A_287 = arith.constant 0 : i32
      %dma_wait3A_288 = arith.constant 0 : i32
      %dma_wait3A_289 = tpu.memref_slice %arg2[%dma_wait3A_287, %dma_wait3A_288] : memref<20000x32xf32, #tpu.memory_space<hbm>> -> memref<20000x32xf32, #tpu.memory_space<hbm>>
      tpu.wait_indirect_dma semaphore(%arg24 : memref<!tpu.dma_semaphore, #tpu.memory_space<semaphore_mem>>) src(%dma_wait3A_289 : memref<20000x32xf32, #tpu.memory_space<hbm>>) dst(%arg13 : memref<100x32xf32, #tpu.memory_space<vmem>>)
      %dma_start3A_290 = arith.constant 0 : i32
      %dma_start3A_291 = tpu.memref_slice %arg7[%add3A_283, %dma_start3A_290] : memref<100x100xi32, #tpu.memory_space<vmem>> -> memref<1x100xi32, #tpu.memory_space<vmem>>
      %dma_start3A_292 = tpu.memref_squeeze %dma_start3A_291 : memref<1x100xi32, #tpu.memory_space<vmem>> -> memref<100xi32, #tpu.memory_space<vmem>>
      %dma_start3A_293 = arith.constant 0 : i32
      %dma_start3A_294 = arith.constant 0 : i32
      %dma_start3A_295 = tpu.memref_slice %arg18[%dma_start3A_293, %dma_start3A_294] : memref<10000x32xf32, #tpu.memory_space<vmem_shared>> -> memref<10000x32xf32, #tpu.memory_space<vmem_shared>>
      tpu.enqueue_indirect_dma source(%arg13 : memref<100x32xf32, #tpu.memory_space<vmem>>) target(%dma_start3A_295 : memref<10000x32xf32, #tpu.memory_space<vmem_shared>>) offsets(%dma_start3A_292 : memref<100xi32, #tpu.memory_space<vmem>>) semaphore(%arg34 : memref<!tpu.dma_semaphore, #tpu.memory_space<semaphore_mem>>) {add = true}
      %add3A_296 = arith.constant 1 : i32
      %add3A_297 = arith.addi %scan3A_158, %add3A_296 : i32
      %lt3A_298 = arith.constant 10 : i32
      %lt3A_299 = arith.cmpi slt, %add3A_297, %lt3A_298 : i32
      %convert_element_type3A_300 = arith.extui %lt3A_299 : i1 to i32
      %cond3A_301 = arith.constant 0 : i32
      %cond3A_302 = arith.cmpi ne, %convert_element_type3A_300, %cond3A_301 : i32
      scf.if %cond3A_302 {
        %sub3A_395 = arith.constant 1 : i32
        %sub3A_396 = arith.subi %add3A_283, %sub3A_395 : i32
        %dma_wait3A_397 = arith.constant 0 : i32
        %dma_wait3A_398 = tpu.memref_slice %arg7[%sub3A_396, %dma_wait3A_397] : memref<100x100xi32, #tpu.memory_space<vmem>> -> memref<1x100xi32, #tpu.memory_space<vmem>>
        %dma_wait3A_399 = tpu.memref_squeeze %dma_wait3A_398 : memref<1x100xi32, #tpu.memory_space<vmem>> -> memref<100xi32, #tpu.memory_space<vmem>>
        %dma_wait3A_400 = arith.constant 0 : i32
        %dma_wait3A_401 = arith.constant 0 : i32
        %dma_wait3A_402 = tpu.memref_slice %arg18[%dma_wait3A_400, %dma_wait3A_401] : memref<10000x32xf32, #tpu.memory_space<vmem_shared>> -> memref<10000x32xf32, #tpu.memory_space<vmem_shared>>
        tpu.wait_indirect_dma semaphore(%arg33 : memref<!tpu.dma_semaphore, #tpu.memory_space<semaphore_mem>>) src(%arg12 : memref<100x32xf32, #tpu.memory_space<vmem>>) dst(%dma_wait3A_402 : memref<10000x32xf32, #tpu.memory_space<vmem_shared>>)
        %add3A_403 = arith.constant 10 : i32
        %add3A_404 = arith.addi %add3A_283, %add3A_403 : i32
        %sub3A_405 = arith.constant 1 : i32
        %sub3A_406 = arith.subi %add3A_404, %sub3A_405 : i32
        %dma_start3A_407 = arith.constant 0 : i32
        %dma_start3A_408 = tpu.memref_slice %arg6[%sub3A_406, %dma_start3A_407] : memref<100x100xi32, #tpu.memory_space<vmem>> -> memref<1x100xi32, #tpu.memory_space<vmem>>
        %dma_start3A_409 = tpu.memref_squeeze %dma_start3A_408 : memref<1x100xi32, #tpu.memory_space<vmem>> -> memref<100xi32, #tpu.memory_space<vmem>>
        %dma_start3A_410 = arith.constant 0 : i32
        %dma_start3A_411 = arith.constant 0 : i32
        %dma_start3A_412 = tpu.memref_slice %arg2[%dma_start3A_410, %dma_start3A_411] : memref<20000x32xf32, #tpu.memory_space<hbm>> -> memref<20000x32xf32, #tpu.memory_space<hbm>>
        tpu.enqueue_indirect_dma source(%dma_start3A_412 : memref<20000x32xf32, #tpu.memory_space<hbm>>) target(%arg12 : memref<100x32xf32, #tpu.memory_space<vmem>>) offsets(%dma_start3A_409 : memref<100xi32, #tpu.memory_space<vmem>>) semaphore(%arg23 : memref<!tpu.dma_semaphore, #tpu.memory_space<semaphore_mem>>)
      } else {
      }
      %mul3A_303 = arith.constant 10 : i32
      %mul3A_304 = arith.muli %mul3A_303, %scan3A_158 : i32
      %add3A_305 = arith.constant 6 : i32
      %add3A_306 = arith.addi %mul3A_304, %add3A_305 : i32
      %dma_wait3A_307 = arith.constant 0 : i32
      %dma_wait3A_308 = tpu.memref_slice %arg6[%add3A_306, %dma_wait3A_307] : memref<100x100xi32, #tpu.memory_space<vmem>> -> memref<1x100xi32, #tpu.memory_space<vmem>>
      %dma_wait3A_309 = tpu.memref_squeeze %dma_wait3A_308 : memref<1x100xi32, #tpu.memory_space<vmem>> -> memref<100xi32, #tpu.memory_space<vmem>>
      %dma_wait3A_310 = arith.constant 0 : i32
      %dma_wait3A_311 = arith.constant 0 : i32
      %dma_wait3A_312 = tpu.memref_slice %arg2[%dma_wait3A_310, %dma_wait3A_311] : memref<20000x32xf32, #tpu.memory_space<hbm>> -> memref<20000x32xf32, #tpu.memory_space<hbm>>
      tpu.wait_indirect_dma semaphore(%arg25 : memref<!tpu.dma_semaphore, #tpu.memory_space<semaphore_mem>>) src(%dma_wait3A_312 : memref<20000x32xf32, #tpu.memory_space<hbm>>) dst(%arg14 : memref<100x32xf32, #tpu.memory_space<vmem>>)
      %dma_start3A_313 = arith.constant 0 : i32
      %dma_start3A_314 = tpu.memref_slice %arg7[%add3A_306, %dma_start3A_313] : memref<100x100xi32, #tpu.memory_space<vmem>> -> memref<1x100xi32, #tpu.memory_space<vmem>>
      %dma_start3A_315 = tpu.memref_squeeze %dma_start3A_314 : memref<1x100xi32, #tpu.memory_space<vmem>> -> memref<100xi32, #tpu.memory_space<vmem>>
      %dma_start3A_316 = arith.constant 0 : i32
      %dma_start3A_317 = arith.constant 0 : i32
      %dma_start3A_318 = tpu.memref_slice %arg18[%dma_start3A_316, %dma_start3A_317] : memref<10000x32xf32, #tpu.memory_space<vmem_shared>> -> memref<10000x32xf32, #tpu.memory_space<vmem_shared>>
      tpu.enqueue_indirect_dma source(%arg14 : memref<100x32xf32, #tpu.memory_space<vmem>>) target(%dma_start3A_318 : memref<10000x32xf32, #tpu.memory_space<vmem_shared>>) offsets(%dma_start3A_315 : memref<100xi32, #tpu.memory_space<vmem>>) semaphore(%arg35 : memref<!tpu.dma_semaphore, #tpu.memory_space<semaphore_mem>>) {add = true}
      %add3A_319 = arith.constant 1 : i32
      %add3A_320 = arith.addi %scan3A_158, %add3A_319 : i32
      %lt3A_321 = arith.constant 10 : i32
      %lt3A_322 = arith.cmpi slt, %add3A_320, %lt3A_321 : i32
      %convert_element_type3A_323 = arith.extui %lt3A_322 : i1 to i32
      %cond3A_324 = arith.constant 0 : i32
      %cond3A_325 = arith.cmpi ne, %convert_element_type3A_323, %cond3A_324 : i32
      scf.if %cond3A_325 {
        %sub3A_395 = arith.constant 1 : i32
        %sub3A_396 = arith.subi %add3A_306, %sub3A_395 : i32
        %dma_wait3A_397 = arith.constant 0 : i32
        %dma_wait3A_398 = tpu.memref_slice %arg7[%sub3A_396, %dma_wait3A_397] : memref<100x100xi32, #tpu.memory_space<vmem>> -> memref<1x100xi32, #tpu.memory_space<vmem>>
        %dma_wait3A_399 = tpu.memref_squeeze %dma_wait3A_398 : memref<1x100xi32, #tpu.memory_space<vmem>> -> memref<100xi32, #tpu.memory_space<vmem>>
        %dma_wait3A_400 = arith.constant 0 : i32
        %dma_wait3A_401 = arith.constant 0 : i32
        %dma_wait3A_402 = tpu.memref_slice %arg18[%dma_wait3A_400, %dma_wait3A_401] : memref<10000x32xf32, #tpu.memory_space<vmem_shared>> -> memref<10000x32xf32, #tpu.memory_space<vmem_shared>>
        tpu.wait_indirect_dma semaphore(%arg34 : memref<!tpu.dma_semaphore, #tpu.memory_space<semaphore_mem>>) src(%arg13 : memref<100x32xf32, #tpu.memory_space<vmem>>) dst(%dma_wait3A_402 : memref<10000x32xf32, #tpu.memory_space<vmem_shared>>)
        %add3A_403 = arith.constant 10 : i32
        %add3A_404 = arith.addi %add3A_306, %add3A_403 : i32
        %sub3A_405 = arith.constant 1 : i32
        %sub3A_406 = arith.subi %add3A_404, %sub3A_405 : i32
        %dma_start3A_407 = arith.constant 0 : i32
        %dma_start3A_408 = tpu.memref_slice %arg6[%sub3A_406, %dma_start3A_407] : memref<100x100xi32, #tpu.memory_space<vmem>> -> memref<1x100xi32, #tpu.memory_space<vmem>>
        %dma_start3A_409 = tpu.memref_squeeze %dma_start3A_408 : memref<1x100xi32, #tpu.memory_space<vmem>> -> memref<100xi32, #tpu.memory_space<vmem>>
        %dma_start3A_410 = arith.constant 0 : i32
        %dma_start3A_411 = arith.constant 0 : i32
        %dma_start3A_412 = tpu.memref_slice %arg2[%dma_start3A_410, %dma_start3A_411] : memref<20000x32xf32, #tpu.memory_space<hbm>> -> memref<20000x32xf32, #tpu.memory_space<hbm>>
        tpu.enqueue_indirect_dma source(%dma_start3A_412 : memref<20000x32xf32, #tpu.memory_space<hbm>>) target(%arg13 : memref<100x32xf32, #tpu.memory_space<vmem>>) offsets(%dma_start3A_409 : memref<100xi32, #tpu.memory_space<vmem>>) semaphore(%arg24 : memref<!tpu.dma_semaphore, #tpu.memory_space<semaphore_mem>>)
      } else {
      }
      %mul3A_326 = arith.constant 10 : i32
      %mul3A_327 = arith.muli %mul3A_326, %scan3A_158 : i32
      %add3A_328 = arith.constant 7 : i32
      %add3A_329 = arith.addi %mul3A_327, %add3A_328 : i32
      %dma_wait3A_330 = arith.constant 0 : i32
      %dma_wait3A_331 = tpu.memref_slice %arg6[%add3A_329, %dma_wait3A_330] : memref<100x100xi32, #tpu.memory_space<vmem>> -> memref<1x100xi32, #tpu.memory_space<vmem>>
      %dma_wait3A_332 = tpu.memref_squeeze %dma_wait3A_331 : memref<1x100xi32, #tpu.memory_space<vmem>> -> memref<100xi32, #tpu.memory_space<vmem>>
      %dma_wait3A_333 = arith.constant 0 : i32
      %dma_wait3A_334 = arith.constant 0 : i32
      %dma_wait3A_335 = tpu.memref_slice %arg2[%dma_wait3A_333, %dma_wait3A_334] : memref<20000x32xf32, #tpu.memory_space<hbm>> -> memref<20000x32xf32, #tpu.memory_space<hbm>>
      tpu.wait_indirect_dma semaphore(%arg26 : memref<!tpu.dma_semaphore, #tpu.memory_space<semaphore_mem>>) src(%dma_wait3A_335 : memref<20000x32xf32, #tpu.memory_space<hbm>>) dst(%arg15 : memref<100x32xf32, #tpu.memory_space<vmem>>)
      %dma_start3A_336 = arith.constant 0 : i32
      %dma_start3A_337 = tpu.memref_slice %arg7[%add3A_329, %dma_start3A_336] : memref<100x100xi32, #tpu.memory_space<vmem>> -> memref<1x100xi32, #tpu.memory_space<vmem>>
      %dma_start3A_338 = tpu.memref_squeeze %dma_start3A_337 : memref<1x100xi32, #tpu.memory_space<vmem>> -> memref<100xi32, #tpu.memory_space<vmem>>
      %dma_start3A_339 = arith.constant 0 : i32
      %dma_start3A_340 = arith.constant 0 : i32
      %dma_start3A_341 = tpu.memref_slice %arg18[%dma_start3A_339, %dma_start3A_340] : memref<10000x32xf32, #tpu.memory_space<vmem_shared>> -> memref<10000x32xf32, #tpu.memory_space<vmem_shared>>
      tpu.enqueue_indirect_dma source(%arg15 : memref<100x32xf32, #tpu.memory_space<vmem>>) target(%dma_start3A_341 : memref<10000x32xf32, #tpu.memory_space<vmem_shared>>) offsets(%dma_start3A_338 : memref<100xi32, #tpu.memory_space<vmem>>) semaphore(%arg36 : memref<!tpu.dma_semaphore, #tpu.memory_space<semaphore_mem>>) {add = true}
      %add3A_342 = arith.constant 1 : i32
      %add3A_343 = arith.addi %scan3A_158, %add3A_342 : i32
      %lt3A_344 = arith.constant 10 : i32
      %lt3A_345 = arith.cmpi slt, %add3A_343, %lt3A_344 : i32
      %convert_element_type3A_346 = arith.extui %lt3A_345 : i1 to i32
      %cond3A_347 = arith.constant 0 : i32
      %cond3A_348 = arith.cmpi ne, %convert_element_type3A_346, %cond3A_347 : i32
      scf.if %cond3A_348 {
        %sub3A_395 = arith.constant 1 : i32
        %sub3A_396 = arith.subi %add3A_329, %sub3A_395 : i32
        %dma_wait3A_397 = arith.constant 0 : i32
        %dma_wait3A_398 = tpu.memref_slice %arg7[%sub3A_396, %dma_wait3A_397] : memref<100x100xi32, #tpu.memory_space<vmem>> -> memref<1x100xi32, #tpu.memory_space<vmem>>
        %dma_wait3A_399 = tpu.memref_squeeze %dma_wait3A_398 : memref<1x100xi32, #tpu.memory_space<vmem>> -> memref<100xi32, #tpu.memory_space<vmem>>
        %dma_wait3A_400 = arith.constant 0 : i32
        %dma_wait3A_401 = arith.constant 0 : i32
        %dma_wait3A_402 = tpu.memref_slice %arg18[%dma_wait3A_400, %dma_wait3A_401] : memref<10000x32xf32, #tpu.memory_space<vmem_shared>> -> memref<10000x32xf32, #tpu.memory_space<vmem_shared>>
        tpu.wait_indirect_dma semaphore(%arg35 : memref<!tpu.dma_semaphore, #tpu.memory_space<semaphore_mem>>) src(%arg14 : memref<100x32xf32, #tpu.memory_space<vmem>>) dst(%dma_wait3A_402 : memref<10000x32xf32, #tpu.memory_space<vmem_shared>>)
        %add3A_403 = arith.constant 10 : i32
        %add3A_404 = arith.addi %add3A_329, %add3A_403 : i32
        %sub3A_405 = arith.constant 1 : i32
        %sub3A_406 = arith.subi %add3A_404, %sub3A_405 : i32
        %dma_start3A_407 = arith.constant 0 : i32
        %dma_start3A_408 = tpu.memref_slice %arg6[%sub3A_406, %dma_start3A_407] : memref<100x100xi32, #tpu.memory_space<vmem>> -> memref<1x100xi32, #tpu.memory_space<vmem>>
        %dma_start3A_409 = tpu.memref_squeeze %dma_start3A_408 : memref<1x100xi32, #tpu.memory_space<vmem>> -> memref<100xi32, #tpu.memory_space<vmem>>
        %dma_start3A_410 = arith.constant 0 : i32
        %dma_start3A_411 = arith.constant 0 : i32
        %dma_start3A_412 = tpu.memref_slice %arg2[%dma_start3A_410, %dma_start3A_411] : memref<20000x32xf32, #tpu.memory_space<hbm>> -> memref<20000x32xf32, #tpu.memory_space<hbm>>
        tpu.enqueue_indirect_dma source(%dma_start3A_412 : memref<20000x32xf32, #tpu.memory_space<hbm>>) target(%arg14 : memref<100x32xf32, #tpu.memory_space<vmem>>) offsets(%dma_start3A_409 : memref<100xi32, #tpu.memory_space<vmem>>) semaphore(%arg25 : memref<!tpu.dma_semaphore, #tpu.memory_space<semaphore_mem>>)
      } else {
      }
      %mul3A_349 = arith.constant 10 : i32
      %mul3A_350 = arith.muli %mul3A_349, %scan3A_158 : i32
      %add3A_351 = arith.constant 8 : i32
      %add3A_352 = arith.addi %mul3A_350, %add3A_351 : i32
      %dma_wait3A_353 = arith.constant 0 : i32
      %dma_wait3A_354 = tpu.memref_slice %arg6[%add3A_352, %dma_wait3A_353] : memref<100x100xi32, #tpu.memory_space<vmem>> -> memref<1x100xi32, #tpu.memory_space<vmem>>
      %dma_wait3A_355 = tpu.memref_squeeze %dma_wait3A_354 : memref<1x100xi32, #tpu.memory_space<vmem>> -> memref<100xi32, #tpu.memory_space<vmem>>
      %dma_wait3A_356 = arith.constant 0 : i32
      %dma_wait3A_357 = arith.constant 0 : i32
      %dma_wait3A_358 = tpu.memref_slice %arg2[%dma_wait3A_356, %dma_wait3A_357] : memref<20000x32xf32, #tpu.memory_space<hbm>> -> memref<20000x32xf32, #tpu.memory_space<hbm>>
      tpu.wait_indirect_dma semaphore(%arg27 : memref<!tpu.dma_semaphore, #tpu.memory_space<semaphore_mem>>) src(%dma_wait3A_358 : memref<20000x32xf32, #tpu.memory_space<hbm>>) dst(%arg16 : memref<100x32xf32, #tpu.memory_space<vmem>>)
      %dma_start3A_359 = arith.constant 0 : i32
      %dma_start3A_360 = tpu.memref_slice %arg7[%add3A_352, %dma_start3A_359] : memref<100x100xi32, #tpu.memory_space<vmem>> -> memref<1x100xi32, #tpu.memory_space<vmem>>
      %dma_start3A_361 = tpu.memref_squeeze %dma_start3A_360 : memref<1x100xi32, #tpu.memory_space<vmem>> -> memref<100xi32, #tpu.memory_space<vmem>>
      %dma_start3A_362 = arith.constant 0 : i32
      %dma_start3A_363 = arith.constant 0 : i32
      %dma_start3A_364 = tpu.memref_slice %arg18[%dma_start3A_362, %dma_start3A_363] : memref<10000x32xf32, #tpu.memory_space<vmem_shared>> -> memref<10000x32xf32, #tpu.memory_space<vmem_shared>>
      tpu.enqueue_indirect_dma source(%arg16 : memref<100x32xf32, #tpu.memory_space<vmem>>) target(%dma_start3A_364 : memref<10000x32xf32, #tpu.memory_space<vmem_shared>>) offsets(%dma_start3A_361 : memref<100xi32, #tpu.memory_space<vmem>>) semaphore(%arg37 : memref<!tpu.dma_semaphore, #tpu.memory_space<semaphore_mem>>) {add = true}
      %add3A_365 = arith.constant 1 : i32
      %add3A_366 = arith.addi %scan3A_158, %add3A_365 : i32
      %lt3A_367 = arith.constant 10 : i32
      %lt3A_368 = arith.cmpi slt, %add3A_366, %lt3A_367 : i32
      %convert_element_type3A_369 = arith.extui %lt3A_368 : i1 to i32
      %cond3A_370 = arith.constant 0 : i32
      %cond3A_371 = arith.cmpi ne, %convert_element_type3A_369, %cond3A_370 : i32
      scf.if %cond3A_371 {
        %sub3A_395 = arith.constant 1 : i32
        %sub3A_396 = arith.subi %add3A_352, %sub3A_395 : i32
        %dma_wait3A_397 = arith.constant 0 : i32
        %dma_wait3A_398 = tpu.memref_slice %arg7[%sub3A_396, %dma_wait3A_397] : memref<100x100xi32, #tpu.memory_space<vmem>> -> memref<1x100xi32, #tpu.memory_space<vmem>>
        %dma_wait3A_399 = tpu.memref_squeeze %dma_wait3A_398 : memref<1x100xi32, #tpu.memory_space<vmem>> -> memref<100xi32, #tpu.memory_space<vmem>>
        %dma_wait3A_400 = arith.constant 0 : i32
        %dma_wait3A_401 = arith.constant 0 : i32
        %dma_wait3A_402 = tpu.memref_slice %arg18[%dma_wait3A_400, %dma_wait3A_401] : memref<10000x32xf32, #tpu.memory_space<vmem_shared>> -> memref<10000x32xf32, #tpu.memory_space<vmem_shared>>
        tpu.wait_indirect_dma semaphore(%arg36 : memref<!tpu.dma_semaphore, #tpu.memory_space<semaphore_mem>>) src(%arg15 : memref<100x32xf32, #tpu.memory_space<vmem>>) dst(%dma_wait3A_402 : memref<10000x32xf32, #tpu.memory_space<vmem_shared>>)
        %add3A_403 = arith.constant 10 : i32
        %add3A_404 = arith.addi %add3A_352, %add3A_403 : i32
        %sub3A_405 = arith.constant 1 : i32
        %sub3A_406 = arith.subi %add3A_404, %sub3A_405 : i32
        %dma_start3A_407 = arith.constant 0 : i32
        %dma_start3A_408 = tpu.memref_slice %arg6[%sub3A_406, %dma_start3A_407] : memref<100x100xi32, #tpu.memory_space<vmem>> -> memref<1x100xi32, #tpu.memory_space<vmem>>
        %dma_start3A_409 = tpu.memref_squeeze %dma_start3A_408 : memref<1x100xi32, #tpu.memory_space<vmem>> -> memref<100xi32, #tpu.memory_space<vmem>>
        %dma_start3A_410 = arith.constant 0 : i32
        %dma_start3A_411 = arith.constant 0 : i32
        %dma_start3A_412 = tpu.memref_slice %arg2[%dma_start3A_410, %dma_start3A_411] : memref<20000x32xf32, #tpu.memory_space<hbm>> -> memref<20000x32xf32, #tpu.memory_space<hbm>>
        tpu.enqueue_indirect_dma source(%dma_start3A_412 : memref<20000x32xf32, #tpu.memory_space<hbm>>) target(%arg15 : memref<100x32xf32, #tpu.memory_space<vmem>>) offsets(%dma_start3A_409 : memref<100xi32, #tpu.memory_space<vmem>>) semaphore(%arg26 : memref<!tpu.dma_semaphore, #tpu.memory_space<semaphore_mem>>)
      } else {
      }
      %mul3A_372 = arith.constant 10 : i32
      %mul3A_373 = arith.muli %mul3A_372, %scan3A_158 : i32
      %add3A_374 = arith.constant 9 : i32
      %add3A_375 = arith.addi %mul3A_373, %add3A_374 : i32
      %dma_wait3A_376 = arith.constant 0 : i32
      %dma_wait3A_377 = tpu.memref_slice %arg6[%add3A_375, %dma_wait3A_376] : memref<100x100xi32, #tpu.memory_space<vmem>> -> memref<1x100xi32, #tpu.memory_space<vmem>>
      %dma_wait3A_378 = tpu.memref_squeeze %dma_wait3A_377 : memref<1x100xi32, #tpu.memory_space<vmem>> -> memref<100xi32, #tpu.memory_space<vmem>>
      %dma_wait3A_379 = arith.constant 0 : i32
      %dma_wait3A_380 = arith.constant 0 : i32
      %dma_wait3A_381 = tpu.memref_slice %arg2[%dma_wait3A_379, %dma_wait3A_380] : memref<20000x32xf32, #tpu.memory_space<hbm>> -> memref<20000x32xf32, #tpu.memory_space<hbm>>
      tpu.wait_indirect_dma semaphore(%arg28 : memref<!tpu.dma_semaphore, #tpu.memory_space<semaphore_mem>>) src(%dma_wait3A_381 : memref<20000x32xf32, #tpu.memory_space<hbm>>) dst(%arg17 : memref<100x32xf32, #tpu.memory_space<vmem>>)
      %dma_start3A_382 = arith.constant 0 : i32
      %dma_start3A_383 = tpu.memref_slice %arg7[%add3A_375, %dma_start3A_382] : memref<100x100xi32, #tpu.memory_space<vmem>> -> memref<1x100xi32, #tpu.memory_space<vmem>>
      %dma_start3A_384 = tpu.memref_squeeze %dma_start3A_383 : memref<1x100xi32, #tpu.memory_space<vmem>> -> memref<100xi32, #tpu.memory_space<vmem>>
      %dma_start3A_385 = arith.constant 0 : i32
      %dma_start3A_386 = arith.constant 0 : i32
      %dma_start3A_387 = tpu.memref_slice %arg18[%dma_start3A_385, %dma_start3A_386] : memref<10000x32xf32, #tpu.memory_space<vmem_shared>> -> memref<10000x32xf32, #tpu.memory_space<vmem_shared>>
      tpu.enqueue_indirect_dma source(%arg17 : memref<100x32xf32, #tpu.memory_space<vmem>>) target(%dma_start3A_387 : memref<10000x32xf32, #tpu.memory_space<vmem_shared>>) offsets(%dma_start3A_384 : memref<100xi32, #tpu.memory_space<vmem>>) semaphore(%arg38 : memref<!tpu.dma_semaphore, #tpu.memory_space<semaphore_mem>>) {add = true}
      %add3A_388 = arith.constant 1 : i32
      %add3A_389 = arith.addi %scan3A_158, %add3A_388 : i32
      %lt3A_390 = arith.constant 10 : i32
      %lt3A_391 = arith.cmpi slt, %add3A_389, %lt3A_390 : i32
      %convert_element_type3A_392 = arith.extui %lt3A_391 : i1 to i32
      %cond3A_393 = arith.constant 0 : i32
      %cond3A_394 = arith.cmpi ne, %convert_element_type3A_392, %cond3A_393 : i32
      scf.if %cond3A_394 {
        %sub3A_395 = arith.constant 1 : i32
        %sub3A_396 = arith.subi %add3A_375, %sub3A_395 : i32
        %dma_wait3A_397 = arith.constant 0 : i32
        %dma_wait3A_398 = tpu.memref_slice %arg7[%sub3A_396, %dma_wait3A_397] : memref<100x100xi32, #tpu.memory_space<vmem>> -> memref<1x100xi32, #tpu.memory_space<vmem>>
        %dma_wait3A_399 = tpu.memref_squeeze %dma_wait3A_398 : memref<1x100xi32, #tpu.memory_space<vmem>> -> memref<100xi32, #tpu.memory_space<vmem>>
        %dma_wait3A_400 = arith.constant 0 : i32
        %dma_wait3A_401 = arith.constant 0 : i32
        %dma_wait3A_402 = tpu.memref_slice %arg18[%dma_wait3A_400, %dma_wait3A_401] : memref<10000x32xf32, #tpu.memory_space<vmem_shared>> -> memref<10000x32xf32, #tpu.memory_space<vmem_shared>>
        tpu.wait_indirect_dma semaphore(%arg37 : memref<!tpu.dma_semaphore, #tpu.memory_space<semaphore_mem>>) src(%arg16 : memref<100x32xf32, #tpu.memory_space<vmem>>) dst(%dma_wait3A_402 : memref<10000x32xf32, #tpu.memory_space<vmem_shared>>)
        %add3A_403 = arith.constant 10 : i32
        %add3A_404 = arith.addi %add3A_375, %add3A_403 : i32
        %sub3A_405 = arith.constant 1 : i32
        %sub3A_406 = arith.subi %add3A_404, %sub3A_405 : i32
        %dma_start3A_407 = arith.constant 0 : i32
        %dma_start3A_408 = tpu.memref_slice %arg6[%sub3A_406, %dma_start3A_407] : memref<100x100xi32, #tpu.memory_space<vmem>> -> memref<1x100xi32, #tpu.memory_space<vmem>>
        %dma_start3A_409 = tpu.memref_squeeze %dma_start3A_408 : memref<1x100xi32, #tpu.memory_space<vmem>> -> memref<100xi32, #tpu.memory_space<vmem>>
        %dma_start3A_410 = arith.constant 0 : i32
        %dma_start3A_411 = arith.constant 0 : i32
        %dma_start3A_412 = tpu.memref_slice %arg2[%dma_start3A_410, %dma_start3A_411] : memref<20000x32xf32, #tpu.memory_space<hbm>> -> memref<20000x32xf32, #tpu.memory_space<hbm>>
        tpu.enqueue_indirect_dma source(%dma_start3A_412 : memref<20000x32xf32, #tpu.memory_space<hbm>>) target(%arg16 : memref<100x32xf32, #tpu.memory_space<vmem>>) offsets(%dma_start3A_409 : memref<100xi32, #tpu.memory_space<vmem>>) semaphore(%arg27 : memref<!tpu.dma_semaphore, #tpu.memory_space<semaphore_mem>>)
      } else {
      }
    }
    %scan3A_77 = arith.constant 10 : i32
    %dma_wait3A = arith.constant 90 : i32
    %dma_wait3A_78 = arith.constant 0 : i32
    %dma_wait3A_79 = tpu.memref_slice %arg7[%dma_wait3A, %dma_wait3A_78] : memref<100x100xi32, #tpu.memory_space<vmem>> -> memref<1x100xi32, #tpu.memory_space<vmem>>
    %dma_wait3A_80 = tpu.memref_squeeze %dma_wait3A_79 : memref<1x100xi32, #tpu.memory_space<vmem>> -> memref<100xi32, #tpu.memory_space<vmem>>
    %dma_wait3A_81 = arith.constant 0 : i32
    %dma_wait3A_82 = arith.constant 0 : i32
    %dma_wait3A_83 = tpu.memref_slice %arg18[%dma_wait3A_81, %dma_wait3A_82] : memref<10000x32xf32, #tpu.memory_space<vmem_shared>> -> memref<10000x32xf32, #tpu.memory_space<vmem_shared>>
    tpu.wait_indirect_dma semaphore(%arg29 : memref<!tpu.dma_semaphore, #tpu.memory_space<semaphore_mem>>) src(%arg8 : memref<100x32xf32, #tpu.memory_space<vmem>>) dst(%dma_wait3A_83 : memref<10000x32xf32, #tpu.memory_space<vmem_shared>>)
    %dma_wait3A_84 = arith.constant 91 : i32
    %dma_wait3A_85 = arith.constant 0 : i32
    %dma_wait3A_86 = tpu.memref_slice %arg7[%dma_wait3A_84, %dma_wait3A_85] : memref<100x100xi32, #tpu.memory_space<vmem>> -> memref<1x100xi32, #tpu.memory_space<vmem>>
    %dma_wait3A_87 = tpu.memref_squeeze %dma_wait3A_86 : memref<1x100xi32, #tpu.memory_space<vmem>> -> memref<100xi32, #tpu.memory_space<vmem>>
    %dma_wait3A_88 = arith.constant 0 : i32
    %dma_wait3A_89 = arith.constant 0 : i32
    %dma_wait3A_90 = tpu.memref_slice %arg18[%dma_wait3A_88, %dma_wait3A_89] : memref<10000x32xf32, #tpu.memory_space<vmem_shared>> -> memref<10000x32xf32, #tpu.memory_space<vmem_shared>>
    tpu.wait_indirect_dma semaphore(%arg30 : memref<!tpu.dma_semaphore, #tpu.memory_space<semaphore_mem>>) src(%arg9 : memref<100x32xf32, #tpu.memory_space<vmem>>) dst(%dma_wait3A_90 : memref<10000x32xf32, #tpu.memory_space<vmem_shared>>)
    %dma_wait3A_91 = arith.constant 92 : i32
    %dma_wait3A_92 = arith.constant 0 : i32
    %dma_wait3A_93 = tpu.memref_slice %arg7[%dma_wait3A_91, %dma_wait3A_92] : memref<100x100xi32, #tpu.memory_space<vmem>> -> memref<1x100xi32, #tpu.memory_space<vmem>>
    %dma_wait3A_94 = tpu.memref_squeeze %dma_wait3A_93 : memref<1x100xi32, #tpu.memory_space<vmem>> -> memref<100xi32, #tpu.memory_space<vmem>>
    %dma_wait3A_95 = arith.constant 0 : i32
    %dma_wait3A_96 = arith.constant 0 : i32
    %dma_wait3A_97 = tpu.memref_slice %arg18[%dma_wait3A_95, %dma_wait3A_96] : memref<10000x32xf32, #tpu.memory_space<vmem_shared>> -> memref<10000x32xf32, #tpu.memory_space<vmem_shared>>
    tpu.wait_indirect_dma semaphore(%arg31 : memref<!tpu.dma_semaphore, #tpu.memory_space<semaphore_mem>>) src(%arg10 : memref<100x32xf32, #tpu.memory_space<vmem>>) dst(%dma_wait3A_97 : memref<10000x32xf32, #tpu.memory_space<vmem_shared>>)
    %dma_wait3A_98 = arith.constant 93 : i32
    %dma_wait3A_99 = arith.constant 0 : i32
    %dma_wait3A_100 = tpu.memref_slice %arg7[%dma_wait3A_98, %dma_wait3A_99] : memref<100x100xi32, #tpu.memory_space<vmem>> -> memref<1x100xi32, #tpu.memory_space<vmem>>
    %dma_wait3A_101 = tpu.memref_squeeze %dma_wait3A_100 : memref<1x100xi32, #tpu.memory_space<vmem>> -> memref<100xi32, #tpu.memory_space<vmem>>
    %dma_wait3A_102 = arith.constant 0 : i32
    %dma_wait3A_103 = arith.constant 0 : i32
    %dma_wait3A_104 = tpu.memref_slice %arg18[%dma_wait3A_102, %dma_wait3A_103] : memref<10000x32xf32, #tpu.memory_space<vmem_shared>> -> memref<10000x32xf32, #tpu.memory_space<vmem_shared>>
    tpu.wait_indirect_dma semaphore(%arg32 : memref<!tpu.dma_semaphore, #tpu.memory_space<semaphore_mem>>) src(%arg11 : memref<100x32xf32, #tpu.memory_space<vmem>>) dst(%dma_wait3A_104 : memref<10000x32xf32, #tpu.memory_space<vmem_shared>>)
    %dma_wait3A_105 = arith.constant 94 : i32
    %dma_wait3A_106 = arith.constant 0 : i32
    %dma_wait3A_107 = tpu.memref_slice %arg7[%dma_wait3A_105, %dma_wait3A_106] : memref<100x100xi32, #tpu.memory_space<vmem>> -> memref<1x100xi32, #tpu.memory_space<vmem>>
    %dma_wait3A_108 = tpu.memref_squeeze %dma_wait3A_107 : memref<1x100xi32, #tpu.memory_space<vmem>> -> memref<100xi32, #tpu.memory_space<vmem>>
    %dma_wait3A_109 = arith.constant 0 : i32
    %dma_wait3A_110 = arith.constant 0 : i32
    %dma_wait3A_111 = tpu.memref_slice %arg18[%dma_wait3A_109, %dma_wait3A_110] : memref<10000x32xf32, #tpu.memory_space<vmem_shared>> -> memref<10000x32xf32, #tpu.memory_space<vmem_shared>>
    tpu.wait_indirect_dma semaphore(%arg33 : memref<!tpu.dma_semaphore, #tpu.memory_space<semaphore_mem>>) src(%arg12 : memref<100x32xf32, #tpu.memory_space<vmem>>) dst(%dma_wait3A_111 : memref<10000x32xf32, #tpu.memory_space<vmem_shared>>)
    %dma_wait3A_112 = arith.constant 95 : i32
    %dma_wait3A_113 = arith.constant 0 : i32
    %dma_wait3A_114 = tpu.memref_slice %arg7[%dma_wait3A_112, %dma_wait3A_113] : memref<100x100xi32, #tpu.memory_space<vmem>> -> memref<1x100xi32, #tpu.memory_space<vmem>>
    %dma_wait3A_115 = tpu.memref_squeeze %dma_wait3A_114 : memref<1x100xi32, #tpu.memory_space<vmem>> -> memref<100xi32, #tpu.memory_space<vmem>>
    %dma_wait3A_116 = arith.constant 0 : i32
    %dma_wait3A_117 = arith.constant 0 : i32
    %dma_wait3A_118 = tpu.memref_slice %arg18[%dma_wait3A_116, %dma_wait3A_117] : memref<10000x32xf32, #tpu.memory_space<vmem_shared>> -> memref<10000x32xf32, #tpu.memory_space<vmem_shared>>
    tpu.wait_indirect_dma semaphore(%arg34 : memref<!tpu.dma_semaphore, #tpu.memory_space<semaphore_mem>>) src(%arg13 : memref<100x32xf32, #tpu.memory_space<vmem>>) dst(%dma_wait3A_118 : memref<10000x32xf32, #tpu.memory_space<vmem_shared>>)
    %dma_wait3A_119 = arith.constant 96 : i32
    %dma_wait3A_120 = arith.constant 0 : i32
    %dma_wait3A_121 = tpu.memref_slice %arg7[%dma_wait3A_119, %dma_wait3A_120] : memref<100x100xi32, #tpu.memory_space<vmem>> -> memref<1x100xi32, #tpu.memory_space<vmem>>
    %dma_wait3A_122 = tpu.memref_squeeze %dma_wait3A_121 : memref<1x100xi32, #tpu.memory_space<vmem>> -> memref<100xi32, #tpu.memory_space<vmem>>
    %dma_wait3A_123 = arith.constant 0 : i32
    %dma_wait3A_124 = arith.constant 0 : i32
    %dma_wait3A_125 = tpu.memref_slice %arg18[%dma_wait3A_123, %dma_wait3A_124] : memref<10000x32xf32, #tpu.memory_space<vmem_shared>> -> memref<10000x32xf32, #tpu.memory_space<vmem_shared>>
    tpu.wait_indirect_dma semaphore(%arg35 : memref<!tpu.dma_semaphore, #tpu.memory_space<semaphore_mem>>) src(%arg14 : memref<100x32xf32, #tpu.memory_space<vmem>>) dst(%dma_wait3A_125 : memref<10000x32xf32, #tpu.memory_space<vmem_shared>>)
    %dma_wait3A_126 = arith.constant 97 : i32
    %dma_wait3A_127 = arith.constant 0 : i32
    %dma_wait3A_128 = tpu.memref_slice %arg7[%dma_wait3A_126, %dma_wait3A_127] : memref<100x100xi32, #tpu.memory_space<vmem>> -> memref<1x100xi32, #tpu.memory_space<vmem>>
    %dma_wait3A_129 = tpu.memref_squeeze %dma_wait3A_128 : memref<1x100xi32, #tpu.memory_space<vmem>> -> memref<100xi32, #tpu.memory_space<vmem>>
    %dma_wait3A_130 = arith.constant 0 : i32
    %dma_wait3A_131 = arith.constant 0 : i32
    %dma_wait3A_132 = tpu.memref_slice %arg18[%dma_wait3A_130, %dma_wait3A_131] : memref<10000x32xf32, #tpu.memory_space<vmem_shared>> -> memref<10000x32xf32, #tpu.memory_space<vmem_shared>>
    tpu.wait_indirect_dma semaphore(%arg36 : memref<!tpu.dma_semaphore, #tpu.memory_space<semaphore_mem>>) src(%arg15 : memref<100x32xf32, #tpu.memory_space<vmem>>) dst(%dma_wait3A_132 : memref<10000x32xf32, #tpu.memory_space<vmem_shared>>)
    %dma_wait3A_133 = arith.constant 98 : i32
    %dma_wait3A_134 = arith.constant 0 : i32
    %dma_wait3A_135 = tpu.memref_slice %arg7[%dma_wait3A_133, %dma_wait3A_134] : memref<100x100xi32, #tpu.memory_space<vmem>> -> memref<1x100xi32, #tpu.memory_space<vmem>>
    %dma_wait3A_136 = tpu.memref_squeeze %dma_wait3A_135 : memref<1x100xi32, #tpu.memory_space<vmem>> -> memref<100xi32, #tpu.memory_space<vmem>>
    %dma_wait3A_137 = arith.constant 0 : i32
    %dma_wait3A_138 = arith.constant 0 : i32
    %dma_wait3A_139 = tpu.memref_slice %arg18[%dma_wait3A_137, %dma_wait3A_138] : memref<10000x32xf32, #tpu.memory_space<vmem_shared>> -> memref<10000x32xf32, #tpu.memory_space<vmem_shared>>
    tpu.wait_indirect_dma semaphore(%arg37 : memref<!tpu.dma_semaphore, #tpu.memory_space<semaphore_mem>>) src(%arg16 : memref<100x32xf32, #tpu.memory_space<vmem>>) dst(%dma_wait3A_139 : memref<10000x32xf32, #tpu.memory_space<vmem_shared>>)
    %dma_wait3A_140 = arith.constant 99 : i32
    %dma_wait3A_141 = arith.constant 0 : i32
    %dma_wait3A_142 = tpu.memref_slice %arg7[%dma_wait3A_140, %dma_wait3A_141] : memref<100x100xi32, #tpu.memory_space<vmem>> -> memref<1x100xi32, #tpu.memory_space<vmem>>
    %dma_wait3A_143 = tpu.memref_squeeze %dma_wait3A_142 : memref<1x100xi32, #tpu.memory_space<vmem>> -> memref<100xi32, #tpu.memory_space<vmem>>
    %dma_wait3A_144 = arith.constant 0 : i32
    %dma_wait3A_145 = arith.constant 0 : i32
    %dma_wait3A_146 = tpu.memref_slice %arg18[%dma_wait3A_144, %dma_wait3A_145] : memref<10000x32xf32, #tpu.memory_space<vmem_shared>> -> memref<10000x32xf32, #tpu.memory_space<vmem_shared>>
    tpu.wait_indirect_dma semaphore(%arg38 : memref<!tpu.dma_semaphore, #tpu.memory_space<semaphore_mem>>) src(%arg17 : memref<100x32xf32, #tpu.memory_space<vmem>>) dst(%dma_wait3A_146 : memref<10000x32xf32, #tpu.memory_space<vmem_shared>>)
    %barrier3A_147 = arith.constant 0 : index
    tpu.barrier barrier_id(%barrier3A_147)
    %lt3A_148 = arith.constant 15 : i32
    %lt3A_149 = arith.cmpi slt, %arg1, %lt3A_148 : i32
    %convert_element_type3A_150 = arith.extui %lt3A_149 : i1 to i32
    %cond3A_151 = arith.constant 0 : i32
    %cond3A_152 = arith.cmpi ne, %convert_element_type3A_150, %cond3A_151 : i32
    scf.if %cond3A_152 {
      %mul3A_158 = arith.constant 624 : i32
      %mul3A_159 = arith.muli %arg1, %mul3A_158 : i32
      %multiple_of3A = tpu.assume_multiple %mul3A_159, 8 : i32
      "tpu.region"() ({
        %run_scoped3A = tpu.sem_alloc : memref<!tpu.dma_semaphore, #tpu.memory_space<semaphore_mem>>
        %dma_start3A_160 = arith.constant 0 : i32
        %dma_start3A_161 = tpu.memref_slice %arg5[%arg0, %multiple_of3A, %dma_start3A_160] : memref<2x10000x32xf32, #tpu.memory_space<hbm>> -> memref<1x624x32xf32, #tpu.memory_space<hbm>>
        %dma_start3A_162 = tpu.memref_squeeze %dma_start3A_161 : memref<1x624x32xf32, #tpu.memory_space<hbm>> -> memref<624x32xf32, #tpu.memory_space<hbm>>
        %dma_start3A_163 = arith.constant 0 : i32
        %dma_start3A_164 = tpu.memref_slice %arg18[%multiple_of3A, %dma_start3A_163] : memref<10000x32xf32, #tpu.memory_space<vmem_shared>> -> memref<624x32xf32, #tpu.memory_space<vmem_shared>>
        tpu.enqueue_dma source(%dma_start3A_164 : memref<624x32xf32, #tpu.memory_space<vmem_shared>>) target(%dma_start3A_162 : memref<624x32xf32, #tpu.memory_space<hbm>>) target_semaphore(%run_scoped3A : memref<!tpu.dma_semaphore, #tpu.memory_space<semaphore_mem>>)
        %dma_wait3A_165 = arith.constant 0 : i32
        %dma_wait3A_166 = tpu.memref_slice %arg5[%arg0, %multiple_of3A, %dma_wait3A_165] : memref<2x10000x32xf32, #tpu.memory_space<hbm>> -> memref<1x624x32xf32, #tpu.memory_space<hbm>>
        %dma_wait3A_167 = tpu.memref_squeeze %dma_wait3A_166 : memref<1x624x32xf32, #tpu.memory_space<hbm>> -> memref<624x32xf32, #tpu.memory_space<hbm>>
        %dma_wait3A_168 = arith.constant 0 : i32
        %dma_wait3A_169 = tpu.memref_slice %arg18[%multiple_of3A, %dma_wait3A_168] : memref<10000x32xf32, #tpu.memory_space<vmem_shared>> -> memref<624x32xf32, #tpu.memory_space<vmem_shared>>
        tpu.wait_dma2 semaphore(%run_scoped3A : memref<!tpu.dma_semaphore, #tpu.memory_space<semaphore_mem>>) src(%dma_wait3A_169 : memref<624x32xf32, #tpu.memory_space<vmem_shared>>) dst(%dma_wait3A_167 : memref<624x32xf32, #tpu.memory_space<hbm>>)
        tpu.yield
      }) : () -> ()
    } else {
    }
    %eq3A_153 = arith.constant 15 : i32
    %eq3A_154 = arith.cmpi eq, %arg1, %eq3A_153 : i32
    %convert_element_type3A_155 = arith.extui %eq3A_154 : i1 to i32
    %cond3A_156 = arith.constant 0 : i32
    %cond3A_157 = arith.cmpi ne, %convert_element_type3A_155, %cond3A_156 : i32
    scf.if %cond3A_157 {
      "tpu.region"() ({
        %run_scoped3A = tpu.sem_alloc : memref<!tpu.dma_semaphore, #tpu.memory_space<semaphore_mem>>
        %dma_start3A_158 = arith.constant 9360 : i32
        %dma_start3A_159 = arith.constant 0 : i32
        %dma_start3A_160 = tpu.memref_slice %arg5[%arg0, %dma_start3A_158, %dma_start3A_159] : memref<2x10000x32xf32, #tpu.memory_space<hbm>> -> memref<1x640x32xf32, #tpu.memory_space<hbm>>
        %dma_start3A_161 = tpu.memref_squeeze %dma_start3A_160 : memref<1x640x32xf32, #tpu.memory_space<hbm>> -> memref<640x32xf32, #tpu.memory_space<hbm>>
        %dma_start3A_162 = arith.constant 9360 : i32
        %dma_start3A_163 = arith.constant 0 : i32
        %dma_start3A_164 = tpu.memref_slice %arg18[%dma_start3A_162, %dma_start3A_163] : memref<10000x32xf32, #tpu.memory_space<vmem_shared>> -> memref<640x32xf32, #tpu.memory_space<vmem_shared>>
        tpu.enqueue_dma source(%dma_start3A_164 : memref<640x32xf32, #tpu.memory_space<vmem_shared>>) target(%dma_start3A_161 : memref<640x32xf32, #tpu.memory_space<hbm>>) target_semaphore(%run_scoped3A : memref<!tpu.dma_semaphore, #tpu.memory_space<semaphore_mem>>)
        %dma_wait3A_165 = arith.constant 9360 : i32
        %dma_wait3A_166 = arith.constant 0 : i32
        %dma_wait3A_167 = tpu.memref_slice %arg5[%arg0, %dma_wait3A_165, %dma_wait3A_166] : memref<2x10000x32xf32, #tpu.memory_space<hbm>> -> memref<1x640x32xf32, #tpu.memory_space<hbm>>
        %dma_wait3A_168 = tpu.memref_squeeze %dma_wait3A_167 : memref<1x640x32xf32, #tpu.memory_space<hbm>> -> memref<640x32xf32, #tpu.memory_space<hbm>>
        %dma_wait3A_169 = arith.constant 9360 : i32
        %dma_wait3A_170 = arith.constant 0 : i32
        %dma_wait3A_171 = tpu.memref_slice %arg18[%dma_wait3A_169, %dma_wait3A_170] : memref<10000x32xf32, #tpu.memory_space<vmem_shared>> -> memref<640x32xf32, #tpu.memory_space<vmem_shared>>
        tpu.wait_dma2 semaphore(%run_scoped3A : memref<!tpu.dma_semaphore, #tpu.memory_space<semaphore_mem>>) src(%dma_wait3A_171 : memref<640x32xf32, #tpu.memory_space<vmem_shared>>) dst(%dma_wait3A_168 : memref<640x32xf32, #tpu.memory_space<hbm>>)
        tpu.yield
      }) : () -> ()
    } else {
    }
    return
  }
}

#map = affine_map<(d0, d1) -> (0, 0)>
#map1 = affine_map<(d0, d1) -> (0, 0, 0)>
module attributes {stable_mosaic.version = 14 : i64} {
  func.func @scat_kernel(%arg0: i32, %arg1: i32, %arg2: memref<20000x128xf32, #tpu.memory_space<hbm>>, %arg3: memref<8000x40xi32, #tpu.memory_space<hbm>>, %arg4: memref<4000x40xi32, #tpu.memory_space<hbm>>, %arg5: memref<2x10000x128xf32, #tpu.memory_space<hbm>>, %arg6: memref<250x40xi32, #tpu.memory_space<vmem>>, %arg7: memref<250x40xi32, #tpu.memory_space<vmem>>, %arg8: memref<40x128xf32, #tpu.memory_space<vmem>>, %arg9: memref<40x128xf32, #tpu.memory_space<vmem>>, %arg10: memref<40x128xf32, #tpu.memory_space<vmem>>, %arg11: memref<40x128xf32, #tpu.memory_space<vmem>>, %arg12: memref<40x128xf32, #tpu.memory_space<vmem>>, %arg13: memref<10000x128xf32, #tpu.memory_space<vmem_shared>>, %arg14: memref<!tpu.dma_semaphore, #tpu.memory_space<semaphore_mem>>, %arg15: memref<!tpu.dma_semaphore, #tpu.memory_space<semaphore_mem>>, %arg16: memref<!tpu.dma_semaphore, #tpu.memory_space<semaphore_mem>>, %arg17: memref<!tpu.dma_semaphore, #tpu.memory_space<semaphore_mem>>, %arg18: memref<!tpu.dma_semaphore, #tpu.memory_space<semaphore_mem>>, %arg19: memref<!tpu.dma_semaphore, #tpu.memory_space<semaphore_mem>>, %arg20: memref<!tpu.dma_semaphore, #tpu.memory_space<semaphore_mem>>, %arg21: memref<!tpu.dma_semaphore, #tpu.memory_space<semaphore_mem>>, %arg22: memref<!tpu.dma_semaphore, #tpu.memory_space<semaphore_mem>>, %arg23: memref<!tpu.dma_semaphore, #tpu.memory_space<semaphore_mem>>) attributes {dimension_semantics = [#tpu.dimension_semantics<core_parallel>, #tpu.dimension_semantics<subcore_parallel>], iteration_bounds = array<i64: 2, 16>, scalar_prefetch = 0 : i64, scratch_operands = 18 : i64, tpu.core_type = #tpu.core_type<sc_vector_subcore>, window_params = [{transform_indices = #map}, {transform_indices = #map}, {transform_indices = #map}, {transform_indices = #map1}]} {
    %mul3A = arith.constant 16 : i32
    %mul3A_0 = arith.muli %arg0, %mul3A : i32
    %add3A = arith.addi %mul3A_0, %arg1 : i32
    %mul3A_1 = arith.constant 250 : i32
    %mul3A_2 = arith.muli %add3A, %mul3A_1 : i32
    "tpu.region"() ({
      %run_scoped3A = tpu.sem_alloc : memref<!tpu.dma_semaphore, #tpu.memory_space<semaphore_mem>>
      %dma_start3A_88 = arith.constant 0 : i32
      %dma_start3A_89 = tpu.memref_slice %arg3[%mul3A_2, %dma_start3A_88] : memref<8000x40xi32, #tpu.memory_space<hbm>> -> memref<250x40xi32, #tpu.memory_space<hbm>>
      %dma_start3A_90 = arith.constant 0 : i32
      %dma_start3A_91 = tpu.memref_slice %arg3[%mul3A_2, %dma_start3A_90] : memref<8000x40xi32, #tpu.memory_space<hbm>> -> memref<250x40xi32, #tpu.memory_space<hbm>>
      tpu.enqueue_dma source(%dma_start3A_91 : memref<250x40xi32, #tpu.memory_space<hbm>>) target(%arg6 : memref<250x40xi32, #tpu.memory_space<vmem>>) target_semaphore(%run_scoped3A : memref<!tpu.dma_semaphore, #tpu.memory_space<semaphore_mem>>)
      %dma_wait3A_92 = arith.constant 0 : i32
      %dma_wait3A_93 = tpu.memref_slice %arg3[%mul3A_2, %dma_wait3A_92] : memref<8000x40xi32, #tpu.memory_space<hbm>> -> memref<250x40xi32, #tpu.memory_space<hbm>>
      %dma_wait3A_94 = arith.constant 0 : i32
      %dma_wait3A_95 = tpu.memref_slice %arg3[%mul3A_2, %dma_wait3A_94] : memref<8000x40xi32, #tpu.memory_space<hbm>> -> memref<250x40xi32, #tpu.memory_space<hbm>>
      tpu.wait_dma2 semaphore(%run_scoped3A : memref<!tpu.dma_semaphore, #tpu.memory_space<semaphore_mem>>) src(%dma_wait3A_95 : memref<250x40xi32, #tpu.memory_space<hbm>>) dst(%arg6 : memref<250x40xi32, #tpu.memory_space<vmem>>)
      tpu.yield
    }) : () -> ()
    %mul3A_3 = arith.constant 250 : i32
    %mul3A_4 = arith.muli %arg1, %mul3A_3 : i32
    "tpu.region"() ({
      %run_scoped3A = tpu.sem_alloc : memref<!tpu.dma_semaphore, #tpu.memory_space<semaphore_mem>>
      %dma_start3A_88 = arith.constant 0 : i32
      %dma_start3A_89 = tpu.memref_slice %arg4[%mul3A_4, %dma_start3A_88] : memref<4000x40xi32, #tpu.memory_space<hbm>> -> memref<250x40xi32, #tpu.memory_space<hbm>>
      %dma_start3A_90 = arith.constant 0 : i32
      %dma_start3A_91 = tpu.memref_slice %arg4[%mul3A_4, %dma_start3A_90] : memref<4000x40xi32, #tpu.memory_space<hbm>> -> memref<250x40xi32, #tpu.memory_space<hbm>>
      tpu.enqueue_dma source(%dma_start3A_91 : memref<250x40xi32, #tpu.memory_space<hbm>>) target(%arg7 : memref<250x40xi32, #tpu.memory_space<vmem>>) target_semaphore(%run_scoped3A : memref<!tpu.dma_semaphore, #tpu.memory_space<semaphore_mem>>)
      %dma_wait3A_92 = arith.constant 0 : i32
      %dma_wait3A_93 = tpu.memref_slice %arg4[%mul3A_4, %dma_wait3A_92] : memref<4000x40xi32, #tpu.memory_space<hbm>> -> memref<250x40xi32, #tpu.memory_space<hbm>>
      %dma_wait3A_94 = arith.constant 0 : i32
      %dma_wait3A_95 = tpu.memref_slice %arg4[%mul3A_4, %dma_wait3A_94] : memref<4000x40xi32, #tpu.memory_space<hbm>> -> memref<250x40xi32, #tpu.memory_space<hbm>>
      tpu.wait_dma2 semaphore(%run_scoped3A : memref<!tpu.dma_semaphore, #tpu.memory_space<semaphore_mem>>) src(%dma_wait3A_95 : memref<250x40xi32, #tpu.memory_space<hbm>>) dst(%arg7 : memref<250x40xi32, #tpu.memory_space<vmem>>)
      tpu.yield
    }) : () -> ()
    %dma_start3A = arith.constant 0 : i32
    %dma_start3A_5 = arith.constant 0 : i32
    %dma_start3A_6 = tpu.memref_slice %arg6[%dma_start3A, %dma_start3A_5] : memref<250x40xi32, #tpu.memory_space<vmem>> -> memref<1x40xi32, #tpu.memory_space<vmem>>
    %dma_start3A_7 = tpu.memref_squeeze %dma_start3A_6 : memref<1x40xi32, #tpu.memory_space<vmem>> -> memref<40xi32, #tpu.memory_space<vmem>>
    %dma_start3A_8 = arith.constant 0 : i32
    %dma_start3A_9 = arith.constant 0 : i32
    %dma_start3A_10 = tpu.memref_slice %arg2[%dma_start3A_8, %dma_start3A_9] : memref<20000x128xf32, #tpu.memory_space<hbm>> -> memref<20000x128xf32, #tpu.memory_space<hbm>>
    tpu.enqueue_indirect_dma source(%dma_start3A_10 : memref<20000x128xf32, #tpu.memory_space<hbm>>) target(%arg8 : memref<40x128xf32, #tpu.memory_space<vmem>>) offsets(%dma_start3A_7 : memref<40xi32, #tpu.memory_space<vmem>>) semaphore(%arg14 : memref<!tpu.dma_semaphore, #tpu.memory_space<semaphore_mem>>)
    %dma_start3A_11 = arith.constant 1 : i32
    %dma_start3A_12 = arith.constant 0 : i32
    %dma_start3A_13 = tpu.memref_slice %arg6[%dma_start3A_11, %dma_start3A_12] : memref<250x40xi32, #tpu.memory_space<vmem>> -> memref<1x40xi32, #tpu.memory_space<vmem>>
    %dma_start3A_14 = tpu.memref_squeeze %dma_start3A_13 : memref<1x40xi32, #tpu.memory_space<vmem>> -> memref<40xi32, #tpu.memory_space<vmem>>
    %dma_start3A_15 = arith.constant 0 : i32
    %dma_start3A_16 = arith.constant 0 : i32
    %dma_start3A_17 = tpu.memref_slice %arg2[%dma_start3A_15, %dma_start3A_16] : memref<20000x128xf32, #tpu.memory_space<hbm>> -> memref<20000x128xf32, #tpu.memory_space<hbm>>
    tpu.enqueue_indirect_dma source(%dma_start3A_17 : memref<20000x128xf32, #tpu.memory_space<hbm>>) target(%arg9 : memref<40x128xf32, #tpu.memory_space<vmem>>) offsets(%dma_start3A_14 : memref<40xi32, #tpu.memory_space<vmem>>) semaphore(%arg15 : memref<!tpu.dma_semaphore, #tpu.memory_space<semaphore_mem>>)
    %dma_start3A_18 = arith.constant 2 : i32
    %dma_start3A_19 = arith.constant 0 : i32
    %dma_start3A_20 = tpu.memref_slice %arg6[%dma_start3A_18, %dma_start3A_19] : memref<250x40xi32, #tpu.memory_space<vmem>> -> memref<1x40xi32, #tpu.memory_space<vmem>>
    %dma_start3A_21 = tpu.memref_squeeze %dma_start3A_20 : memref<1x40xi32, #tpu.memory_space<vmem>> -> memref<40xi32, #tpu.memory_space<vmem>>
    %dma_start3A_22 = arith.constant 0 : i32
    %dma_start3A_23 = arith.constant 0 : i32
    %dma_start3A_24 = tpu.memref_slice %arg2[%dma_start3A_22, %dma_start3A_23] : memref<20000x128xf32, #tpu.memory_space<hbm>> -> memref<20000x128xf32, #tpu.memory_space<hbm>>
    tpu.enqueue_indirect_dma source(%dma_start3A_24 : memref<20000x128xf32, #tpu.memory_space<hbm>>) target(%arg10 : memref<40x128xf32, #tpu.memory_space<vmem>>) offsets(%dma_start3A_21 : memref<40xi32, #tpu.memory_space<vmem>>) semaphore(%arg16 : memref<!tpu.dma_semaphore, #tpu.memory_space<semaphore_mem>>)
    %dma_start3A_25 = arith.constant 3 : i32
    %dma_start3A_26 = arith.constant 0 : i32
    %dma_start3A_27 = tpu.memref_slice %arg6[%dma_start3A_25, %dma_start3A_26] : memref<250x40xi32, #tpu.memory_space<vmem>> -> memref<1x40xi32, #tpu.memory_space<vmem>>
    %dma_start3A_28 = tpu.memref_squeeze %dma_start3A_27 : memref<1x40xi32, #tpu.memory_space<vmem>> -> memref<40xi32, #tpu.memory_space<vmem>>
    %dma_start3A_29 = arith.constant 0 : i32
    %dma_start3A_30 = arith.constant 0 : i32
    %dma_start3A_31 = tpu.memref_slice %arg2[%dma_start3A_29, %dma_start3A_30] : memref<20000x128xf32, #tpu.memory_space<hbm>> -> memref<20000x128xf32, #tpu.memory_space<hbm>>
    tpu.enqueue_indirect_dma source(%dma_start3A_31 : memref<20000x128xf32, #tpu.memory_space<hbm>>) target(%arg11 : memref<40x128xf32, #tpu.memory_space<vmem>>) offsets(%dma_start3A_28 : memref<40xi32, #tpu.memory_space<vmem>>) semaphore(%arg17 : memref<!tpu.dma_semaphore, #tpu.memory_space<semaphore_mem>>)
    %lt3A = arith.constant 15 : i32
    %lt3A_32 = arith.cmpi slt, %arg1, %lt3A : i32
    %convert_element_type3A = arith.extui %lt3A_32 : i1 to i32
    %cond3A = arith.constant 0 : i32
    %cond3A_33 = arith.cmpi ne, %convert_element_type3A, %cond3A : i32
    scf.if %cond3A_33 {
      %mul3A_88 = arith.constant 624 : i32
      %mul3A_89 = arith.muli %arg1, %mul3A_88 : i32
      %multiple_of3A = tpu.assume_multiple %mul3A_89, 8 : i32
      %mul3A_90 = arith.constant 10000 : i32
      %mul3A_91 = arith.muli %arg0, %mul3A_90 : i32
      %add3A_92 = arith.addi %mul3A_91, %multiple_of3A : i32
      "tpu.region"() ({
        %run_scoped3A = tpu.sem_alloc : memref<!tpu.dma_semaphore, #tpu.memory_space<semaphore_mem>>
        %dma_start3A_93 = arith.constant 0 : i32
        %dma_start3A_94 = tpu.memref_slice %arg13[%multiple_of3A, %dma_start3A_93] : memref<10000x128xf32, #tpu.memory_space<vmem_shared>> -> memref<624x128xf32, #tpu.memory_space<vmem_shared>>
        %dma_start3A_95 = arith.constant 0 : i32
        %dma_start3A_96 = tpu.memref_slice %arg2[%add3A_92, %dma_start3A_95] : memref<20000x128xf32, #tpu.memory_space<hbm>> -> memref<624x128xf32, #tpu.memory_space<hbm>>
        tpu.enqueue_dma source(%dma_start3A_96 : memref<624x128xf32, #tpu.memory_space<hbm>>) target(%dma_start3A_94 : memref<624x128xf32, #tpu.memory_space<vmem_shared>>) target_semaphore(%run_scoped3A : memref<!tpu.dma_semaphore, #tpu.memory_space<semaphore_mem>>)
        %dma_wait3A_97 = arith.constant 0 : i32
        %dma_wait3A_98 = tpu.memref_slice %arg13[%multiple_of3A, %dma_wait3A_97] : memref<10000x128xf32, #tpu.memory_space<vmem_shared>> -> memref<624x128xf32, #tpu.memory_space<vmem_shared>>
        %dma_wait3A_99 = arith.constant 0 : i32
        %dma_wait3A_100 = tpu.memref_slice %arg2[%add3A_92, %dma_wait3A_99] : memref<20000x128xf32, #tpu.memory_space<hbm>> -> memref<624x128xf32, #tpu.memory_space<hbm>>
        tpu.wait_dma2 semaphore(%run_scoped3A : memref<!tpu.dma_semaphore, #tpu.memory_space<semaphore_mem>>) src(%dma_wait3A_100 : memref<624x128xf32, #tpu.memory_space<hbm>>) dst(%dma_wait3A_98 : memref<624x128xf32, #tpu.memory_space<vmem_shared>>)
        tpu.yield
      }) : () -> ()
    } else {
    }
    %eq3A = arith.constant 15 : i32
    %eq3A_34 = arith.cmpi eq, %arg1, %eq3A : i32
    %convert_element_type3A_35 = arith.extui %eq3A_34 : i1 to i32
    %cond3A_36 = arith.constant 0 : i32
    %cond3A_37 = arith.cmpi ne, %convert_element_type3A_35, %cond3A_36 : i32
    scf.if %cond3A_37 {
      %mul3A_88 = arith.constant 10000 : i32
      %mul3A_89 = arith.muli %arg0, %mul3A_88 : i32
      %add3A_90 = arith.constant 9360 : i32
      %add3A_91 = arith.addi %mul3A_89, %add3A_90 : i32
      "tpu.region"() ({
        %run_scoped3A = tpu.sem_alloc : memref<!tpu.dma_semaphore, #tpu.memory_space<semaphore_mem>>
        %dma_start3A_92 = arith.constant 9360 : i32
        %dma_start3A_93 = arith.constant 0 : i32
        %dma_start3A_94 = tpu.memref_slice %arg13[%dma_start3A_92, %dma_start3A_93] : memref<10000x128xf32, #tpu.memory_space<vmem_shared>> -> memref<640x128xf32, #tpu.memory_space<vmem_shared>>
        %dma_start3A_95 = arith.constant 0 : i32
        %dma_start3A_96 = tpu.memref_slice %arg2[%add3A_91, %dma_start3A_95] : memref<20000x128xf32, #tpu.memory_space<hbm>> -> memref<640x128xf32, #tpu.memory_space<hbm>>
        tpu.enqueue_dma source(%dma_start3A_96 : memref<640x128xf32, #tpu.memory_space<hbm>>) target(%dma_start3A_94 : memref<640x128xf32, #tpu.memory_space<vmem_shared>>) target_semaphore(%run_scoped3A : memref<!tpu.dma_semaphore, #tpu.memory_space<semaphore_mem>>)
        %dma_wait3A_97 = arith.constant 9360 : i32
        %dma_wait3A_98 = arith.constant 0 : i32
        %dma_wait3A_99 = tpu.memref_slice %arg13[%dma_wait3A_97, %dma_wait3A_98] : memref<10000x128xf32, #tpu.memory_space<vmem_shared>> -> memref<640x128xf32, #tpu.memory_space<vmem_shared>>
        %dma_wait3A_100 = arith.constant 0 : i32
        %dma_wait3A_101 = tpu.memref_slice %arg2[%add3A_91, %dma_wait3A_100] : memref<20000x128xf32, #tpu.memory_space<hbm>> -> memref<640x128xf32, #tpu.memory_space<hbm>>
        tpu.wait_dma2 semaphore(%run_scoped3A : memref<!tpu.dma_semaphore, #tpu.memory_space<semaphore_mem>>) src(%dma_wait3A_101 : memref<640x128xf32, #tpu.memory_space<hbm>>) dst(%dma_wait3A_99 : memref<640x128xf32, #tpu.memory_space<vmem_shared>>)
        tpu.yield
      }) : () -> ()
    } else {
    }
    %barrier3A = arith.constant 0 : index
    tpu.barrier barrier_id(%barrier3A)
    %scan3A = arith.constant 0 : i32
    %scan3A_38 = arith.constant 0 : i32
    %scan3A_39 = arith.constant 50 : i32
    %scan3A_40 = arith.addi %scan3A_38, %scan3A_39 : i32
    %scan3A_41 = arith.constant 1 : i32
    scf.for %scan3A_88 = %scan3A_38 to %scan3A_40 step %scan3A_41  : i32 {
      %mul3A_89 = arith.constant 5 : i32
      %mul3A_90 = arith.muli %mul3A_89, %scan3A_88 : i32
      %add3A_91 = arith.constant 0 : i32
      %add3A_92 = arith.addi %mul3A_90, %add3A_91 : i32
      %dma_wait3A_93 = arith.constant 0 : i32
      %dma_wait3A_94 = tpu.memref_slice %arg6[%add3A_92, %dma_wait3A_93] : memref<250x40xi32, #tpu.memory_space<vmem>> -> memref<1x40xi32, #tpu.memory_space<vmem>>
      %dma_wait3A_95 = tpu.memref_squeeze %dma_wait3A_94 : memref<1x40xi32, #tpu.memory_space<vmem>> -> memref<40xi32, #tpu.memory_space<vmem>>
      %dma_wait3A_96 = arith.constant 0 : i32
      %dma_wait3A_97 = arith.constant 0 : i32
      %dma_wait3A_98 = tpu.memref_slice %arg2[%dma_wait3A_96, %dma_wait3A_97] : memref<20000x128xf32, #tpu.memory_space<hbm>> -> memref<20000x128xf32, #tpu.memory_space<hbm>>
      tpu.wait_indirect_dma semaphore(%arg14 : memref<!tpu.dma_semaphore, #tpu.memory_space<semaphore_mem>>) src(%dma_wait3A_98 : memref<20000x128xf32, #tpu.memory_space<hbm>>) dst(%arg8 : memref<40x128xf32, #tpu.memory_space<vmem>>)
      %dma_start3A_99 = arith.constant 0 : i32
      %dma_start3A_100 = tpu.memref_slice %arg7[%add3A_92, %dma_start3A_99] : memref<250x40xi32, #tpu.memory_space<vmem>> -> memref<1x40xi32, #tpu.memory_space<vmem>>
      %dma_start3A_101 = tpu.memref_squeeze %dma_start3A_100 : memref<1x40xi32, #tpu.memory_space<vmem>> -> memref<40xi32, #tpu.memory_space<vmem>>
      %dma_start3A_102 = arith.constant 0 : i32
      %dma_start3A_103 = arith.constant 0 : i32
      %dma_start3A_104 = tpu.memref_slice %arg13[%dma_start3A_102, %dma_start3A_103] : memref<10000x128xf32, #tpu.memory_space<vmem_shared>> -> memref<10000x128xf32, #tpu.memory_space<vmem_shared>>
      tpu.enqueue_indirect_dma source(%arg8 : memref<40x128xf32, #tpu.memory_space<vmem>>) target(%dma_start3A_104 : memref<10000x128xf32, #tpu.memory_space<vmem_shared>>) offsets(%dma_start3A_101 : memref<40xi32, #tpu.memory_space<vmem>>) semaphore(%arg19 : memref<!tpu.dma_semaphore, #tpu.memory_space<semaphore_mem>>) {add = true}
      %gt3A = arith.constant 0 : i32
      %gt3A_105 = arith.cmpi sgt, %scan3A_88, %gt3A : i32
      %convert_element_type3A_106 = arith.extui %gt3A_105 : i1 to i32
      %cond3A_107 = arith.constant 0 : i32
      %cond3A_108 = arith.cmpi ne, %convert_element_type3A_106, %cond3A_107 : i32
      scf.if %cond3A_108 {
        %sub3A_210 = arith.constant 1 : i32
        %sub3A_211 = arith.subi %add3A_92, %sub3A_210 : i32
        %dma_wait3A_212 = arith.constant 0 : i32
        %dma_wait3A_213 = tpu.memref_slice %arg7[%sub3A_211, %dma_wait3A_212] : memref<250x40xi32, #tpu.memory_space<vmem>> -> memref<1x40xi32, #tpu.memory_space<vmem>>
        %dma_wait3A_214 = tpu.memref_squeeze %dma_wait3A_213 : memref<1x40xi32, #tpu.memory_space<vmem>> -> memref<40xi32, #tpu.memory_space<vmem>>
        %dma_wait3A_215 = arith.constant 0 : i32
        %dma_wait3A_216 = arith.constant 0 : i32
        %dma_wait3A_217 = tpu.memref_slice %arg13[%dma_wait3A_215, %dma_wait3A_216] : memref<10000x128xf32, #tpu.memory_space<vmem_shared>> -> memref<10000x128xf32, #tpu.memory_space<vmem_shared>>
        tpu.wait_indirect_dma semaphore(%arg23 : memref<!tpu.dma_semaphore, #tpu.memory_space<semaphore_mem>>) src(%arg12 : memref<40x128xf32, #tpu.memory_space<vmem>>) dst(%dma_wait3A_217 : memref<10000x128xf32, #tpu.memory_space<vmem_shared>>)
      } else {
      }
      %add3A_109 = arith.constant 5 : i32
      %add3A_110 = arith.addi %add3A_92, %add3A_109 : i32
      %sub3A = arith.constant 1 : i32
      %sub3A_111 = arith.subi %add3A_110, %sub3A : i32
      %dma_start3A_112 = arith.constant 0 : i32
      %dma_start3A_113 = tpu.memref_slice %arg6[%sub3A_111, %dma_start3A_112] : memref<250x40xi32, #tpu.memory_space<vmem>> -> memref<1x40xi32, #tpu.memory_space<vmem>>
      %dma_start3A_114 = tpu.memref_squeeze %dma_start3A_113 : memref<1x40xi32, #tpu.memory_space<vmem>> -> memref<40xi32, #tpu.memory_space<vmem>>
      %dma_start3A_115 = arith.constant 0 : i32
      %dma_start3A_116 = arith.constant 0 : i32
      %dma_start3A_117 = tpu.memref_slice %arg2[%dma_start3A_115, %dma_start3A_116] : memref<20000x128xf32, #tpu.memory_space<hbm>> -> memref<20000x128xf32, #tpu.memory_space<hbm>>
      tpu.enqueue_indirect_dma source(%dma_start3A_117 : memref<20000x128xf32, #tpu.memory_space<hbm>>) target(%arg12 : memref<40x128xf32, #tpu.memory_space<vmem>>) offsets(%dma_start3A_114 : memref<40xi32, #tpu.memory_space<vmem>>) semaphore(%arg18 : memref<!tpu.dma_semaphore, #tpu.memory_space<semaphore_mem>>)
      %mul3A_118 = arith.constant 5 : i32
      %mul3A_119 = arith.muli %mul3A_118, %scan3A_88 : i32
      %add3A_120 = arith.constant 1 : i32
      %add3A_121 = arith.addi %mul3A_119, %add3A_120 : i32
      %dma_wait3A_122 = arith.constant 0 : i32
      %dma_wait3A_123 = tpu.memref_slice %arg6[%add3A_121, %dma_wait3A_122] : memref<250x40xi32, #tpu.memory_space<vmem>> -> memref<1x40xi32, #tpu.memory_space<vmem>>
      %dma_wait3A_124 = tpu.memref_squeeze %dma_wait3A_123 : memref<1x40xi32, #tpu.memory_space<vmem>> -> memref<40xi32, #tpu.memory_space<vmem>>
      %dma_wait3A_125 = arith.constant 0 : i32
      %dma_wait3A_126 = arith.constant 0 : i32
      %dma_wait3A_127 = tpu.memref_slice %arg2[%dma_wait3A_125, %dma_wait3A_126] : memref<20000x128xf32, #tpu.memory_space<hbm>> -> memref<20000x128xf32, #tpu.memory_space<hbm>>
      tpu.wait_indirect_dma semaphore(%arg15 : memref<!tpu.dma_semaphore, #tpu.memory_space<semaphore_mem>>) src(%dma_wait3A_127 : memref<20000x128xf32, #tpu.memory_space<hbm>>) dst(%arg9 : memref<40x128xf32, #tpu.memory_space<vmem>>)
      %dma_start3A_128 = arith.constant 0 : i32
      %dma_start3A_129 = tpu.memref_slice %arg7[%add3A_121, %dma_start3A_128] : memref<250x40xi32, #tpu.memory_space<vmem>> -> memref<1x40xi32, #tpu.memory_space<vmem>>
      %dma_start3A_130 = tpu.memref_squeeze %dma_start3A_129 : memref<1x40xi32, #tpu.memory_space<vmem>> -> memref<40xi32, #tpu.memory_space<vmem>>
      %dma_start3A_131 = arith.constant 0 : i32
      %dma_start3A_132 = arith.constant 0 : i32
      %dma_start3A_133 = tpu.memref_slice %arg13[%dma_start3A_131, %dma_start3A_132] : memref<10000x128xf32, #tpu.memory_space<vmem_shared>> -> memref<10000x128xf32, #tpu.memory_space<vmem_shared>>
      tpu.enqueue_indirect_dma source(%arg9 : memref<40x128xf32, #tpu.memory_space<vmem>>) target(%dma_start3A_133 : memref<10000x128xf32, #tpu.memory_space<vmem_shared>>) offsets(%dma_start3A_130 : memref<40xi32, #tpu.memory_space<vmem>>) semaphore(%arg20 : memref<!tpu.dma_semaphore, #tpu.memory_space<semaphore_mem>>) {add = true}
      %add3A_134 = arith.constant 1 : i32
      %add3A_135 = arith.addi %scan3A_88, %add3A_134 : i32
      %lt3A_136 = arith.constant 50 : i32
      %lt3A_137 = arith.cmpi slt, %add3A_135, %lt3A_136 : i32
      %convert_element_type3A_138 = arith.extui %lt3A_137 : i1 to i32
      %cond3A_139 = arith.constant 0 : i32
      %cond3A_140 = arith.cmpi ne, %convert_element_type3A_138, %cond3A_139 : i32
      scf.if %cond3A_140 {
        %sub3A_210 = arith.constant 1 : i32
        %sub3A_211 = arith.subi %add3A_121, %sub3A_210 : i32
        %dma_wait3A_212 = arith.constant 0 : i32
        %dma_wait3A_213 = tpu.memref_slice %arg7[%sub3A_211, %dma_wait3A_212] : memref<250x40xi32, #tpu.memory_space<vmem>> -> memref<1x40xi32, #tpu.memory_space<vmem>>
        %dma_wait3A_214 = tpu.memref_squeeze %dma_wait3A_213 : memref<1x40xi32, #tpu.memory_space<vmem>> -> memref<40xi32, #tpu.memory_space<vmem>>
        %dma_wait3A_215 = arith.constant 0 : i32
        %dma_wait3A_216 = arith.constant 0 : i32
        %dma_wait3A_217 = tpu.memref_slice %arg13[%dma_wait3A_215, %dma_wait3A_216] : memref<10000x128xf32, #tpu.memory_space<vmem_shared>> -> memref<10000x128xf32, #tpu.memory_space<vmem_shared>>
        tpu.wait_indirect_dma semaphore(%arg19 : memref<!tpu.dma_semaphore, #tpu.memory_space<semaphore_mem>>) src(%arg8 : memref<40x128xf32, #tpu.memory_space<vmem>>) dst(%dma_wait3A_217 : memref<10000x128xf32, #tpu.memory_space<vmem_shared>>)
        %add3A_218 = arith.constant 5 : i32
        %add3A_219 = arith.addi %add3A_121, %add3A_218 : i32
        %sub3A_220 = arith.constant 1 : i32
        %sub3A_221 = arith.subi %add3A_219, %sub3A_220 : i32
        %dma_start3A_222 = arith.constant 0 : i32
        %dma_start3A_223 = tpu.memref_slice %arg6[%sub3A_221, %dma_start3A_222] : memref<250x40xi32, #tpu.memory_space<vmem>> -> memref<1x40xi32, #tpu.memory_space<vmem>>
        %dma_start3A_224 = tpu.memref_squeeze %dma_start3A_223 : memref<1x40xi32, #tpu.memory_space<vmem>> -> memref<40xi32, #tpu.memory_space<vmem>>
        %dma_start3A_225 = arith.constant 0 : i32
        %dma_start3A_226 = arith.constant 0 : i32
        %dma_start3A_227 = tpu.memref_slice %arg2[%dma_start3A_225, %dma_start3A_226] : memref<20000x128xf32, #tpu.memory_space<hbm>> -> memref<20000x128xf32, #tpu.memory_space<hbm>>
        tpu.enqueue_indirect_dma source(%dma_start3A_227 : memref<20000x128xf32, #tpu.memory_space<hbm>>) target(%arg8 : memref<40x128xf32, #tpu.memory_space<vmem>>) offsets(%dma_start3A_224 : memref<40xi32, #tpu.memory_space<vmem>>) semaphore(%arg14 : memref<!tpu.dma_semaphore, #tpu.memory_space<semaphore_mem>>)
      } else {
      }
      %mul3A_141 = arith.constant 5 : i32
      %mul3A_142 = arith.muli %mul3A_141, %scan3A_88 : i32
      %add3A_143 = arith.constant 2 : i32
      %add3A_144 = arith.addi %mul3A_142, %add3A_143 : i32
      %dma_wait3A_145 = arith.constant 0 : i32
      %dma_wait3A_146 = tpu.memref_slice %arg6[%add3A_144, %dma_wait3A_145] : memref<250x40xi32, #tpu.memory_space<vmem>> -> memref<1x40xi32, #tpu.memory_space<vmem>>
      %dma_wait3A_147 = tpu.memref_squeeze %dma_wait3A_146 : memref<1x40xi32, #tpu.memory_space<vmem>> -> memref<40xi32, #tpu.memory_space<vmem>>
      %dma_wait3A_148 = arith.constant 0 : i32
      %dma_wait3A_149 = arith.constant 0 : i32
      %dma_wait3A_150 = tpu.memref_slice %arg2[%dma_wait3A_148, %dma_wait3A_149] : memref<20000x128xf32, #tpu.memory_space<hbm>> -> memref<20000x128xf32, #tpu.memory_space<hbm>>
      tpu.wait_indirect_dma semaphore(%arg16 : memref<!tpu.dma_semaphore, #tpu.memory_space<semaphore_mem>>) src(%dma_wait3A_150 : memref<20000x128xf32, #tpu.memory_space<hbm>>) dst(%arg10 : memref<40x128xf32, #tpu.memory_space<vmem>>)
      %dma_start3A_151 = arith.constant 0 : i32
      %dma_start3A_152 = tpu.memref_slice %arg7[%add3A_144, %dma_start3A_151] : memref<250x40xi32, #tpu.memory_space<vmem>> -> memref<1x40xi32, #tpu.memory_space<vmem>>
      %dma_start3A_153 = tpu.memref_squeeze %dma_start3A_152 : memref<1x40xi32, #tpu.memory_space<vmem>> -> memref<40xi32, #tpu.memory_space<vmem>>
      %dma_start3A_154 = arith.constant 0 : i32
      %dma_start3A_155 = arith.constant 0 : i32
      %dma_start3A_156 = tpu.memref_slice %arg13[%dma_start3A_154, %dma_start3A_155] : memref<10000x128xf32, #tpu.memory_space<vmem_shared>> -> memref<10000x128xf32, #tpu.memory_space<vmem_shared>>
      tpu.enqueue_indirect_dma source(%arg10 : memref<40x128xf32, #tpu.memory_space<vmem>>) target(%dma_start3A_156 : memref<10000x128xf32, #tpu.memory_space<vmem_shared>>) offsets(%dma_start3A_153 : memref<40xi32, #tpu.memory_space<vmem>>) semaphore(%arg21 : memref<!tpu.dma_semaphore, #tpu.memory_space<semaphore_mem>>) {add = true}
      %add3A_157 = arith.constant 1 : i32
      %add3A_158 = arith.addi %scan3A_88, %add3A_157 : i32
      %lt3A_159 = arith.constant 50 : i32
      %lt3A_160 = arith.cmpi slt, %add3A_158, %lt3A_159 : i32
      %convert_element_type3A_161 = arith.extui %lt3A_160 : i1 to i32
      %cond3A_162 = arith.constant 0 : i32
      %cond3A_163 = arith.cmpi ne, %convert_element_type3A_161, %cond3A_162 : i32
      scf.if %cond3A_163 {
        %sub3A_210 = arith.constant 1 : i32
        %sub3A_211 = arith.subi %add3A_144, %sub3A_210 : i32
        %dma_wait3A_212 = arith.constant 0 : i32
        %dma_wait3A_213 = tpu.memref_slice %arg7[%sub3A_211, %dma_wait3A_212] : memref<250x40xi32, #tpu.memory_space<vmem>> -> memref<1x40xi32, #tpu.memory_space<vmem>>
        %dma_wait3A_214 = tpu.memref_squeeze %dma_wait3A_213 : memref<1x40xi32, #tpu.memory_space<vmem>> -> memref<40xi32, #tpu.memory_space<vmem>>
        %dma_wait3A_215 = arith.constant 0 : i32
        %dma_wait3A_216 = arith.constant 0 : i32
        %dma_wait3A_217 = tpu.memref_slice %arg13[%dma_wait3A_215, %dma_wait3A_216] : memref<10000x128xf32, #tpu.memory_space<vmem_shared>> -> memref<10000x128xf32, #tpu.memory_space<vmem_shared>>
        tpu.wait_indirect_dma semaphore(%arg20 : memref<!tpu.dma_semaphore, #tpu.memory_space<semaphore_mem>>) src(%arg9 : memref<40x128xf32, #tpu.memory_space<vmem>>) dst(%dma_wait3A_217 : memref<10000x128xf32, #tpu.memory_space<vmem_shared>>)
        %add3A_218 = arith.constant 5 : i32
        %add3A_219 = arith.addi %add3A_144, %add3A_218 : i32
        %sub3A_220 = arith.constant 1 : i32
        %sub3A_221 = arith.subi %add3A_219, %sub3A_220 : i32
        %dma_start3A_222 = arith.constant 0 : i32
        %dma_start3A_223 = tpu.memref_slice %arg6[%sub3A_221, %dma_start3A_222] : memref<250x40xi32, #tpu.memory_space<vmem>> -> memref<1x40xi32, #tpu.memory_space<vmem>>
        %dma_start3A_224 = tpu.memref_squeeze %dma_start3A_223 : memref<1x40xi32, #tpu.memory_space<vmem>> -> memref<40xi32, #tpu.memory_space<vmem>>
        %dma_start3A_225 = arith.constant 0 : i32
        %dma_start3A_226 = arith.constant 0 : i32
        %dma_start3A_227 = tpu.memref_slice %arg2[%dma_start3A_225, %dma_start3A_226] : memref<20000x128xf32, #tpu.memory_space<hbm>> -> memref<20000x128xf32, #tpu.memory_space<hbm>>
        tpu.enqueue_indirect_dma source(%dma_start3A_227 : memref<20000x128xf32, #tpu.memory_space<hbm>>) target(%arg9 : memref<40x128xf32, #tpu.memory_space<vmem>>) offsets(%dma_start3A_224 : memref<40xi32, #tpu.memory_space<vmem>>) semaphore(%arg15 : memref<!tpu.dma_semaphore, #tpu.memory_space<semaphore_mem>>)
      } else {
      }
      %mul3A_164 = arith.constant 5 : i32
      %mul3A_165 = arith.muli %mul3A_164, %scan3A_88 : i32
      %add3A_166 = arith.constant 3 : i32
      %add3A_167 = arith.addi %mul3A_165, %add3A_166 : i32
      %dma_wait3A_168 = arith.constant 0 : i32
      %dma_wait3A_169 = tpu.memref_slice %arg6[%add3A_167, %dma_wait3A_168] : memref<250x40xi32, #tpu.memory_space<vmem>> -> memref<1x40xi32, #tpu.memory_space<vmem>>
      %dma_wait3A_170 = tpu.memref_squeeze %dma_wait3A_169 : memref<1x40xi32, #tpu.memory_space<vmem>> -> memref<40xi32, #tpu.memory_space<vmem>>
      %dma_wait3A_171 = arith.constant 0 : i32
      %dma_wait3A_172 = arith.constant 0 : i32
      %dma_wait3A_173 = tpu.memref_slice %arg2[%dma_wait3A_171, %dma_wait3A_172] : memref<20000x128xf32, #tpu.memory_space<hbm>> -> memref<20000x128xf32, #tpu.memory_space<hbm>>
      tpu.wait_indirect_dma semaphore(%arg17 : memref<!tpu.dma_semaphore, #tpu.memory_space<semaphore_mem>>) src(%dma_wait3A_173 : memref<20000x128xf32, #tpu.memory_space<hbm>>) dst(%arg11 : memref<40x128xf32, #tpu.memory_space<vmem>>)
      %dma_start3A_174 = arith.constant 0 : i32
      %dma_start3A_175 = tpu.memref_slice %arg7[%add3A_167, %dma_start3A_174] : memref<250x40xi32, #tpu.memory_space<vmem>> -> memref<1x40xi32, #tpu.memory_space<vmem>>
      %dma_start3A_176 = tpu.memref_squeeze %dma_start3A_175 : memref<1x40xi32, #tpu.memory_space<vmem>> -> memref<40xi32, #tpu.memory_space<vmem>>
      %dma_start3A_177 = arith.constant 0 : i32
      %dma_start3A_178 = arith.constant 0 : i32
      %dma_start3A_179 = tpu.memref_slice %arg13[%dma_start3A_177, %dma_start3A_178] : memref<10000x128xf32, #tpu.memory_space<vmem_shared>> -> memref<10000x128xf32, #tpu.memory_space<vmem_shared>>
      tpu.enqueue_indirect_dma source(%arg11 : memref<40x128xf32, #tpu.memory_space<vmem>>) target(%dma_start3A_179 : memref<10000x128xf32, #tpu.memory_space<vmem_shared>>) offsets(%dma_start3A_176 : memref<40xi32, #tpu.memory_space<vmem>>) semaphore(%arg22 : memref<!tpu.dma_semaphore, #tpu.memory_space<semaphore_mem>>) {add = true}
      %add3A_180 = arith.constant 1 : i32
      %add3A_181 = arith.addi %scan3A_88, %add3A_180 : i32
      %lt3A_182 = arith.constant 50 : i32
      %lt3A_183 = arith.cmpi slt, %add3A_181, %lt3A_182 : i32
      %convert_element_type3A_184 = arith.extui %lt3A_183 : i1 to i32
      %cond3A_185 = arith.constant 0 : i32
      %cond3A_186 = arith.cmpi ne, %convert_element_type3A_184, %cond3A_185 : i32
      scf.if %cond3A_186 {
        %sub3A_210 = arith.constant 1 : i32
        %sub3A_211 = arith.subi %add3A_167, %sub3A_210 : i32
        %dma_wait3A_212 = arith.constant 0 : i32
        %dma_wait3A_213 = tpu.memref_slice %arg7[%sub3A_211, %dma_wait3A_212] : memref<250x40xi32, #tpu.memory_space<vmem>> -> memref<1x40xi32, #tpu.memory_space<vmem>>
        %dma_wait3A_214 = tpu.memref_squeeze %dma_wait3A_213 : memref<1x40xi32, #tpu.memory_space<vmem>> -> memref<40xi32, #tpu.memory_space<vmem>>
        %dma_wait3A_215 = arith.constant 0 : i32
        %dma_wait3A_216 = arith.constant 0 : i32
        %dma_wait3A_217 = tpu.memref_slice %arg13[%dma_wait3A_215, %dma_wait3A_216] : memref<10000x128xf32, #tpu.memory_space<vmem_shared>> -> memref<10000x128xf32, #tpu.memory_space<vmem_shared>>
        tpu.wait_indirect_dma semaphore(%arg21 : memref<!tpu.dma_semaphore, #tpu.memory_space<semaphore_mem>>) src(%arg10 : memref<40x128xf32, #tpu.memory_space<vmem>>) dst(%dma_wait3A_217 : memref<10000x128xf32, #tpu.memory_space<vmem_shared>>)
        %add3A_218 = arith.constant 5 : i32
        %add3A_219 = arith.addi %add3A_167, %add3A_218 : i32
        %sub3A_220 = arith.constant 1 : i32
        %sub3A_221 = arith.subi %add3A_219, %sub3A_220 : i32
        %dma_start3A_222 = arith.constant 0 : i32
        %dma_start3A_223 = tpu.memref_slice %arg6[%sub3A_221, %dma_start3A_222] : memref<250x40xi32, #tpu.memory_space<vmem>> -> memref<1x40xi32, #tpu.memory_space<vmem>>
        %dma_start3A_224 = tpu.memref_squeeze %dma_start3A_223 : memref<1x40xi32, #tpu.memory_space<vmem>> -> memref<40xi32, #tpu.memory_space<vmem>>
        %dma_start3A_225 = arith.constant 0 : i32
        %dma_start3A_226 = arith.constant 0 : i32
        %dma_start3A_227 = tpu.memref_slice %arg2[%dma_start3A_225, %dma_start3A_226] : memref<20000x128xf32, #tpu.memory_space<hbm>> -> memref<20000x128xf32, #tpu.memory_space<hbm>>
        tpu.enqueue_indirect_dma source(%dma_start3A_227 : memref<20000x128xf32, #tpu.memory_space<hbm>>) target(%arg10 : memref<40x128xf32, #tpu.memory_space<vmem>>) offsets(%dma_start3A_224 : memref<40xi32, #tpu.memory_space<vmem>>) semaphore(%arg16 : memref<!tpu.dma_semaphore, #tpu.memory_space<semaphore_mem>>)
      } else {
      }
      %mul3A_187 = arith.constant 5 : i32
      %mul3A_188 = arith.muli %mul3A_187, %scan3A_88 : i32
      %add3A_189 = arith.constant 4 : i32
      %add3A_190 = arith.addi %mul3A_188, %add3A_189 : i32
      %dma_wait3A_191 = arith.constant 0 : i32
      %dma_wait3A_192 = tpu.memref_slice %arg6[%add3A_190, %dma_wait3A_191] : memref<250x40xi32, #tpu.memory_space<vmem>> -> memref<1x40xi32, #tpu.memory_space<vmem>>
      %dma_wait3A_193 = tpu.memref_squeeze %dma_wait3A_192 : memref<1x40xi32, #tpu.memory_space<vmem>> -> memref<40xi32, #tpu.memory_space<vmem>>
      %dma_wait3A_194 = arith.constant 0 : i32
      %dma_wait3A_195 = arith.constant 0 : i32
      %dma_wait3A_196 = tpu.memref_slice %arg2[%dma_wait3A_194, %dma_wait3A_195] : memref<20000x128xf32, #tpu.memory_space<hbm>> -> memref<20000x128xf32, #tpu.memory_space<hbm>>
      tpu.wait_indirect_dma semaphore(%arg18 : memref<!tpu.dma_semaphore, #tpu.memory_space<semaphore_mem>>) src(%dma_wait3A_196 : memref<20000x128xf32, #tpu.memory_space<hbm>>) dst(%arg12 : memref<40x128xf32, #tpu.memory_space<vmem>>)
      %dma_start3A_197 = arith.constant 0 : i32
      %dma_start3A_198 = tpu.memref_slice %arg7[%add3A_190, %dma_start3A_197] : memref<250x40xi32, #tpu.memory_space<vmem>> -> memref<1x40xi32, #tpu.memory_space<vmem>>
      %dma_start3A_199 = tpu.memref_squeeze %dma_start3A_198 : memref<1x40xi32, #tpu.memory_space<vmem>> -> memref<40xi32, #tpu.memory_space<vmem>>
      %dma_start3A_200 = arith.constant 0 : i32
      %dma_start3A_201 = arith.constant 0 : i32
      %dma_start3A_202 = tpu.memref_slice %arg13[%dma_start3A_200, %dma_start3A_201] : memref<10000x128xf32, #tpu.memory_space<vmem_shared>> -> memref<10000x128xf32, #tpu.memory_space<vmem_shared>>
      tpu.enqueue_indirect_dma source(%arg12 : memref<40x128xf32, #tpu.memory_space<vmem>>) target(%dma_start3A_202 : memref<10000x128xf32, #tpu.memory_space<vmem_shared>>) offsets(%dma_start3A_199 : memref<40xi32, #tpu.memory_space<vmem>>) semaphore(%arg23 : memref<!tpu.dma_semaphore, #tpu.memory_space<semaphore_mem>>) {add = true}
      %add3A_203 = arith.constant 1 : i32
      %add3A_204 = arith.addi %scan3A_88, %add3A_203 : i32
      %lt3A_205 = arith.constant 50 : i32
      %lt3A_206 = arith.cmpi slt, %add3A_204, %lt3A_205 : i32
      %convert_element_type3A_207 = arith.extui %lt3A_206 : i1 to i32
      %cond3A_208 = arith.constant 0 : i32
      %cond3A_209 = arith.cmpi ne, %convert_element_type3A_207, %cond3A_208 : i32
      scf.if %cond3A_209 {
        %sub3A_210 = arith.constant 1 : i32
        %sub3A_211 = arith.subi %add3A_190, %sub3A_210 : i32
        %dma_wait3A_212 = arith.constant 0 : i32
        %dma_wait3A_213 = tpu.memref_slice %arg7[%sub3A_211, %dma_wait3A_212] : memref<250x40xi32, #tpu.memory_space<vmem>> -> memref<1x40xi32, #tpu.memory_space<vmem>>
        %dma_wait3A_214 = tpu.memref_squeeze %dma_wait3A_213 : memref<1x40xi32, #tpu.memory_space<vmem>> -> memref<40xi32, #tpu.memory_space<vmem>>
        %dma_wait3A_215 = arith.constant 0 : i32
        %dma_wait3A_216 = arith.constant 0 : i32
        %dma_wait3A_217 = tpu.memref_slice %arg13[%dma_wait3A_215, %dma_wait3A_216] : memref<10000x128xf32, #tpu.memory_space<vmem_shared>> -> memref<10000x128xf32, #tpu.memory_space<vmem_shared>>
        tpu.wait_indirect_dma semaphore(%arg22 : memref<!tpu.dma_semaphore, #tpu.memory_space<semaphore_mem>>) src(%arg11 : memref<40x128xf32, #tpu.memory_space<vmem>>) dst(%dma_wait3A_217 : memref<10000x128xf32, #tpu.memory_space<vmem_shared>>)
        %add3A_218 = arith.constant 5 : i32
        %add3A_219 = arith.addi %add3A_190, %add3A_218 : i32
        %sub3A_220 = arith.constant 1 : i32
        %sub3A_221 = arith.subi %add3A_219, %sub3A_220 : i32
        %dma_start3A_222 = arith.constant 0 : i32
        %dma_start3A_223 = tpu.memref_slice %arg6[%sub3A_221, %dma_start3A_222] : memref<250x40xi32, #tpu.memory_space<vmem>> -> memref<1x40xi32, #tpu.memory_space<vmem>>
        %dma_start3A_224 = tpu.memref_squeeze %dma_start3A_223 : memref<1x40xi32, #tpu.memory_space<vmem>> -> memref<40xi32, #tpu.memory_space<vmem>>
        %dma_start3A_225 = arith.constant 0 : i32
        %dma_start3A_226 = arith.constant 0 : i32
        %dma_start3A_227 = tpu.memref_slice %arg2[%dma_start3A_225, %dma_start3A_226] : memref<20000x128xf32, #tpu.memory_space<hbm>> -> memref<20000x128xf32, #tpu.memory_space<hbm>>
        tpu.enqueue_indirect_dma source(%dma_start3A_227 : memref<20000x128xf32, #tpu.memory_space<hbm>>) target(%arg11 : memref<40x128xf32, #tpu.memory_space<vmem>>) offsets(%dma_start3A_224 : memref<40xi32, #tpu.memory_space<vmem>>) semaphore(%arg17 : memref<!tpu.dma_semaphore, #tpu.memory_space<semaphore_mem>>)
      } else {
      }
    }
    %scan3A_42 = arith.constant 50 : i32
    %dma_wait3A = arith.constant 245 : i32
    %dma_wait3A_43 = arith.constant 0 : i32
    %dma_wait3A_44 = tpu.memref_slice %arg7[%dma_wait3A, %dma_wait3A_43] : memref<250x40xi32, #tpu.memory_space<vmem>> -> memref<1x40xi32, #tpu.memory_space<vmem>>
    %dma_wait3A_45 = tpu.memref_squeeze %dma_wait3A_44 : memref<1x40xi32, #tpu.memory_space<vmem>> -> memref<40xi32, #tpu.memory_space<vmem>>
    %dma_wait3A_46 = arith.constant 0 : i32
    %dma_wait3A_47 = arith.constant 0 : i32
    %dma_wait3A_48 = tpu.memref_slice %arg13[%dma_wait3A_46, %dma_wait3A_47] : memref<10000x128xf32, #tpu.memory_space<vmem_shared>> -> memref<10000x128xf32, #tpu.memory_space<vmem_shared>>
    tpu.wait_indirect_dma semaphore(%arg19 : memref<!tpu.dma_semaphore, #tpu.memory_space<semaphore_mem>>) src(%arg8 : memref<40x128xf32, #tpu.memory_space<vmem>>) dst(%dma_wait3A_48 : memref<10000x128xf32, #tpu.memory_space<vmem_shared>>)
    %dma_wait3A_49 = arith.constant 246 : i32
    %dma_wait3A_50 = arith.constant 0 : i32
    %dma_wait3A_51 = tpu.memref_slice %arg7[%dma_wait3A_49, %dma_wait3A_50] : memref<250x40xi32, #tpu.memory_space<vmem>> -> memref<1x40xi32, #tpu.memory_space<vmem>>
    %dma_wait3A_52 = tpu.memref_squeeze %dma_wait3A_51 : memref<1x40xi32, #tpu.memory_space<vmem>> -> memref<40xi32, #tpu.memory_space<vmem>>
    %dma_wait3A_53 = arith.constant 0 : i32
    %dma_wait3A_54 = arith.constant 0 : i32
    %dma_wait3A_55 = tpu.memref_slice %arg13[%dma_wait3A_53, %dma_wait3A_54] : memref<10000x128xf32, #tpu.memory_space<vmem_shared>> -> memref<10000x128xf32, #tpu.memory_space<vmem_shared>>
    tpu.wait_indirect_dma semaphore(%arg20 : memref<!tpu.dma_semaphore, #tpu.memory_space<semaphore_mem>>) src(%arg9 : memref<40x128xf32, #tpu.memory_space<vmem>>) dst(%dma_wait3A_55 : memref<10000x128xf32, #tpu.memory_space<vmem_shared>>)
    %dma_wait3A_56 = arith.constant 247 : i32
    %dma_wait3A_57 = arith.constant 0 : i32
    %dma_wait3A_58 = tpu.memref_slice %arg7[%dma_wait3A_56, %dma_wait3A_57] : memref<250x40xi32, #tpu.memory_space<vmem>> -> memref<1x40xi32, #tpu.memory_space<vmem>>
    %dma_wait3A_59 = tpu.memref_squeeze %dma_wait3A_58 : memref<1x40xi32, #tpu.memory_space<vmem>> -> memref<40xi32, #tpu.memory_space<vmem>>
    %dma_wait3A_60 = arith.constant 0 : i32
    %dma_wait3A_61 = arith.constant 0 : i32
    %dma_wait3A_62 = tpu.memref_slice %arg13[%dma_wait3A_60, %dma_wait3A_61] : memref<10000x128xf32, #tpu.memory_space<vmem_shared>> -> memref<10000x128xf32, #tpu.memory_space<vmem_shared>>
    tpu.wait_indirect_dma semaphore(%arg21 : memref<!tpu.dma_semaphore, #tpu.memory_space<semaphore_mem>>) src(%arg10 : memref<40x128xf32, #tpu.memory_space<vmem>>) dst(%dma_wait3A_62 : memref<10000x128xf32, #tpu.memory_space<vmem_shared>>)
    %dma_wait3A_63 = arith.constant 248 : i32
    %dma_wait3A_64 = arith.constant 0 : i32
    %dma_wait3A_65 = tpu.memref_slice %arg7[%dma_wait3A_63, %dma_wait3A_64] : memref<250x40xi32, #tpu.memory_space<vmem>> -> memref<1x40xi32, #tpu.memory_space<vmem>>
    %dma_wait3A_66 = tpu.memref_squeeze %dma_wait3A_65 : memref<1x40xi32, #tpu.memory_space<vmem>> -> memref<40xi32, #tpu.memory_space<vmem>>
    %dma_wait3A_67 = arith.constant 0 : i32
    %dma_wait3A_68 = arith.constant 0 : i32
    %dma_wait3A_69 = tpu.memref_slice %arg13[%dma_wait3A_67, %dma_wait3A_68] : memref<10000x128xf32, #tpu.memory_space<vmem_shared>> -> memref<10000x128xf32, #tpu.memory_space<vmem_shared>>
    tpu.wait_indirect_dma semaphore(%arg22 : memref<!tpu.dma_semaphore, #tpu.memory_space<semaphore_mem>>) src(%arg11 : memref<40x128xf32, #tpu.memory_space<vmem>>) dst(%dma_wait3A_69 : memref<10000x128xf32, #tpu.memory_space<vmem_shared>>)
    %dma_wait3A_70 = arith.constant 249 : i32
    %dma_wait3A_71 = arith.constant 0 : i32
    %dma_wait3A_72 = tpu.memref_slice %arg7[%dma_wait3A_70, %dma_wait3A_71] : memref<250x40xi32, #tpu.memory_space<vmem>> -> memref<1x40xi32, #tpu.memory_space<vmem>>
    %dma_wait3A_73 = tpu.memref_squeeze %dma_wait3A_72 : memref<1x40xi32, #tpu.memory_space<vmem>> -> memref<40xi32, #tpu.memory_space<vmem>>
    %dma_wait3A_74 = arith.constant 0 : i32
    %dma_wait3A_75 = arith.constant 0 : i32
    %dma_wait3A_76 = tpu.memref_slice %arg13[%dma_wait3A_74, %dma_wait3A_75] : memref<10000x128xf32, #tpu.memory_space<vmem_shared>> -> memref<10000x128xf32, #tpu.memory_space<vmem_shared>>
    tpu.wait_indirect_dma semaphore(%arg23 : memref<!tpu.dma_semaphore, #tpu.memory_space<semaphore_mem>>) src(%arg12 : memref<40x128xf32, #tpu.memory_space<vmem>>) dst(%dma_wait3A_76 : memref<10000x128xf32, #tpu.memory_space<vmem_shared>>)
    %barrier3A_77 = arith.constant 0 : index
    tpu.barrier barrier_id(%barrier3A_77)
    %lt3A_78 = arith.constant 15 : i32
    %lt3A_79 = arith.cmpi slt, %arg1, %lt3A_78 : i32
    %convert_element_type3A_80 = arith.extui %lt3A_79 : i1 to i32
    %cond3A_81 = arith.constant 0 : i32
    %cond3A_82 = arith.cmpi ne, %convert_element_type3A_80, %cond3A_81 : i32
    scf.if %cond3A_82 {
      %mul3A_88 = arith.constant 624 : i32
      %mul3A_89 = arith.muli %arg1, %mul3A_88 : i32
      %multiple_of3A = tpu.assume_multiple %mul3A_89, 8 : i32
      "tpu.region"() ({
        %run_scoped3A = tpu.sem_alloc : memref<!tpu.dma_semaphore, #tpu.memory_space<semaphore_mem>>
        %dma_start3A_90 = arith.constant 0 : i32
        %dma_start3A_91 = tpu.memref_slice %arg5[%arg0, %multiple_of3A, %dma_start3A_90] : memref<2x10000x128xf32, #tpu.memory_space<hbm>> -> memref<1x624x128xf32, #tpu.memory_space<hbm>>
        %dma_start3A_92 = tpu.memref_squeeze %dma_start3A_91 : memref<1x624x128xf32, #tpu.memory_space<hbm>> -> memref<624x128xf32, #tpu.memory_space<hbm>>
        %dma_start3A_93 = arith.constant 0 : i32
        %dma_start3A_94 = tpu.memref_slice %arg13[%multiple_of3A, %dma_start3A_93] : memref<10000x128xf32, #tpu.memory_space<vmem_shared>> -> memref<624x128xf32, #tpu.memory_space<vmem_shared>>
        tpu.enqueue_dma source(%dma_start3A_94 : memref<624x128xf32, #tpu.memory_space<vmem_shared>>) target(%dma_start3A_92 : memref<624x128xf32, #tpu.memory_space<hbm>>) target_semaphore(%run_scoped3A : memref<!tpu.dma_semaphore, #tpu.memory_space<semaphore_mem>>)
        %dma_wait3A_95 = arith.constant 0 : i32
        %dma_wait3A_96 = tpu.memref_slice %arg5[%arg0, %multiple_of3A, %dma_wait3A_95] : memref<2x10000x128xf32, #tpu.memory_space<hbm>> -> memref<1x624x128xf32, #tpu.memory_space<hbm>>
        %dma_wait3A_97 = tpu.memref_squeeze %dma_wait3A_96 : memref<1x624x128xf32, #tpu.memory_space<hbm>> -> memref<624x128xf32, #tpu.memory_space<hbm>>
        %dma_wait3A_98 = arith.constant 0 : i32
        %dma_wait3A_99 = tpu.memref_slice %arg13[%multiple_of3A, %dma_wait3A_98] : memref<10000x128xf32, #tpu.memory_space<vmem_shared>> -> memref<624x128xf32, #tpu.memory_space<vmem_shared>>
        tpu.wait_dma2 semaphore(%run_scoped3A : memref<!tpu.dma_semaphore, #tpu.memory_space<semaphore_mem>>) src(%dma_wait3A_99 : memref<624x128xf32, #tpu.memory_space<vmem_shared>>) dst(%dma_wait3A_97 : memref<624x128xf32, #tpu.memory_space<hbm>>)
        tpu.yield
      }) : () -> ()
    } else {
    }
    %eq3A_83 = arith.constant 15 : i32
    %eq3A_84 = arith.cmpi eq, %arg1, %eq3A_83 : i32
    %convert_element_type3A_85 = arith.extui %eq3A_84 : i1 to i32
    %cond3A_86 = arith.constant 0 : i32
    %cond3A_87 = arith.cmpi ne, %convert_element_type3A_85, %cond3A_86 : i32
    scf.if %cond3A_87 {
      "tpu.region"() ({
        %run_scoped3A = tpu.sem_alloc : memref<!tpu.dma_semaphore, #tpu.memory_space<semaphore_mem>>
        %dma_start3A_88 = arith.constant 9360 : i32
        %dma_start3A_89 = arith.constant 0 : i32
        %dma_start3A_90 = tpu.memref_slice %arg5[%arg0, %dma_start3A_88, %dma_start3A_89] : memref<2x10000x128xf32, #tpu.memory_space<hbm>> -> memref<1x640x128xf32, #tpu.memory_space<hbm>>
        %dma_start3A_91 = tpu.memref_squeeze %dma_start3A_90 : memref<1x640x128xf32, #tpu.memory_space<hbm>> -> memref<640x128xf32, #tpu.memory_space<hbm>>
        %dma_start3A_92 = arith.constant 9360 : i32
        %dma_start3A_93 = arith.constant 0 : i32
        %dma_start3A_94 = tpu.memref_slice %arg13[%dma_start3A_92, %dma_start3A_93] : memref<10000x128xf32, #tpu.memory_space<vmem_shared>> -> memref<640x128xf32, #tpu.memory_space<vmem_shared>>
        tpu.enqueue_dma source(%dma_start3A_94 : memref<640x128xf32, #tpu.memory_space<vmem_shared>>) target(%dma_start3A_91 : memref<640x128xf32, #tpu.memory_space<hbm>>) target_semaphore(%run_scoped3A : memref<!tpu.dma_semaphore, #tpu.memory_space<semaphore_mem>>)
        %dma_wait3A_95 = arith.constant 9360 : i32
        %dma_wait3A_96 = arith.constant 0 : i32
        %dma_wait3A_97 = tpu.memref_slice %arg5[%arg0, %dma_wait3A_95, %dma_wait3A_96] : memref<2x10000x128xf32, #tpu.memory_space<hbm>> -> memref<1x640x128xf32, #tpu.memory_space<hbm>>
        %dma_wait3A_98 = tpu.memref_squeeze %dma_wait3A_97 : memref<1x640x128xf32, #tpu.memory_space<hbm>> -> memref<640x128xf32, #tpu.memory_space<hbm>>
        %dma_wait3A_99 = arith.constant 9360 : i32
        %dma_wait3A_100 = arith.constant 0 : i32
        %dma_wait3A_101 = tpu.memref_slice %arg13[%dma_wait3A_99, %dma_wait3A_100] : memref<10000x128xf32, #tpu.memory_space<vmem_shared>> -> memref<640x128xf32, #tpu.memory_space<vmem_shared>>
        tpu.wait_dma2 semaphore(%run_scoped3A : memref<!tpu.dma_semaphore, #tpu.memory_space<semaphore_mem>>) src(%dma_wait3A_101 : memref<640x128xf32, #tpu.memory_space<vmem_shared>>) dst(%dma_wait3A_98 : memref<640x128xf32, #tpu.memory_space<hbm>>)
        tpu.yield
      }) : () -> ()
    } else {
    }
    return
  }
}

#map = affine_map<(d0, d1) -> (0, 0)>
#map1 = affine_map<(d0, d1) -> (0, 0, 0)>
module attributes {stable_mosaic.version = 14 : i64} {
  func.func @deg_kernel(%arg0: i32, %arg1: i32, %arg2: memref<4000x40xi32, #tpu.memory_space<hbm>>, %arg3: memref<10000x8xf32, #tpu.memory_space<hbm>>, %arg4: memref<40x8xf32, #tpu.memory_space<hbm>>, %arg5: memref<2x10000x8xf32, #tpu.memory_space<hbm>>, %arg6: memref<125x40xi32, #tpu.memory_space<vmem>>, %arg7: memref<40x8xf32, #tpu.memory_space<vmem>>, %arg8: memref<10000x8xf32, #tpu.memory_space<vmem_shared>>, %arg9: memref<!tpu.dma_semaphore, #tpu.memory_space<semaphore_mem>>) attributes {dimension_semantics = [#tpu.dimension_semantics<core_parallel>, #tpu.dimension_semantics<subcore_parallel>], iteration_bounds = array<i64: 2, 16>, scalar_prefetch = 0 : i64, scratch_operands = 4 : i64, tpu.core_type = #tpu.core_type<sc_vector_subcore>, window_params = [{transform_indices = #map}, {transform_indices = #map}, {transform_indices = #map}, {transform_indices = #map1}]} {
    %mul3A = arith.constant 16 : i32
    %mul3A_0 = arith.muli %arg0, %mul3A : i32
    %add3A = arith.addi %mul3A_0, %arg1 : i32
    %mul3A_1 = arith.constant 125 : i32
    %mul3A_2 = arith.muli %add3A, %mul3A_1 : i32
    "tpu.region"() ({
      %run_scoped3A = tpu.sem_alloc : memref<!tpu.dma_semaphore, #tpu.memory_space<semaphore_mem>>
      %dma_start3A = arith.constant 0 : i32
      %dma_start3A_31 = tpu.memref_slice %arg2[%mul3A_2, %dma_start3A] : memref<4000x40xi32, #tpu.memory_space<hbm>> -> memref<125x40xi32, #tpu.memory_space<hbm>>
      %dma_start3A_32 = arith.constant 0 : i32
      %dma_start3A_33 = tpu.memref_slice %arg2[%mul3A_2, %dma_start3A_32] : memref<4000x40xi32, #tpu.memory_space<hbm>> -> memref<125x40xi32, #tpu.memory_space<hbm>>
      tpu.enqueue_dma source(%dma_start3A_33 : memref<125x40xi32, #tpu.memory_space<hbm>>) target(%arg6 : memref<125x40xi32, #tpu.memory_space<vmem>>) target_semaphore(%run_scoped3A : memref<!tpu.dma_semaphore, #tpu.memory_space<semaphore_mem>>)
      %dma_wait3A = arith.constant 0 : i32
      %dma_wait3A_34 = tpu.memref_slice %arg2[%mul3A_2, %dma_wait3A] : memref<4000x40xi32, #tpu.memory_space<hbm>> -> memref<125x40xi32, #tpu.memory_space<hbm>>
      %dma_wait3A_35 = arith.constant 0 : i32
      %dma_wait3A_36 = tpu.memref_slice %arg2[%mul3A_2, %dma_wait3A_35] : memref<4000x40xi32, #tpu.memory_space<hbm>> -> memref<125x40xi32, #tpu.memory_space<hbm>>
      tpu.wait_dma2 semaphore(%run_scoped3A : memref<!tpu.dma_semaphore, #tpu.memory_space<semaphore_mem>>) src(%dma_wait3A_36 : memref<125x40xi32, #tpu.memory_space<hbm>>) dst(%arg6 : memref<125x40xi32, #tpu.memory_space<vmem>>)
      tpu.yield
    }) : () -> ()
    "tpu.region"() ({
      %run_scoped3A = tpu.sem_alloc : memref<!tpu.dma_semaphore, #tpu.memory_space<semaphore_mem>>
      tpu.enqueue_dma source(%arg4 : memref<40x8xf32, #tpu.memory_space<hbm>>) target(%arg7 : memref<40x8xf32, #tpu.memory_space<vmem>>) target_semaphore(%run_scoped3A : memref<!tpu.dma_semaphore, #tpu.memory_space<semaphore_mem>>)
      tpu.wait_dma2 semaphore(%run_scoped3A : memref<!tpu.dma_semaphore, #tpu.memory_space<semaphore_mem>>) src(%arg4 : memref<40x8xf32, #tpu.memory_space<hbm>>) dst(%arg7 : memref<40x8xf32, #tpu.memory_space<vmem>>)
      tpu.yield
    }) : () -> ()
    %lt3A = arith.constant 15 : i32
    %lt3A_3 = arith.cmpi slt, %arg1, %lt3A : i32
    %convert_element_type3A = arith.extui %lt3A_3 : i1 to i32
    %cond3A = arith.constant 0 : i32
    %cond3A_4 = arith.cmpi ne, %convert_element_type3A, %cond3A : i32
    scf.if %cond3A_4 {
      %mul3A_31 = arith.constant 624 : i32
      %mul3A_32 = arith.muli %arg1, %mul3A_31 : i32
      %multiple_of3A = tpu.assume_multiple %mul3A_32, 8 : i32
      "tpu.region"() ({
        %run_scoped3A = tpu.sem_alloc : memref<!tpu.dma_semaphore, #tpu.memory_space<semaphore_mem>>
        %dma_start3A = arith.constant 0 : i32
        %dma_start3A_33 = tpu.memref_slice %arg8[%multiple_of3A, %dma_start3A] : memref<10000x8xf32, #tpu.memory_space<vmem_shared>> -> memref<624x8xf32, #tpu.memory_space<vmem_shared>>
        %dma_start3A_34 = arith.constant 0 : i32
        %dma_start3A_35 = tpu.memref_slice %arg3[%multiple_of3A, %dma_start3A_34] : memref<10000x8xf32, #tpu.memory_space<hbm>> -> memref<624x8xf32, #tpu.memory_space<hbm>>
        tpu.enqueue_dma source(%dma_start3A_35 : memref<624x8xf32, #tpu.memory_space<hbm>>) target(%dma_start3A_33 : memref<624x8xf32, #tpu.memory_space<vmem_shared>>) target_semaphore(%run_scoped3A : memref<!tpu.dma_semaphore, #tpu.memory_space<semaphore_mem>>)
        %dma_wait3A = arith.constant 0 : i32
        %dma_wait3A_36 = tpu.memref_slice %arg8[%multiple_of3A, %dma_wait3A] : memref<10000x8xf32, #tpu.memory_space<vmem_shared>> -> memref<624x8xf32, #tpu.memory_space<vmem_shared>>
        %dma_wait3A_37 = arith.constant 0 : i32
        %dma_wait3A_38 = tpu.memref_slice %arg3[%multiple_of3A, %dma_wait3A_37] : memref<10000x8xf32, #tpu.memory_space<hbm>> -> memref<624x8xf32, #tpu.memory_space<hbm>>
        tpu.wait_dma2 semaphore(%run_scoped3A : memref<!tpu.dma_semaphore, #tpu.memory_space<semaphore_mem>>) src(%dma_wait3A_38 : memref<624x8xf32, #tpu.memory_space<hbm>>) dst(%dma_wait3A_36 : memref<624x8xf32, #tpu.memory_space<vmem_shared>>)
        tpu.yield
      }) : () -> ()
    } else {
    }
    %eq3A = arith.constant 15 : i32
    %eq3A_5 = arith.cmpi eq, %arg1, %eq3A : i32
    %convert_element_type3A_6 = arith.extui %eq3A_5 : i1 to i32
    %cond3A_7 = arith.constant 0 : i32
    %cond3A_8 = arith.cmpi ne, %convert_element_type3A_6, %cond3A_7 : i32
    scf.if %cond3A_8 {
      "tpu.region"() ({
        %run_scoped3A = tpu.sem_alloc : memref<!tpu.dma_semaphore, #tpu.memory_space<semaphore_mem>>
        %dma_start3A = arith.constant 9360 : i32
        %dma_start3A_31 = arith.constant 0 : i32
        %dma_start3A_32 = tpu.memref_slice %arg8[%dma_start3A, %dma_start3A_31] : memref<10000x8xf32, #tpu.memory_space<vmem_shared>> -> memref<640x8xf32, #tpu.memory_space<vmem_shared>>
        %dma_start3A_33 = arith.constant 9360 : i32
        %dma_start3A_34 = arith.constant 0 : i32
        %dma_start3A_35 = tpu.memref_slice %arg3[%dma_start3A_33, %dma_start3A_34] : memref<10000x8xf32, #tpu.memory_space<hbm>> -> memref<640x8xf32, #tpu.memory_space<hbm>>
        tpu.enqueue_dma source(%dma_start3A_35 : memref<640x8xf32, #tpu.memory_space<hbm>>) target(%dma_start3A_32 : memref<640x8xf32, #tpu.memory_space<vmem_shared>>) target_semaphore(%run_scoped3A : memref<!tpu.dma_semaphore, #tpu.memory_space<semaphore_mem>>)
        %dma_wait3A = arith.constant 9360 : i32
        %dma_wait3A_36 = arith.constant 0 : i32
        %dma_wait3A_37 = tpu.memref_slice %arg8[%dma_wait3A, %dma_wait3A_36] : memref<10000x8xf32, #tpu.memory_space<vmem_shared>> -> memref<640x8xf32, #tpu.memory_space<vmem_shared>>
        %dma_wait3A_38 = arith.constant 9360 : i32
        %dma_wait3A_39 = arith.constant 0 : i32
        %dma_wait3A_40 = tpu.memref_slice %arg3[%dma_wait3A_38, %dma_wait3A_39] : memref<10000x8xf32, #tpu.memory_space<hbm>> -> memref<640x8xf32, #tpu.memory_space<hbm>>
        tpu.wait_dma2 semaphore(%run_scoped3A : memref<!tpu.dma_semaphore, #tpu.memory_space<semaphore_mem>>) src(%dma_wait3A_40 : memref<640x8xf32, #tpu.memory_space<hbm>>) dst(%dma_wait3A_37 : memref<640x8xf32, #tpu.memory_space<vmem_shared>>)
        tpu.yield
      }) : () -> ()
    } else {
    }
    %barrier3A = arith.constant 0 : index
    tpu.barrier barrier_id(%barrier3A)
    %scan3A = arith.constant 0 : i32
    %scan3A_9 = arith.constant 0 : i32
    %scan3A_10 = arith.constant 125 : i32
    %scan3A_11 = arith.addi %scan3A_9, %scan3A_10 : i32
    %scan3A_12 = arith.constant 1 : i32
    scf.for %scan3A_31 = %scan3A_9 to %scan3A_11 step %scan3A_12  : i32 {
      %dma_start3A = arith.constant 0 : i32
      %dma_start3A_32 = tpu.memref_slice %arg6[%scan3A_31, %dma_start3A] : memref<125x40xi32, #tpu.memory_space<vmem>> -> memref<1x40xi32, #tpu.memory_space<vmem>>
      %dma_start3A_33 = tpu.memref_squeeze %dma_start3A_32 : memref<1x40xi32, #tpu.memory_space<vmem>> -> memref<40xi32, #tpu.memory_space<vmem>>
      %dma_start3A_34 = arith.constant 0 : i32
      %dma_start3A_35 = arith.constant 0 : i32
      %dma_start3A_36 = tpu.memref_slice %arg8[%dma_start3A_34, %dma_start3A_35] : memref<10000x8xf32, #tpu.memory_space<vmem_shared>> -> memref<10000x8xf32, #tpu.memory_space<vmem_shared>>
      tpu.enqueue_indirect_dma source(%arg7 : memref<40x8xf32, #tpu.memory_space<vmem>>) target(%dma_start3A_36 : memref<10000x8xf32, #tpu.memory_space<vmem_shared>>) offsets(%dma_start3A_33 : memref<40xi32, #tpu.memory_space<vmem>>) semaphore(%arg9 : memref<!tpu.dma_semaphore, #tpu.memory_space<semaphore_mem>>) {add = true}
    }
    %scan3A_13 = arith.constant 125 : i32
    %scan3A_14 = arith.constant 0 : i32
    %scan3A_15 = arith.constant 0 : i32
    %scan3A_16 = arith.constant 125 : i32
    %scan3A_17 = arith.addi %scan3A_15, %scan3A_16 : i32
    %scan3A_18 = arith.constant 1 : i32
    scf.for %scan3A_31 = %scan3A_15 to %scan3A_17 step %scan3A_18  : i32 {
      %dma_wait3A = arith.constant 0 : i32
      %dma_wait3A_32 = tpu.memref_slice %arg6[%scan3A_31, %dma_wait3A] : memref<125x40xi32, #tpu.memory_space<vmem>> -> memref<1x40xi32, #tpu.memory_space<vmem>>
      %dma_wait3A_33 = tpu.memref_squeeze %dma_wait3A_32 : memref<1x40xi32, #tpu.memory_space<vmem>> -> memref<40xi32, #tpu.memory_space<vmem>>
      %dma_wait3A_34 = arith.constant 0 : i32
      %dma_wait3A_35 = arith.constant 0 : i32
      %dma_wait3A_36 = tpu.memref_slice %arg8[%dma_wait3A_34, %dma_wait3A_35] : memref<10000x8xf32, #tpu.memory_space<vmem_shared>> -> memref<10000x8xf32, #tpu.memory_space<vmem_shared>>
      tpu.wait_indirect_dma semaphore(%arg9 : memref<!tpu.dma_semaphore, #tpu.memory_space<semaphore_mem>>) src(%arg7 : memref<40x8xf32, #tpu.memory_space<vmem>>) dst(%dma_wait3A_36 : memref<10000x8xf32, #tpu.memory_space<vmem_shared>>)
    }
    %scan3A_19 = arith.constant 125 : i32
    %barrier3A_20 = arith.constant 0 : index
    tpu.barrier barrier_id(%barrier3A_20)
    %lt3A_21 = arith.constant 15 : i32
    %lt3A_22 = arith.cmpi slt, %arg1, %lt3A_21 : i32
    %convert_element_type3A_23 = arith.extui %lt3A_22 : i1 to i32
    %cond3A_24 = arith.constant 0 : i32
    %cond3A_25 = arith.cmpi ne, %convert_element_type3A_23, %cond3A_24 : i32
    scf.if %cond3A_25 {
      %mul3A_31 = arith.constant 624 : i32
      %mul3A_32 = arith.muli %arg1, %mul3A_31 : i32
      %multiple_of3A = tpu.assume_multiple %mul3A_32, 8 : i32
      "tpu.region"() ({
        %run_scoped3A = tpu.sem_alloc : memref<!tpu.dma_semaphore, #tpu.memory_space<semaphore_mem>>
        %dma_start3A = arith.constant 0 : i32
        %dma_start3A_33 = tpu.memref_slice %arg5[%arg0, %multiple_of3A, %dma_start3A] : memref<2x10000x8xf32, #tpu.memory_space<hbm>> -> memref<1x624x8xf32, #tpu.memory_space<hbm>>
        %dma_start3A_34 = tpu.memref_squeeze %dma_start3A_33 : memref<1x624x8xf32, #tpu.memory_space<hbm>> -> memref<624x8xf32, #tpu.memory_space<hbm>>
        %dma_start3A_35 = arith.constant 0 : i32
        %dma_start3A_36 = tpu.memref_slice %arg8[%multiple_of3A, %dma_start3A_35] : memref<10000x8xf32, #tpu.memory_space<vmem_shared>> -> memref<624x8xf32, #tpu.memory_space<vmem_shared>>
        tpu.enqueue_dma source(%dma_start3A_36 : memref<624x8xf32, #tpu.memory_space<vmem_shared>>) target(%dma_start3A_34 : memref<624x8xf32, #tpu.memory_space<hbm>>) target_semaphore(%run_scoped3A : memref<!tpu.dma_semaphore, #tpu.memory_space<semaphore_mem>>)
        %dma_wait3A = arith.constant 0 : i32
        %dma_wait3A_37 = tpu.memref_slice %arg5[%arg0, %multiple_of3A, %dma_wait3A] : memref<2x10000x8xf32, #tpu.memory_space<hbm>> -> memref<1x624x8xf32, #tpu.memory_space<hbm>>
        %dma_wait3A_38 = tpu.memref_squeeze %dma_wait3A_37 : memref<1x624x8xf32, #tpu.memory_space<hbm>> -> memref<624x8xf32, #tpu.memory_space<hbm>>
        %dma_wait3A_39 = arith.constant 0 : i32
        %dma_wait3A_40 = tpu.memref_slice %arg8[%multiple_of3A, %dma_wait3A_39] : memref<10000x8xf32, #tpu.memory_space<vmem_shared>> -> memref<624x8xf32, #tpu.memory_space<vmem_shared>>
        tpu.wait_dma2 semaphore(%run_scoped3A : memref<!tpu.dma_semaphore, #tpu.memory_space<semaphore_mem>>) src(%dma_wait3A_40 : memref<624x8xf32, #tpu.memory_space<vmem_shared>>) dst(%dma_wait3A_38 : memref<624x8xf32, #tpu.memory_space<hbm>>)
        tpu.yield
      }) : () -> ()
    } else {
    }
    %eq3A_26 = arith.constant 15 : i32
    %eq3A_27 = arith.cmpi eq, %arg1, %eq3A_26 : i32
    %convert_element_type3A_28 = arith.extui %eq3A_27 : i1 to i32
    %cond3A_29 = arith.constant 0 : i32
    %cond3A_30 = arith.cmpi ne, %convert_element_type3A_28, %cond3A_29 : i32
    scf.if %cond3A_30 {
      "tpu.region"() ({
        %run_scoped3A = tpu.sem_alloc : memref<!tpu.dma_semaphore, #tpu.memory_space<semaphore_mem>>
        %dma_start3A = arith.constant 9360 : i32
        %dma_start3A_31 = arith.constant 0 : i32
        %dma_start3A_32 = tpu.memref_slice %arg5[%arg0, %dma_start3A, %dma_start3A_31] : memref<2x10000x8xf32, #tpu.memory_space<hbm>> -> memref<1x640x8xf32, #tpu.memory_space<hbm>>
        %dma_start3A_33 = tpu.memref_squeeze %dma_start3A_32 : memref<1x640x8xf32, #tpu.memory_space<hbm>> -> memref<640x8xf32, #tpu.memory_space<hbm>>
        %dma_start3A_34 = arith.constant 9360 : i32
        %dma_start3A_35 = arith.constant 0 : i32
        %dma_start3A_36 = tpu.memref_slice %arg8[%dma_start3A_34, %dma_start3A_35] : memref<10000x8xf32, #tpu.memory_space<vmem_shared>> -> memref<640x8xf32, #tpu.memory_space<vmem_shared>>
        tpu.enqueue_dma source(%dma_start3A_36 : memref<640x8xf32, #tpu.memory_space<vmem_shared>>) target(%dma_start3A_33 : memref<640x8xf32, #tpu.memory_space<hbm>>) target_semaphore(%run_scoped3A : memref<!tpu.dma_semaphore, #tpu.memory_space<semaphore_mem>>)
        %dma_wait3A = arith.constant 9360 : i32
        %dma_wait3A_37 = arith.constant 0 : i32
        %dma_wait3A_38 = tpu.memref_slice %arg5[%arg0, %dma_wait3A, %dma_wait3A_37] : memref<2x10000x8xf32, #tpu.memory_space<hbm>> -> memref<1x640x8xf32, #tpu.memory_space<hbm>>
        %dma_wait3A_39 = tpu.memref_squeeze %dma_wait3A_38 : memref<1x640x8xf32, #tpu.memory_space<hbm>> -> memref<640x8xf32, #tpu.memory_space<hbm>>
        %dma_wait3A_40 = arith.constant 9360 : i32
        %dma_wait3A_41 = arith.constant 0 : i32
        %dma_wait3A_42 = tpu.memref_slice %arg8[%dma_wait3A_40, %dma_wait3A_41] : memref<10000x8xf32, #tpu.memory_space<vmem_shared>> -> memref<640x8xf32, #tpu.memory_space<vmem_shared>>
        tpu.wait_dma2 semaphore(%run_scoped3A : memref<!tpu.dma_semaphore, #tpu.memory_space<semaphore_mem>>) src(%dma_wait3A_42 : memref<640x8xf32, #tpu.memory_space<vmem_shared>>) dst(%dma_wait3A_39 : memref<640x8xf32, #tpu.memory_space<hbm>>)
        tpu.yield
      }) : () -> ()
    } else {
    }
    return
  }
}

module attributes {stable_mosaic.version = 14 : i64} {
  func.func @body(%arg0: i32, %arg1: memref<1000x256xf32, #tpu.memory_space<vmem>>, %arg2: memref<256x256xf32, #tpu.memory_space<vmem>>, %arg3: memref<1000x1xf32, #tpu.memory_space<vmem>>, %arg4: memref<1000x1xf32, #tpu.memory_space<vmem>>, %arg5: memref<2x1000x128xf32, #tpu.memory_space<vmem>>, %arg6: memref<1000x1xf32, #tpu.memory_space<vmem>>) attributes {dimension_semantics = [#tpu.dimension_semantics<arbitrary>], iteration_bounds = array<i64: 10>, scalar_prefetch = 0 : i64, scratch_operands = 0 : i64, tpu.core_type = #tpu.core_type<tc>, window_params = [{transform_indices = @transform_0, window_bounds = array<i64: 1000, 256>}, {pipeline_mode = #tpu.pipeline_mode<synchronous>, transform_indices = @transform_1, window_bounds = array<i64: 256, 256>}, {transform_indices = @transform_2, window_bounds = array<i64: 1000, 1>}, {transform_indices = @transform_3, window_bounds = array<i64: 1000, 1>}, {transform_indices = @transform_4, window_bounds = array<i64: 2, 1000, 128>}, {transform_indices = @transform_5, window_bounds = array<i64: 1000, 1>}]} {
    %get3A = arith.constant 0 : index
    %get3A_0 = arith.constant 0 : index
    %get3A_1 = vector.load %arg3[%get3A, %get3A_0] : memref<1000x1xf32, #tpu.memory_space<vmem>>, vector<1000x1xf32>
    %get3A_2 = arith.constant 0 : index
    %get3A_3 = arith.constant 0 : index
    %get3A_4 = vector.load %arg4[%get3A_2, %get3A_3] : memref<1000x1xf32, #tpu.memory_space<vmem>>, vector<1000x1xf32>
    %add3A = arith.addf %get3A_1, %get3A_4 : vector<1000x1xf32>
    %add3A_5 = arith.constant 1.000000e+00 : f32
    %add3A_6 = vector.broadcast %add3A_5 : f32 to vector<1000x1xf32>
    %add3A_7 = arith.addf %add3A, %add3A_6 : vector<1000x1xf32>
    %rsqrt3A = math.rsqrt %add3A_7 : vector<1000x1xf32>
    %get3A_8 = arith.constant 0 : index
    %get3A_9 = arith.constant 0 : index
    %get3A_10 = vector.load %arg1[%get3A_8, %get3A_9] : memref<1000x256xf32, #tpu.memory_space<vmem>>, vector<1000x256xf32>
    %get3A_11 = arith.constant 0 : index
    %get3A_12 = arith.constant 0 : index
    %get3A_13 = vector.load %arg2[%get3A_11, %get3A_12] : memref<256x256xf32, #tpu.memory_space<vmem>>, vector<256x256xf32>
    %dot_general3A = arith.constant dense<0.000000e+00> : vector<1000x256xf32>
    %dot_general3A_14 = tpu.matmul %get3A_10, %get3A_13, %dot_general3A {dimension_numbers = #tpu.dot_dimension_numbers<[1], [0], [0], [1], [0, 0, 1, 1], [], []>, transpose_lhs_hint = false} : vector<1000x256xf32>, vector<256x256xf32>, vector<1000x256xf32> -> vector<1000x256xf32>
    %slice3A = vector.extract_strided_slice %dot_general3A_14 {offsets = [0, 0], sizes = [1000, 128], strides = [1, 1]} : vector<1000x256xf32> to vector<1000x128xf32>
    %mul3A = vector.broadcast %rsqrt3A : vector<1000x1xf32> to vector<1000x128xf32>
    %mul3A_15 = arith.mulf %slice3A, %mul3A : vector<1000x128xf32>
    %swap3A = arith.constant 0 : index
    %swap3A_16 = arith.constant 0 : index
    %swap3A_17 = arith.constant 0 : index
    %swap3A_18 = vector.load %arg5[%swap3A, %swap3A_16, %swap3A_17] : memref<2x1000x128xf32, #tpu.memory_space<vmem>>, vector<1x1000x128xf32>
    %swap3A_19 = vector.shape_cast %swap3A_18 : vector<1x1000x128xf32> to vector<1000x128xf32>
    %swap3A_20 = vector.shape_cast %mul3A_15 : vector<1000x128xf32> to vector<1x1000x128xf32>
    tpu.vector_store %arg5[%swap3A, %swap3A_16, %swap3A_17], %swap3A_20 {strides = array<i32>} : memref<2x1000x128xf32, #tpu.memory_space<vmem>>, vector<1x1000x128xf32>,
    %slice3A_21 = vector.extract_strided_slice %dot_general3A_14 {offsets = [0, 128], sizes = [1000, 128], strides = [1, 1]} : vector<1000x256xf32> to vector<1000x128xf32>
    %mul3A_22 = vector.broadcast %rsqrt3A : vector<1000x1xf32> to vector<1000x128xf32>
    %mul3A_23 = arith.mulf %slice3A_21, %mul3A_22 : vector<1000x128xf32>
    %swap3A_24 = arith.constant 1 : index
    %swap3A_25 = arith.constant 0 : index
    %swap3A_26 = arith.constant 0 : index
    %swap3A_27 = vector.load %arg5[%swap3A_24, %swap3A_25, %swap3A_26] : memref<2x1000x128xf32, #tpu.memory_space<vmem>>, vector<1x1000x128xf32>
    %swap3A_28 = vector.shape_cast %swap3A_27 : vector<1x1000x128xf32> to vector<1000x128xf32>
    %swap3A_29 = vector.shape_cast %mul3A_23 : vector<1000x128xf32> to vector<1x1000x128xf32>
    tpu.vector_store %arg5[%swap3A_24, %swap3A_25, %swap3A_26], %swap3A_29 {strides = array<i32>} : memref<2x1000x128xf32, #tpu.memory_space<vmem>>, vector<1x1000x128xf32>,
    %swap3A_30 = arith.constant 0 : index
    %swap3A_31 = arith.constant 0 : index
    %swap3A_32 = vector.load %arg6[%swap3A_30, %swap3A_31] : memref<1000x1xf32, #tpu.memory_space<vmem>>, vector<1000x1xf32>
    tpu.vector_store %arg6[%swap3A_30, %swap3A_31], %rsqrt3A {strides = array<i32>} : memref<1000x1xf32, #tpu.memory_space<vmem>>, vector<1000x1xf32>,
    return
  }
  func.func @transform_0(%arg0: i32) -> (i32, i32) {
    %c0_i32 = arith.constant 0 : i32
    %c0_i32_0 = arith.constant 0 : i32
    return %arg0, %c0_i32 : i32, i32
  }
  func.func @transform_1(%arg0: i32) -> (i32, i32) {
    %c0_i32 = arith.constant 0 : i32
    %c0_i32_0 = arith.constant 0 : i32
    %c0_i32_1 = arith.constant 0 : i32
    return %c0_i32, %c0_i32_0 : i32, i32
  }
  func.func @transform_2(%arg0: i32) -> (i32, i32) {
    %c0_i32 = arith.constant 0 : i32
    %c0_i32_0 = arith.constant 0 : i32
    return %arg0, %c0_i32 : i32, i32
  }
  func.func @transform_3(%arg0: i32) -> (i32, i32) {
    %c0_i32 = arith.constant 0 : i32
    %c0_i32_0 = arith.constant 0 : i32
    return %arg0, %c0_i32 : i32, i32
  }
  func.func @transform_4(%arg0: i32) -> (i32, i32, i32) {
    %c0_i32 = arith.constant 0 : i32
    %c0_i32_0 = arith.constant 0 : i32
    %c0_i32_1 = arith.constant 0 : i32
    return %c0_i32, %arg0, %c0_i32_0 : i32, i32, i32
  }
  func.func @transform_5(%arg0: i32) -> (i32, i32) {
    %c0_i32 = arith.constant 0 : i32
    %c0_i32_0 = arith.constant 0 : i32
    return %arg0, %c0_i32 : i32, i32
  }
}

module attributes {stable_mosaic.version = 14 : i64} {
  func.func @body(%arg0: i32, %arg1: memref<2x1000x128xf32, #tpu.memory_space<vmem>>, %arg2: memref<1000x1xf32, #tpu.memory_space<vmem>>, %arg3: memref<1x256xf32, #tpu.memory_space<vmem>>, %arg4: memref<256x64xf32, #tpu.memory_space<vmem>>, %arg5: memref<2x1000x32xf32, #tpu.memory_space<vmem>>) attributes {dimension_semantics = [#tpu.dimension_semantics<arbitrary>], iteration_bounds = array<i64: 10>, scalar_prefetch = 0 : i64, scratch_operands = 0 : i64, tpu.core_type = #tpu.core_type<tc>, window_params = [{transform_indices = @transform_0, window_bounds = array<i64: 2, 1000, 128>}, {transform_indices = @transform_1, window_bounds = array<i64: 1000, 1>}, {pipeline_mode = #tpu.pipeline_mode<synchronous>, transform_indices = @transform_2, window_bounds = array<i64: 1, 256>}, {pipeline_mode = #tpu.pipeline_mode<synchronous>, transform_indices = @transform_3, window_bounds = array<i64: 256, 64>}, {transform_indices = @transform_4, window_bounds = array<i64: 2, 1000, 32>}]} {
    %get3A = arith.constant 0 : index
    %get3A_0 = arith.constant 0 : index
    %get3A_1 = vector.load %arg2[%get3A, %get3A_0] : memref<1000x1xf32, #tpu.memory_space<vmem>>, vector<1000x1xf32>
    %get3A_2 = arith.constant 0 : index
    %get3A_3 = arith.constant 0 : index
    %get3A_4 = arith.constant 0 : index
    %get3A_5 = vector.load %arg1[%get3A_2, %get3A_3, %get3A_4] : memref<2x1000x128xf32, #tpu.memory_space<vmem>>, vector<1x1000x128xf32>
    %get3A_6 = vector.shape_cast %get3A_5 : vector<1x1000x128xf32> to vector<1000x128xf32>
    %get3A_7 = arith.constant 1 : index
    %get3A_8 = arith.constant 0 : index
    %get3A_9 = arith.constant 0 : index
    %get3A_10 = vector.load %arg1[%get3A_7, %get3A_8, %get3A_9] : memref<2x1000x128xf32, #tpu.memory_space<vmem>>, vector<1x1000x128xf32>
    %get3A_11 = vector.shape_cast %get3A_10 : vector<1x1000x128xf32> to vector<1000x128xf32>
    %concatenate3A = tpu.concatenate %get3A_6, %get3A_11 in 1 : vector<1000x128xf32>, vector<1000x128xf32> -> vector<1000x256xf32>
    %mul3A = vector.broadcast %get3A_1 : vector<1000x1xf32> to vector<1000x256xf32>
    %mul3A_12 = arith.mulf %concatenate3A, %mul3A : vector<1000x256xf32>
    %get3A_13 = arith.constant 0 : index
    %get3A_14 = arith.constant 0 : index
    %get3A_15 = vector.load %arg3[%get3A_13, %get3A_14] : memref<1x256xf32, #tpu.memory_space<vmem>>, vector<1x256xf32>
    %add3A = vector.broadcast %get3A_15 : vector<1x256xf32> to vector<1000x256xf32>
    %add3A_16 = arith.addf %mul3A_12, %add3A : vector<1000x256xf32>
    %max3A = arith.constant 0.000000e+00 : f32
    %max3A_17 = vector.broadcast %max3A : f32 to vector<1000x256xf32>
    %max3A_18 = arith.maximumf %add3A_16, %max3A_17 : vector<1000x256xf32>
    %get3A_19 = arith.constant 0 : index
    %get3A_20 = arith.constant 0 : index
    %get3A_21 = vector.load %arg4[%get3A_19, %get3A_20] : memref<256x64xf32, #tpu.memory_space<vmem>>, vector<256x64xf32>
    %dot_general3A = arith.constant dense<0.000000e+00> : vector<1000x64xf32>
    %dot_general3A_22 = tpu.matmul %max3A_18, %get3A_21, %dot_general3A {dimension_numbers = #tpu.dot_dimension_numbers<[1], [0], [0], [1], [0, 0, 1, 1], [], []>, transpose_lhs_hint = false} : vector<1000x256xf32>, vector<256x64xf32>, vector<1000x64xf32> -> vector<1000x64xf32>
    %mul3A_23 = vector.broadcast %get3A_1 : vector<1000x1xf32> to vector<1000x64xf32>
    %mul3A_24 = arith.mulf %dot_general3A_22, %mul3A_23 : vector<1000x64xf32>
    %slice3A = vector.extract_strided_slice %mul3A_24 {offsets = [0, 0], sizes = [1000, 32], strides = [1, 1]} : vector<1000x64xf32> to vector<1000x32xf32>
    %swap3A = arith.constant 0 : index
    %swap3A_25 = arith.constant 0 : index
    %swap3A_26 = arith.constant 0 : index
    %swap3A_27 = vector.load %arg5[%swap3A, %swap3A_25, %swap3A_26] : memref<2x1000x32xf32, #tpu.memory_space<vmem>>, vector<1x1000x32xf32>
    %swap3A_28 = vector.shape_cast %swap3A_27 : vector<1x1000x32xf32> to vector<1000x32xf32>
    %swap3A_29 = vector.shape_cast %slice3A : vector<1000x32xf32> to vector<1x1000x32xf32>
    tpu.vector_store %arg5[%swap3A, %swap3A_25, %swap3A_26], %swap3A_29 {strides = array<i32>} : memref<2x1000x32xf32, #tpu.memory_space<vmem>>, vector<1x1000x32xf32>,
    %slice3A_30 = vector.extract_strided_slice %mul3A_24 {offsets = [0, 32], sizes = [1000, 32], strides = [1, 1]} : vector<1000x64xf32> to vector<1000x32xf32>
    %swap3A_31 = arith.constant 1 : index
    %swap3A_32 = arith.constant 0 : index
    %swap3A_33 = arith.constant 0 : index
    %swap3A_34 = vector.load %arg5[%swap3A_31, %swap3A_32, %swap3A_33] : memref<2x1000x32xf32, #tpu.memory_space<vmem>>, vector<1x1000x32xf32>
    %swap3A_35 = vector.shape_cast %swap3A_34 : vector<1x1000x32xf32> to vector<1000x32xf32>
    %swap3A_36 = vector.shape_cast %slice3A_30 : vector<1000x32xf32> to vector<1x1000x32xf32>
    tpu.vector_store %arg5[%swap3A_31, %swap3A_32, %swap3A_33], %swap3A_36 {strides = array<i32>} : memref<2x1000x32xf32, #tpu.memory_space<vmem>>, vector<1x1000x32xf32>,
    return
  }
  func.func @transform_0(%arg0: i32) -> (i32, i32, i32) {
    %c0_i32 = arith.constant 0 : i32
    %c0_i32_0 = arith.constant 0 : i32
    %c0_i32_1 = arith.constant 0 : i32
    return %c0_i32, %arg0, %c0_i32_0 : i32, i32, i32
  }
  func.func @transform_1(%arg0: i32) -> (i32, i32) {
    %c0_i32 = arith.constant 0 : i32
    %c0_i32_0 = arith.constant 0 : i32
    return %arg0, %c0_i32 : i32, i32
  }
  func.func @transform_2(%arg0: i32) -> (i32, i32) {
    %c0_i32 = arith.constant 0 : i32
    %c0_i32_0 = arith.constant 0 : i32
    %c0_i32_1 = arith.constant 0 : i32
    return %c0_i32, %c0_i32_0 : i32, i32
  }
  func.func @transform_3(%arg0: i32) -> (i32, i32) {
    %c0_i32 = arith.constant 0 : i32
    %c0_i32_0 = arith.constant 0 : i32
    %c0_i32_1 = arith.constant 0 : i32
    return %c0_i32, %c0_i32_0 : i32, i32
  }
  func.func @transform_4(%arg0: i32) -> (i32, i32, i32) {
    %c0_i32 = arith.constant 0 : i32
    %c0_i32_0 = arith.constant 0 : i32
    %c0_i32_1 = arith.constant 0 : i32
    return %c0_i32, %arg0, %c0_i32_0 : i32, i32, i32
  }
}

module attributes {stable_mosaic.version = 14 : i64} {
  func.func @body(%arg0: i32, %arg1: memref<2x1000x32xf32, #tpu.memory_space<vmem>>, %arg2: memref<1000x1xf32, #tpu.memory_space<vmem>>, %arg3: memref<1x64xf32, #tpu.memory_space<vmem>>, %arg4: memref<1000x64xf32, #tpu.memory_space<vmem>>) attributes {dimension_semantics = [#tpu.dimension_semantics<arbitrary>], iteration_bounds = array<i64: 10>, scalar_prefetch = 0 : i64, scratch_operands = 0 : i64, tpu.core_type = #tpu.core_type<tc>, window_params = [{transform_indices = @transform_0, window_bounds = array<i64: 2, 1000, 32>}, {transform_indices = @transform_1, window_bounds = array<i64: 1000, 1>}, {pipeline_mode = #tpu.pipeline_mode<synchronous>, transform_indices = @transform_2, window_bounds = array<i64: 1, 64>}, {transform_indices = @transform_3, window_bounds = array<i64: 1000, 64>}]} {
    %get3A = arith.constant 0 : index
    %get3A_0 = arith.constant 0 : index
    %get3A_1 = arith.constant 0 : index
    %get3A_2 = vector.load %arg1[%get3A, %get3A_0, %get3A_1] : memref<2x1000x32xf32, #tpu.memory_space<vmem>>, vector<1x1000x32xf32>
    %get3A_3 = vector.shape_cast %get3A_2 : vector<1x1000x32xf32> to vector<1000x32xf32>
    %get3A_4 = arith.constant 1 : index
    %get3A_5 = arith.constant 0 : index
    %get3A_6 = arith.constant 0 : index
    %get3A_7 = vector.load %arg1[%get3A_4, %get3A_5, %get3A_6] : memref<2x1000x32xf32, #tpu.memory_space<vmem>>, vector<1x1000x32xf32>
    %get3A_8 = vector.shape_cast %get3A_7 : vector<1x1000x32xf32> to vector<1000x32xf32>
    %concatenate3A = tpu.concatenate %get3A_3, %get3A_8 in 1 : vector<1000x32xf32>, vector<1000x32xf32> -> vector<1000x64xf32>
    %get3A_9 = arith.constant 0 : index
    %get3A_10 = arith.constant 0 : index
    %get3A_11 = vector.load %arg2[%get3A_9, %get3A_10] : memref<1000x1xf32, #tpu.memory_space<vmem>>, vector<1000x1xf32>
    %mul3A = vector.broadcast %get3A_11 : vector<1000x1xf32> to vector<1000x64xf32>
    %mul3A_12 = arith.mulf %concatenate3A, %mul3A : vector<1000x64xf32>
    %get3A_13 = arith.constant 0 : index
    %get3A_14 = arith.constant 0 : index
    %get3A_15 = vector.load %arg3[%get3A_13, %get3A_14] : memref<1x64xf32, #tpu.memory_space<vmem>>, vector<1x64xf32>
    %add3A = vector.broadcast %get3A_15 : vector<1x64xf32> to vector<1000x64xf32>
    %add3A_16 = arith.addf %mul3A_12, %add3A : vector<1000x64xf32>
    %reduce_max3A = arith.constant dense<0xFF800000> : vector<1000xf32>
    %reduce_max3A_17 = vector.multi_reduction <maximumf>, %add3A_16, %reduce_max3A [1] : vector<1000x64xf32> to vector<1000xf32>
    %broadcast_in_dim3A = vector.shape_cast %reduce_max3A_17 : vector<1000xf32> to vector<1000x1xf32>
    %sub3A = vector.broadcast %broadcast_in_dim3A : vector<1000x1xf32> to vector<1000x64xf32>
    %sub3A_18 = arith.subf %add3A_16, %sub3A : vector<1000x64xf32>
    %exp3A = math.exp %sub3A_18 : vector<1000x64xf32>
    %reduce_sum3A = arith.constant dense<0.000000e+00> : vector<1000xf32>
    %reduce_sum3A_19 = vector.multi_reduction <add>, %exp3A, %reduce_sum3A [1] : vector<1000x64xf32> to vector<1000xf32>
    %broadcast_in_dim3A_20 = vector.shape_cast %reduce_sum3A_19 : vector<1000xf32> to vector<1000x1xf32>
    %log3A = math.log %broadcast_in_dim3A_20 : vector<1000x1xf32>
    %sub3A_21 = vector.broadcast %broadcast_in_dim3A : vector<1000x1xf32> to vector<1000x64xf32>
    %sub3A_22 = arith.subf %add3A_16, %sub3A_21 : vector<1000x64xf32>
    %sub3A_23 = vector.broadcast %log3A : vector<1000x1xf32> to vector<1000x64xf32>
    %sub3A_24 = arith.subf %sub3A_22, %sub3A_23 : vector<1000x64xf32>
    %swap3A = arith.constant 0 : index
    %swap3A_25 = arith.constant 0 : index
    %swap3A_26 = vector.load %arg4[%swap3A, %swap3A_25] : memref<1000x64xf32, #tpu.memory_space<vmem>>, vector<1000x64xf32>
    tpu.vector_store %arg4[%swap3A, %swap3A_25], %sub3A_24 {strides = array<i32>} : memref<1000x64xf32, #tpu.memory_space<vmem>>, vector<1000x64xf32>,
    return
  }
  func.func @transform_0(%arg0: i32) -> (i32, i32, i32) {
    %c0_i32 = arith.constant 0 : i32
    %c0_i32_0 = arith.constant 0 : i32
    %c0_i32_1 = arith.constant 0 : i32
    return %c0_i32, %arg0, %c0_i32_0 : i32, i32, i32
  }
  func.func @transform_1(%arg0: i32) -> (i32, i32) {
    %c0_i32 = arith.constant 0 : i32
    %c0_i32_0 = arith.constant 0 : i32
    return %arg0, %c0_i32 : i32, i32
  }
  func.func @transform_2(%arg0: i32) -> (i32, i32) {
    %c0_i32 = arith.constant 0 : i32
    %c0_i32_0 = arith.constant 0 : i32
    %c0_i32_1 = arith.constant 0 : i32
    return %c0_i32, %c0_i32_0 : i32, i32
  }
  func.func @transform_3(%arg0: i32) -> (i32, i32) {
    %c0_i32 = arith.constant 0 : i32
    %c0_i32_0 = arith.constant 0 : i32
    return %arg0, %c0_i32 : i32, i32
  }
}

</mosaic_0001>

<sc_bundles>
// kernel: kernel.11.cloned.1.call-start
scs
__scs_entry_jumppad:
0x0: {  	(pc) =	sbr.rel $0x88, $3  }
0x1: {  	(tag) =	ssettag $0x0;
	lr =	simm.s32 $0x1  }
0x2: {  	[smem:$0x3F9B] =	sst lr;
	_ =	strace $0xD0000000  }
0x3: {  	_ = 	snop  }
0x4: {  	_ = 	snop  }
0x5: {  	_ = 	snop  }
0x6: {  	_ = 	snop  }
0x7: {  	_ = 	snop  }
__scs_overlays_trampoline_lowered:
0x8: {  	[smem:$0x3FAA] =	sst s0  }
0x9: {  	[smem:$0x3FAB] =	sst s1  }
0xa: {  	[smem:$0x3FAC] =	sst s2  }
0xb: {  	[smem:$0x3FAD] =	sst s3  }
0xc: {  	[smem:$0x3FAE] =	sst s4  }
0xd: {  	[smem:$0x3FAF] =	sst s5  }
0xe: {  	[smem:$0x3FB0] =	sst s6  }
0xf: {  	[smem:$0x3FB1] =	sst s7  }
0x10: {  	[smem:$0x3FB2] =	sst s8  }
0x11: {  	[smem:$0x3FB3] =	sst s9;
	s0 =	simm.s32 @!p0 $0x0  }
0x12: {  	s1 =	sld [smem:$0x3F99];
	s0 =	simm.s32 @p0 $0x1  }
0x13: {  	[smem:$0x3FB4] =	sst s0;
	s0 =	simm.s32 @!p1 $0x0  }
0x14: {  	s2 =	sld [smem:$0x3F98];
	s0 =	simm.s32 @p1 $0x1  }
0x15: {  	[smem:$0x3FB5] =	sst s0;
	s0 =	simm.s32 @!p2 $0x0  }
0x16: {  	s3 =	sld [smem:$0x3FDB];
	s0 =	simm.s32 @p2 $0x1  }
0x17: {  	s4 =	simm.s32 $0x1BF5;
	[smem:$0x3FB7] =	sst s0  }
0x18: {  	s0 =	sld [smem:$0x3F9A];
	_ =	swait.ge [sflag:s4], $0x0  }
0x19: {  	s7 =	sld [smem:$0x3F9B]  }
0x1a: {  	s8 =	sadd.s32 $0xFFFFE003, lr  }
0x1b: {  	s9 =	sadd.s32 $0xFFFFFEF7, lr;
	s5 =	simm.s32 $0xFFFFFFFF;
	p2 =	slt.u32 s8, $0xFFFFF086  }
0x1c: {  	p1 =	slt.u32 s9, $0xF7A;
	s5 =	simm.s32 @!p2 $0x0  }
0x1d: {  	s5 =	simm.s32 @p1 $0x1;
	p0 =	seq.s32 s7, s2  }
0x1e: {  	s7 =	smul.u32 @!p0 $0xF7A, s2;
	p2 =	seq.s32 @!p0 s5, $0x0  }
0x1f: {  	s9 =	smul.u32 $0xF7A, s1;
	s8 =	simm.s32 @!p0 $0x1BF5;
	p2 =	por !p2, p0  }
0x20: {  	[sflag:s8] =	ssyncset.s32 @!p0 $0xFFFFF086;
	s6 =	sadd.s32 @!p0 s3, s7;
	s7 =	simm.s32 @!p0 $0x108  }
0x21: {  	s3 =	sadd.s32 s3, s9;
	s6 =	sadd.s32 @!p0 $0x88, s6;
	s7 =	simm.s32 @p2 $0x1082  }
0x22: {  	[simem:s7], [sflag:s8] =	dma.local @!p0 [hbm:s6], $0xF7A  }
0x23: {  	s9 =	sor.u32 $0xD0000000, s2;
	s6 =	simm.s32 $0x108;
	_ =	swait.ge @!p0 [sflag:s8], $0x0  }
0x24: {  	s3 =	sadd.s32 $0x88, s3;
	s6 =	simm.s32 @!p1 $0x1082;
	[sflag:s4] =	ssyncset.s32 $0xFFFFF086  }
0x25: {  	[simem:s6], [sflag:s4] =	dma.local [hbm:s3], $0xF7A  }
0x26: {  	[smem:$0x3F9B] =	sst s1;
	(tag) =	ssettag s2;
	_ =	strace s9  }
0x27: {  	s1 =	sld [smem:$0x3FAB]  }
0x28: {  	s2 =	sld [smem:$0x3FAC]  }
0x29: {  	s4 =	sld [smem:$0x3FAE]  }
0x2a: {  	p0 =	seq.s32 s5, $0x0;
	s5 =	sld [smem:$0x3FAF]  }
0x2b: {  	s6 =	sld [smem:$0x3FB0]  }
0x2c: {  	s7 =	sld [smem:$0x3FB1]  }
0x2d: {  	s3 =	simm.s32 $0x108;
	s8 =	sld [smem:$0x3FB2]  }
0x2e: {  	s3 =	simm.s32 @!p0 $0x1082;
	s9 =	sld [smem:$0x3FB3]  }
0x2f: {  	lr =	sadd.s32 s0, s3;
	s0 =	sld [smem:$0x3FAA]  }
0x30: {  	s3 =	sld [smem:$0x3FAD]  }
0x31: {  	[smem:$0x3FB6] =	sst s10  }
0x32: {  	s10 =	sld [smem:$0x3FB4];
	_ =	sdelay $0x3  }
0x33: {  	p0 =	seq.s32 s10, $0x1;
	s10 =	sld [smem:$0x3FB6];
	_ =	sdelay $0x3  }
0x34: {  	[smem:$0x3FB6] =	sst s10  }
0x35: {  	s10 =	sld [smem:$0x3FB5];
	_ =	sdelay $0x3  }
0x36: {  	p1 =	seq.s32 s10, $0x1;
	s10 =	sld [smem:$0x3FB6];
	_ =	sdelay $0x3  }
0x37: {  	[smem:$0x3FB6] =	sst s10  }
0x38: {  	s10 =	sld [smem:$0x3FB7]  }
0x39: {  	_ = 	snop;
	(pc) =	sbr.ind lr, $3  }
0x3a: {  	_ = 	snop  }
0x3b: {  	_ = 	snop  }
0x3c: {  	p2 =	seq.s32 s10, $0x1;
	s10 =	sld [smem:$0x3FB6]  }
0x3d: {  	_ =	shalt  }
0x3e: {  	_ =	shalt  }
0x3f: {  	_ =	shalt  }
0x40: {  	_ =	shalt  }
0x41: {  	_ =	shalt  }
0x42: {  	_ =	shalt  }
0x43: {  	_ =	shalt  }
0x44: {  	_ =	shalt  }
0x45: {  	_ =	shalt  }
0x46: {  	_ =	shalt  }
0x47: {  	_ =	shalt  }
0x48: {  	_ =	shalt  }
0x49: {  	_ =	shalt  }
0x4a: {  	_ =	shalt  }
0x4b: {  	_ =	shalt  }
0x4c: {  	_ =	shalt  }
0x4d: {  	_ =	shalt  }
0x4e: {  	_ =	shalt  }
0x4f: {  	_ =	shalt  }
0x50: {  	_ =	shalt  }
0x51: {  	_ =	shalt  }
0x52: {  	_ =	shalt  }
0x53: {  	_ =	shalt  }
0x54: {  	_ =	shalt  }
0x55: {  	_ =	shalt  }
0x56: {  	_ =	shalt  }
0x57: {  	_ =	shalt  }
0x58: {  	_ =	shalt  }
0x59: {  	_ =	shalt  }
0x5a: {  	_ =	shalt  }
0x5b: {  	_ =	shalt  }
0x5c: {  	_ =	shalt  }
0x5d: {  	_ =	shalt  }
0x5e: {  	_ =	shalt  }
0x5f: {  	_ =	shalt  }
0x60: {  	_ =	shalt  }
0x61: {  	_ =	shalt  }
0x62: {  	_ =	shalt  }
0x63: {  	_ =	shalt  }
0x64: {  	_ =	shalt  }
0x65: {  	_ =	shalt  }
0x66: {  	_ =	shalt  }
0x67: {  	_ =	shalt  }
0x68: {  	_ =	shalt  }
0x69: {  	_ =	shalt  }
0x6a: {  	_ =	shalt  }
0x6b: {  	_ =	shalt  }
0x6c: {  	_ =	shalt  }
0x6d: {  	_ =	shalt  }
0x6e: {  	_ =	shalt  }
0x6f: {  	_ =	shalt  }
0x70: {  	_ =	shalt  }
0x71: {  	_ =	shalt  }
0x72: {  	_ =	shalt  }
0x73: {  	_ =	shalt  }
0x74: {  	_ =	shalt  }
0x75: {  	_ =	shalt  }
0x76: {  	_ =	shalt  }
0x77: {  	_ =	shalt  }
0x78: {  	_ =	shalt  }
0x79: {  	_ =	shalt  }
0x7a: {  	_ =	shalt  }
0x7b: {  	_ =	shalt  }
0x7c: {  	_ =	shalt  }
0x7d: {  	_ =	shalt  }
0x7e: {  	_ =	shalt  }
0x7f: {  	_ =	shalt  }
0x80: {  	_ =	shalt  }
0x81: {  	_ =	shalt  }
0x82: {  	_ =	shalt  }
0x83: {  	_ =	shalt  }
0x84: {  	_ =	shalt  }
0x85: {  	_ =	shalt  }
0x86: {  	_ =	shalt  }
0x87: {  	_ =	shalt  }
.Lfunc_end0:
.L_simem_size_0:
called_computation.1_lowered:
.L_overlay_start_0:
0x88: {  	s2 =	sld [smem:$0x3FD9]  }
0x89: {  	s3 =	sld [smem:$0x3FFE];
	_ =	sdelay $0x1  }
0x8a: {  	s1 =	srdreg.scid  }
0x8b: {  	s0 =	sand.u32 $0x1, s1  }
0x8c: {  	s17 =	sshll.u32 s0, $0xA;
	s2 =	sadd.s32 s3, s2  }
0x8d: {  	s2 =	sadd.s32 s2, s17  }
0x8e: {  	[smem:$0x3FC2] =	sst s2  }
0x8f: {  	_ = 	snop  }
0x90: {  	s2 =	sld [smem:$0x3FD0];
	(tm) =	ssettm $0x1  }
0x91: {  	s18 =	sld [smem:$0x3FFB];
	_ =	sdelay $0x3  }
0x92: {  	_ =	strace s18  }
0x93: {  	s3 =	sld [smem:$0x3FFC];
	_ =	sdelay $0x3  }
0x94: {  	_ =	strace s3  }
0x95: {  	s3 =	sld [smem:$0x3FFD];
	_ =	sdelay $0x3  }
0x96: {  	_ =	strace s3  }
0x97: {  	_ =	strace $0x8FFFFFFF  }
0x98: {  	s19 =	sld [smem:$0x3FDB];
	_ =	sdelay $0x1  }
0x99: {  	s4 =	simm.s32 $_scs_section_size  }
0x9a: {  	s5 =	simm.s32 $_size__tile_overlayer_lowered;
	s6 =	simm.s32 $_tile_overlayer_lowered  }
0x9b: {  	s22 =	simm.s32 $0x1BFF;
	s21 =	sshll.u32 s6, $0x1;
	s3 =	sadd.s32 s4, s19  }
0x9c: {  	s7 =	simm.s32 $0x0;
	s20 =	sshll.u32 s5, $0x1;
	s5 =	sadd.s32 s21, s3  }
0x9d: {  	[timem:s7], [sflag:s22] =	dma.local [hbm:s5], s20  }
0x9e: {  	_ =	swait.ge [sflag:s22], s20  }
0x9f: {  	s4 =	ssub.s32 $0x0, s20;
	[sflag:s22] =	ssyncset.done $0x0  }
0xa0: {  	[sflag:s22] =	ssyncadd.s32 s4;
	_ =	sdelay $0x1  }
0xa1: {  	s23 =	simm.s32 $0x1B8B  }
0xa2: {  	_ =	swait.ge [sflag:s23], $0x1  }
0xa3: {  	[sflag:s23] =	ssyncset.done $0x0  }
0xa4: {  	s25 =	simm.s32 $0x1B8E;
	s24 =	sld [smem:$0x3FFE];
	[sflag:s23] =	ssyncadd.s32 $0xFFFFFFFF  }
0xa5: {  	s26 =	simm.s32 $execute0_lowered;
	[smem:$0x3FD2] =	sst s25  }
0xa6: {  	s5 =	sshll.u32 s26, $0x1;
	_ =	strace $0x80000049;
	[dreg:$0x1] =	wrdreg $0xFFFFFFFF  }
0xa7: {  	s28 =	simm.s32 $_size_execute0_lowered;
	s3 =	sadd.s32 s3, s5;
	[dreg:$0x0] =	wrdreg $0x0  }
0xa8: {  	s5 =	sshll.u32 s28, $0x1;
	[dreg:$0x2] =	wrdreg s3  }
0xa9: {  	[dreg:$0x3] =	wrdreg s5  }
0xaa: {  	[dreg:$0x4] =	wrdreg $0xC0  }
0xab: {  	_ =	task [dreg:s7], $0x5FFFF  }
0xac: {  	[dreg:$0x1] =	wrdreg $0xFFFFFFFF  }
0xad: {  	[dreg:$0x0] =	wrdreg $0x60  }
0xae: {  	[dreg:$0x2] =	wrdreg s24  }
0xaf: {  	[dreg:$0x3] =	wrdreg s2  }
0xb0: {  	[dreg:$0x4] =	wrdreg $0xB2200  }
0xb1: {  	[dreg:$0x5] =	wrdreg $0x9  }
0xb2: {  	_ =	task.clear_ibuf [dreg:s7], $0x6FFFF;
	_ =	strace $0x90000049  }
0xb3: {  	s29 =	simm.s32 $0x9;
	_ =	strace $0x8000004B  }
0xb4: {  	_ =	swait.ge [sflag:s29], $0x1  }
0xb5: {  	[sflag:s29] =	ssyncadd.s32 $0xFFFFFFFF  }
0xb6: {  	_ =	strace $0x9000004B  }
0xb7: {  	_ =	sfence  }
0xb8: {  	s30 =	sld [smem:$0x0];
	_ =	sdelay $0x2  }
0xb9: {  	s31 =	sshll.u32 s1, $0xD;
	s1 =	sshrl.u32 s1, $0x2  }
0xba: {  	s3 =	sand.u32 $0x4000, s31;
	s1 =	sadd.s32 s1, s30  }
0xbb: {  	s0 =	sor.u32 s3, s0;
	s1 =	sshll.u32 s1, $0x11  }
0xbc: {  	s0 =	sor.u32 s1, s0  }
0xbd: {  	s0 =	sadd.s32 $0x8F2B, s0  }
0xbe: {  	[sflag:s0] =	ssyncadd.remote.s32 $0x1  }
0xbf: {  	_ =	sfence.sel $0xFFFF  }
0xc0: {  	[dreg:$0x0] =	wrdreg $0xFFFFFFFF;
	(pc) =	sbr.abs _section_cstart, $3  }
0xc1: {  	[dreg:$0x1] =	wrdreg $0xFFFFFFFF  }
0xc2: {  	_ =	task.clear_ibuf [dreg:s7], $0x2FFFF;
	_ =	strace $0x9FFFFFFF  }
0xc3: {  	(tm) =	ssettm $0x7FFFFFFF  }
tec
execute0_lowered:
.L_overlay_start_1:
0x0: {  	(tag) =	ssettag $0x1  }
0x1: {  	s0 =	srdreg.scid;
	s1 =	rddreg [dreg:$0x0]  }
0x2: {  	s5 =	rddreg [dreg:$0x1];
	s14 =	stileid.u32  }
0x3: {  	s2 =	rddreg [dreg:$0x2];
	s15 =	simm.s32 $0x28;
	s16 =	simm.s32 $0x4E20  }
0x4: {  	s17 =	simm.s32 $0x6220;
	s19 =	simm.s32 $0x7620;
	s6 =	smul.u32 $0x4E2, s14  }
0x5: {  	s28 =	simm.s32 $0x2;
	s30 =	simm.s32 $0x6;
	s8 =	smul.u32 $0x4E000, s14  }
0x6: {  	s31 =	simm.s32 $0x8;
	s18 =	simm.s32 $0x9;
	s11 =	smul.u32 $0x2700, s14  }
0x7: {  	s29 =	simm.s32 $0xA;
	s0 =	sand.u32 $0x1, s0;
	s13 =	smul.u32 $0x13800, s14  }
0x8: {  	s24 =	sadd.s32 $0x124800, s2;
	p0 =	seq.s32 s14, $0xF;
	s9 =	smul.u32 $0x27100, s0  }
0x9: {  	s3 =	sshll.u32 s0, $0x4;
	s10 =	ssub.s32 $0x2, s0;
	s0 =	smul.u32 $0x138800, s0  }
0xa: {  	s4 =	sor.u32 s14, s3;
	s3 =	simm.s32 $0x0;
	s6 =	sadd.s32 s6, s1  }
0xb: {  	s12 =	sshrl.u32 s10, $0x1;
	s8 =	sshrl.u32 s8, $0x2;
	s7 =	smul.u32 $0x4E2, s4  }
0xc: {  	[smem:$0x7FF] =	sst s3;
	s4 =	sadd.s32 $0x6200, s1;
	s1 =	sadd.s32 $0x54400, s1  }
0xd: {  	s12 =	ssub.s32 s10, s12;
	s20 =	sadd.s32 $0x1200, s6;
	s21 =	sadd.s32 s11, s9  }
0xe: {  	s22 =	sshrl.u32 s0, $0x3;
	s0 =	sadd.s32 s13, s0;
	_ =	strace $0x8000004A  }
0xf: {  	[dreg:$0x5] =	wrdreg s20;
	s6 =	sadd.s32 s4, s21;
	s23 =	sadd.s32 $0x24900, s22  }
0x10: {  	s0 =	sshrl.u32 s0, $0x3;
	[dreg:$0x7] =	wrdreg s24;
	s26 =	smax.u32 s12, $0x1  }
0x11: {  	s21 =	simm.s32 $0x8A20;
	s20 =	simm.s32 $0x7;
	[dreg:$0x6] =	wrdreg s6  }
0x12: {  	s24 =	simm.s32 $0x4;
	s5 =	sadd.s32 s5, s7;
	[dreg:$0xb] =	wrdreg s26  }
0x13: {  	s25 =	sadd.s32 s4, s23;
	s0 =	sadd.s32 s1, s0;
	[dreg:$0x4] =	wrdreg s5  }
.Ltmp0:
0x14: {  	s1 =	sadd.s32 s1, s23;
	[dreg:$0x8] =	wrdreg s25;
	(pc) =	sbr.rel .LBB2_1-.Ltmp0, $4  }
0x15: {  	s23 =	simm.s32 $0x1;
	s26 =	simm.s32 $0x9E20;
	[dreg:$0x9] =	wrdreg s0  }
0x16: {  	s5 =	sadd.s32 s8, s2;
	s0 =	sadd.s32 s13, s2;
	[dreg:$0xa] =	wrdreg s1  }
0x17: {  	s13 =	simm.s32 $0xB;
	s1 =	simm.s32 $0x3;
	s22 =	sshrl.u32 @!p0 s5, $0x3  }
0x18: {  	s25 =	sshrl.u32 @!p0 s0, $0x3;
	s0 =	simm.s32 $0x5;
	s5 =	simm.s32 $0x0  }
.LBB2_3:
0x19: {  	_ =	swait.ge [sflag:s0], $0x1400  }
0x1a: {  	[sflag:s0] =	ssyncset.done $0x0  }
0x1b: {  	s8 =	sadd.s32 $0x2878, s9;
	[sflag:s0] =	ssyncadd.s32 $0xFFFFEC00  }
0x1c: {  	[spmem:s2] =	stream.indirect.scatter.add.f32 [tilespmem:s26], [sflag:$0xA], $0x80, s8, s15, $0xb8;
	[tilespmem:$0x1EAA0] =	vst v63  }
.LBB2_5:
0x1d: {  	_ =	swait.ge [sflag:s30], $0x1400  }
0x1e: {  	[sflag:s30] =	ssyncset.done $0x0  }
0x1f: {  	[sflag:s30] =	ssyncadd.s32 $0xFFFFEC00  }
0x20: {  	_ =	swait.ge [sflag:s20], $0x1400  }
0x21: {  	[sflag:s20] =	ssyncset.done $0x0  }
0x22: {  	[sflag:s20] =	ssyncadd.s32 $0xFFFFEC00  }
0x23: {  	_ =	swait.ge [sflag:s31], $0x1400  }
0x24: {  	[sflag:s31] =	ssyncset.done $0x0  }
0x25: {  	[sflag:s31] =	ssyncadd.s32 $0xFFFFEC00  }
0x26: {  	_ =	swait.ge [sflag:s18], $0x1400  }
0x27: {  	[sflag:s18] =	ssyncset.done $0x0  }
0x28: {  	[sflag:s18] =	ssyncadd.s32 $0xFFFFEC00  }
0x29: {  	_ =	swait.ge [sflag:s29], $0x1400  }
0x2a: {  	[sflag:s29] =	ssyncset.done $0x0  }
0x2b: {  	[sflag:s29] =	ssyncadd.s32 $0xFFFFEC00  }
0x2c: {  	[bflag:$0x0] =	sbarrier.arrive $0xFFFF  }
0x2d: {  	s8 =	simm.s32 @p0 $0x1FCB;
	s9 =	rddreg [dreg:$0xa]  }
0x2e: {  	[hbm:s9], [sflag:s8] =	dma.local @p0 [spmem:s6], $0x2800  }
0x2f: {  	s6 =	simm.s32 @p0 $0xB  }
0x30: {  	_ =	swait.ge @p0 [sflag:s6], $0x2800  }
0x31: {  	[sflag:s6] =	ssyncset.done @p0 $0x0  }
0x32: {  	[sflag:s6] =	ssyncadd.s32 @p0 $0xFFFFD800;
	s6 =	rddreg [dreg:$0x9]  }
0x33: {  	[hbm:s6], [sflag:s7] =	dma.local @!p0 [spmem:s25], $0x2700  }
0x34: {  	s6 =	simm.s32 @!p0 $0xB  }
0x35: {  	_ =	swait.ge @!p0 [sflag:s6], $0x2700  }
0x36: {  	s5 =	sadd.s32 $0x1, s5;
	s14 =	rddreg [dreg:$0xb]  }
0x37: {  	p1 =	sne.s32 s5, s14  }
.Ltmp1:
0x38: {  	_ = 	snop;
	(pc) =	sbr.rel @!p1 .LBB2_6-.Ltmp1, $3  }
0x39: {  	_ =	sdelay $0x1  }
0x3a: {  	[sflag:s6] =	ssyncset.done @!p0 $0x0  }
0x3b: {  	[sflag:s6] =	ssyncadd.s32 @!p0 $0xFFFFD900  }
.LBB2_1:
0x3c: {  	s6 =	rddreg [dreg:$0x4]  }
0x3d: {  	[tilespmem:s3], [sflag:$0xB] =	stream.linear.gather [hbm4b:s6+s3], $0x2710, $0x38;
	[tilespmem:$0x1EAA0] =	vst v63  }
0x3e: {  	_ =	swait.ge [sflag:s13], $0x2710  }
0x3f: {  	[sflag:s13] =	ssyncset.done $0x0  }
0x40: {  	s9 =	simm.s32 $0x2710;
	s14 =	rddreg [dreg:$0x5];
	[sflag:s13] =	ssyncadd.s32 $0xFFFFD8F0  }
0x41: {  	[tilespmem:s9], [sflag:$0xB] =	stream.linear.gather [hbm4b:s14+s3], $0x2710, $0x38;
	[tilespmem:$0x1EAA0] =	vst v63  }
0x42: {  	_ =	swait.ge [sflag:s13], $0x2710  }
0x43: {  	[sflag:s13] =	ssyncset.done $0x0  }
0x44: {  	[sflag:s13] =	ssyncadd.s32 $0xFFFFD8F0  }
0x45: {  	[tilespmem:s16], [sflag:$0x1] =	stream.indirect.gather [hbm4b:s4+s15], $0x80, s3, s15, $0xb8;
	[tilespmem:$0x1EAA0] =	vst v63  }
0x46: {  	_ = 	snop  }
0x47: {  	[tilespmem:s17], [sflag:$0x2] =	stream.indirect.gather [hbm4b:s4+s15], $0x80, s15, s15, $0xb8;
	[tilespmem:$0x1EAA0] =	vst v63  }
0x48: {  	s7 =	simm.s32 $0x50  }
0x49: {  	[tilespmem:s19], [sflag:$0x3] =	stream.indirect.gather [hbm4b:s4+s15], $0x80, s7, s15, $0xb8;
	[tilespmem:$0x1EAA0] =	vst v63  }
0x4a: {  	s8 =	simm.s32 $0x78;
	s6 =	rddreg [dreg:$0x7]  }
0x4b: {  	[tilespmem:s21], [sflag:$0x4] =	stream.indirect.gather [hbm4b:s4+s15], $0x80, s8, s15, $0xb8;
	[tilespmem:$0x1EAA0] =	vst v63  }
0x4c: {  	s6 =	sshrl.u32 @p0 s6, $0x3;
	s7 =	simm.s32 @p0 $0x1FCB;
	s8 =	rddreg [dreg:$0x8]  }
0x4d: {  	[spmem:s6], [sflag:s7] =	dma.local @p0 [hbm:s8], $0x2800  }
0x4e: {  	s7 =	simm.s32 @p0 $0xB  }
0x4f: {  	s8 =	stileid.u32;
	_ =	swait.ge @p0 [sflag:s7], $0x2800  }
0x50: {  	s8 =	sshll.u32 @!p0 s8, $0x6;
	[sflag:s7] =	ssyncset.done @p0 $0x0  }
0x51: {  	[sflag:s7] =	ssyncadd.s32 @p0 $0xFFFFD800;
	s7 =	sor.u32 @!p0 $0x1C0B, s8;
	s8 =	rddreg [dreg:$0x6]  }
0x52: {  	[spmem:s22], [sflag:s7] =	dma.local @!p0 [hbm:s8], $0x2700  }
0x53: {  	s8 =	simm.s32 @!p0 $0xB  }
0x54: {  	_ =	swait.ge @!p0 [sflag:s8], $0x2700  }
0x55: {  	[sflag:s8] =	ssyncset.done @!p0 $0x0  }
0x56: {  	[sflag:s8] =	ssyncadd.s32 @!p0 $0xFFFFD900  }
0x57: {  	[bflag:$0x0] =	sbarrier.arrive $0xFFFF  }
0x58: {  	_ =	swait.ge [sflag:s23], $0x1400  }
0x59: {  	[sflag:s23] =	ssyncset.done $0x0  }
0x5a: {  	[sflag:s23] =	ssyncadd.s32 $0xFFFFEC00  }
0x5b: {  	[spmem:s2] =	stream.indirect.scatter.add.f32 [tilespmem:s16], [sflag:$0x6], $0x80, s9, s15, $0xb8;
	[tilespmem:$0x1EAA0] =	vst v63  }
0x5c: {  	s10 =	simm.s32 $0xA0  }
0x5d: {  	[tilespmem:s26], [sflag:$0x5] =	stream.indirect.gather [hbm4b:s4+s15], $0x80, s10, s15, $0xb8;
	[tilespmem:$0x1EAA0] =	vst v63  }
0x5e: {  	_ =	swait.ge [sflag:s28], $0x1400  }
0x5f: {  	[sflag:s28] =	ssyncset.done $0x0  }
0x60: {  	s11 =	simm.s32 $0x2738;
	[sflag:s28] =	ssyncadd.s32 $0xFFFFEC00  }
0x61: {  	[spmem:s2] =	stream.indirect.scatter.add.f32 [tilespmem:s17], [sflag:$0x7], $0x80, s11, s15, $0xb8;
	[tilespmem:$0x1EAA0] =	vst v63  }
0x62: {  	_ =	swait.ge [sflag:s30], $0x1400  }
0x63: {  	[sflag:s30] =	ssyncset.done $0x0  }
0x64: {  	s12 =	simm.s32 $0xC8;
	[sflag:s30] =	ssyncadd.s32 $0xFFFFEC00  }
0x65: {  	[tilespmem:s16], [sflag:$0x1] =	stream.indirect.gather [hbm4b:s4+s15], $0x80, s12, s15, $0xb8;
	[tilespmem:$0x1EAA0] =	vst v63  }
0x66: {  	_ =	swait.ge [sflag:s1], $0x1400  }
0x67: {  	[sflag:s1] =	ssyncset.done $0x0  }
0x68: {  	s14 =	simm.s32 $0x2760;
	[sflag:s1] =	ssyncadd.s32 $0xFFFFEC00  }
0x69: {  	[spmem:s2] =	stream.indirect.scatter.add.f32 [tilespmem:s19], [sflag:$0x8], $0x80, s14, s15, $0xb8;
	[tilespmem:$0x1EAA0] =	vst v63  }
0x6a: {  	_ =	swait.ge [sflag:s20], $0x1400  }
0x6b: {  	[sflag:s20] =	ssyncset.done $0x0  }
0x6c: {  	s9 =	simm.s32 $0xF0;
	[sflag:s20] =	ssyncadd.s32 $0xFFFFEC00  }
0x6d: {  	[tilespmem:s17], [sflag:$0x2] =	stream.indirect.gather [hbm4b:s4+s15], $0x80, s9, s15, $0xb8;
	[tilespmem:$0x1EAA0] =	vst v63  }
0x6e: {  	_ =	swait.ge [sflag:s24], $0x1400  }
0x6f: {  	[sflag:s24] =	ssyncset.done $0x0  }
0x70: {  	s10 =	simm.s32 $0x2788;
	[sflag:s24] =	ssyncadd.s32 $0xFFFFEC00  }
0x71: {  	[spmem:s2] =	stream.indirect.scatter.add.f32 [tilespmem:s21], [sflag:$0x9], $0x80, s10, s15, $0xb8;
	[tilespmem:$0x1EAA0] =	vst v63  }
0x72: {  	_ =	swait.ge [sflag:s31], $0x1400  }
0x73: {  	[sflag:s31] =	ssyncset.done $0x0  }
0x74: {  	s11 =	simm.s32 $0x118;
	[sflag:s31] =	ssyncadd.s32 $0xFFFFEC00  }
0x75: {  	[tilespmem:s19], [sflag:$0x3] =	stream.indirect.gather [hbm4b:s4+s15], $0x80, s11, s15, $0xb8;
	[tilespmem:$0x1EAA0] =	vst v63  }
0x76: {  	_ =	swait.ge [sflag:s0], $0x1400  }
0x77: {  	[sflag:s0] =	ssyncset.done $0x0  }
0x78: {  	s12 =	simm.s32 $0x27B0;
	[sflag:s0] =	ssyncadd.s32 $0xFFFFEC00  }
0x79: {  	[spmem:s2] =	stream.indirect.scatter.add.f32 [tilespmem:s26], [sflag:$0xA], $0x80, s12, s15, $0xb8;
	[tilespmem:$0x1EAA0] =	vst v63  }
0x7a: {  	_ =	swait.ge [sflag:s18], $0x1400  }
0x7b: {  	[sflag:s18] =	ssyncset.done $0x0  }
0x7c: {  	s8 =	simm.s32 $0x0;
	s14 =	simm.s32 $0x140;
	[sflag:s18] =	ssyncadd.s32 $0xFFFFEC00  }
0x7d: {  	[tilespmem:s21], [sflag:$0x4] =	stream.indirect.gather [hbm4b:s4+s15], $0x80, s14, s15, $0xb8;
	[tilespmem:$0x1EAA0] =	vst v63  }
.LBB2_2:
0x7e: {  	_ =	swait.ge [sflag:s23], $0x1400  }
0x7f: {  	s9 =	sshra.s32 s8, $0x2;
	[sflag:s23] =	ssyncset.done $0x0  }
0x80: {  	s10 =	sadd.s32 $0x27D8, s9;
	[sflag:s23] =	ssyncadd.s32 $0xFFFFEC00  }
0x81: {  	[spmem:s2] =	stream.indirect.scatter.add.f32 [tilespmem:s16], [sflag:$0x6], $0x80, s10, s15, $0xb8;
	[tilespmem:$0x1EAA0] =	vst v63  }
0x82: {  	_ =	swait.ge [sflag:s29], $0x1400  }
0x83: {  	[sflag:s29] =	ssyncset.done $0x0  }
0x84: {  	s11 =	sadd.s32 $0x168, s9;
	[sflag:s29] =	ssyncadd.s32 $0xFFFFEC00  }
0x85: {  	[tilespmem:s26], [sflag:$0x5] =	stream.indirect.gather [hbm4b:s4+s15], $0x80, s11, s15, $0xb8;
	[tilespmem:$0x1EAA0] =	vst v63  }
0x86: {  	_ =	swait.ge [sflag:s28], $0x1400  }
0x87: {  	p1 =	seq.s32 s8, $0x9600;
	[sflag:s28] =	ssyncset.done $0x0  }
0x88: {  	s12 =	sadd.s32 $0x2800, s9;
	s10 =	simm.s32 @p1 $0x3;
	[sflag:s28] =	ssyncadd.s32 $0xFFFFEC00  }
0x89: {  	[spmem:s2] =	stream.indirect.scatter.add.f32 [tilespmem:s17], [sflag:$0x7], $0x80, s12, s15, $0xb8;
	[tilespmem:$0x1EAA0] =	vst v63  }
0x8a: {  	_ =	swait.ge @p1 [sflag:s10], $0x1400  }
0x8b: {  	[sflag:s10] =	ssyncset.done @p1 $0x0  }
0x8c: {  	[sflag:s10] =	ssyncadd.s32 @p1 $0xFFFFEC00;
	s10 =	sshra.s32 @p1 s8, $0x2  }
0x8d: {  	s14 =	simm.s32 @p1 $0x7620;
	s11 =	simm.s32 @p1 $0x28;
	s10 =	sadd.s32 @p1 $0x2828, s10  }
0x8e: {  	[spmem:s2] =	stream.indirect.scatter.add.f32 @p1 [tilespmem:s14], [sflag:$0x8], $0x80, s10, s11, $0xb8;
	[tilespmem:$0x1EAA0] =	vst v63  }
0x8f: {  	s10 =	simm.s32 @!p1 $0x6  }
0x90: {  	_ =	swait.ge @!p1 [sflag:s10], $0x1400  }
0x91: {  	[sflag:s10] =	ssyncset.done @!p1 $0x0  }
0x92: {  	[sflag:s10] =	ssyncadd.s32 @!p1 $0xFFFFEC00;
	s10 =	sshra.s32 @!p1 s8, $0x2  }
0x93: {  	s12 =	simm.s32 @!p1 $0x4E20;
	s14 =	simm.s32 @!p1 $0x28;
	s11 =	sadd.s32 @!p1 $0x190, s10  }
0x94: {  	[tilespmem:s12], [sflag:$0x1] =	stream.indirect.gather @!p1 [hbm4b:s4+s14], $0x80, s11, s14, $0xb8;
	[tilespmem:$0x1EAA0] =	vst v63  }
0x95: {  	s11 =	simm.s32 @!p1 $0x3  }
0x96: {  	_ =	swait.ge @!p1 [sflag:s11], $0x1400  }
0x97: {  	[sflag:s11] =	ssyncset.done @!p1 $0x0  }
0x98: {  	s12 =	simm.s32 @!p1 $0x7620;
	[sflag:s11] =	ssyncadd.s32 @!p1 $0xFFFFEC00;
	s11 =	sadd.s32 @!p1 $0x2828, s10  }
0x99: {  	[spmem:s2] =	stream.indirect.scatter.add.f32 @!p1 [tilespmem:s12], [sflag:$0x8], $0x80, s11, s14, $0xb8;
	[tilespmem:$0x1EAA0] =	vst v63  }
0x9a: {  	s11 =	simm.s32 @!p1 $0x7  }
0x9b: {  	_ =	swait.ge @!p1 [sflag:s11], $0x1400  }
0x9c: {  	[sflag:s11] =	ssyncset.done @!p1 $0x0  }
0x9d: {  	s10 =	sadd.s32 @!p1 $0x1B8, s10;
	[sflag:s11] =	ssyncadd.s32 @!p1 $0xFFFFEC00;
	s11 =	simm.s32 @!p1 $0x6220  }
0x9e: {  	[tilespmem:s11], [sflag:$0x2] =	stream.indirect.gather @!p1 [hbm4b:s4+s14], $0x80, s10, s14, $0xb8;
	[tilespmem:$0x1EAA0] =	vst v63  }
0x9f: {  	p1 =	sne.s32 s8, $0x9600  }
.Ltmp2:
0xa0: {  	_ = 	snop;
	(pc) =	sbr.rel @!p1 .LBB2_3-.Ltmp2, $4  }
0xa1: {  	_ =	swait.ge [sflag:s24], $0x1400  }
0xa2: {  	[sflag:s24] =	ssyncset.done $0x0  }
0xa3: {  	s14 =	sadd.s32 $0x2850, s9;
	[sflag:s24] =	ssyncadd.s32 $0xFFFFEC00  }
0xa4: {  	[spmem:s2] =	stream.indirect.scatter.add.f32 [tilespmem:s21], [sflag:$0x9], $0x80, s14, s15, $0xb8;
	[tilespmem:$0x1EAA0] =	vst v63  }
0xa5: {  	_ =	swait.ge [sflag:s31], $0x1400  }
0xa6: {  	[sflag:s31] =	ssyncset.done $0x0  }
0xa7: {  	s10 =	sadd.s32 $0x1E0, s9;
	[sflag:s31] =	ssyncadd.s32 $0xFFFFEC00  }
0xa8: {  	[tilespmem:s19], [sflag:$0x3] =	stream.indirect.gather [hbm4b:s4+s15], $0x80, s10, s15, $0xb8;
	[tilespmem:$0x1EAA0] =	vst v63  }
0xa9: {  	_ =	swait.ge [sflag:s0], $0x1400  }
0xaa: {  	s8 =	sadd.s32 $0x320, s8;
	[sflag:s0] =	ssyncset.done $0x0  }
0xab: {  	s12 =	sadd.s32 $0x2878, s9;
	p1 =	sne.s32 s8, $0x9920;
	[sflag:s0] =	ssyncadd.s32 $0xFFFFEC00  }
0xac: {  	[spmem:s2] =	stream.indirect.scatter.add.f32 [tilespmem:s26], [sflag:$0xA], $0x80, s12, s15, $0xb8;
	[tilespmem:$0x1EAA0] =	vst v63  }
.Ltmp3:
0xad: {  	_ = 	snop;
	(pc) =	sbr.rel @p1 .LBB2_2-.Ltmp3, $4  }
.Ltmp4:
0xae: {  	_ =	swait.ge [sflag:s18], $0x1400;
	(pc) =	sbr.rel @!p1 .LBB2_5-.Ltmp4, $4  }
0xaf: {  	[sflag:s18] =	ssyncset.done $0x0  }
0xb0: {  	s14 =	sadd.s32 $0x208, s9;
	[sflag:s18] =	ssyncadd.s32 $0xFFFFEC00  }
0xb1: {  	[tilespmem:s21], [sflag:$0x4] =	stream.indirect.gather [hbm4b:s4+s15], $0x80, s14, s15, $0xb8;
	[tilespmem:$0x1EAA0] =	vst v63  }
0xb2: {  	_ = 	snop  }
.LBB2_6:
0xb3: {  	_ =	sfence.sel $0x180000  }
0xb4: {  	[bflag:$0x0] =	sbarrier.arrive $0xFFFF  }
0xb5: {  	_ =	strace $0x9000004A  }
0xb6: {  	s0 =	stileid.u32;
	[bflag:$0x2] =	sbarrier.arrive $0xFFFF  }
0xb7: {  	p0 =	sne.s32 s0, $0x0;
	s0 =	rddreg [dreg:$0x3]  }
0xb8: {  	s0 =	sadd.s32 @!p0 $0x100000, s0  }
0xb9: {  	[sflag:s0] =	ssyncadd.tile.s32 @!p0 $0x1;
	_ =	shalt  }
.Lfunc_end2:
_tile_overlayer_lowered:
.L_overlay_start_2:
0xba: {  	(tag) =	ssettag $0x2  }
0xbb: {  	s0 =	rddreg [dreg:$0x0];
	s2 =	stileid.u32  }
0xbc: {  	s1 =	rddreg [dreg:$0x1];
	p0 =	sne.s32 s2, $0x0  }
0xbd: {  	s3 =	rddreg [dreg:$0x2];
	[bflag:$0x3] =	sbarrier.arrive $0xFFFF;
	s2 =	simm.s32 @!p0 $0x1C0B  }
0xbe: {  	[timem:s3], [sflag:s2] =	dma.local @!p0 [hbm:s0], s1  }
0xbf: {  	s0 =	simm.s32 @!p0 $0xB  }
0xc0: {  	_ =	swait.ge @!p0 [sflag:s0], s1  }
0xc1: {  	s1 =	ssub.s32 @!p0 $0x0, s1;
	[sflag:s0] =	ssyncset.done @!p0 $0x0  }
0xc2: {  	[sflag:s0] =	ssyncadd.s32 @!p0 s1  }
0xc3: {  	[bflag:$0x3] =	sbarrier.arrive $0xFFFF  }
0xc4: {  	_ =	shalt  }

// kernel: kernel.14.cloned.1.call-start
scs
__scs_entry_jumppad:
0x0: {  	(pc) =	sbr.rel $0x88, $3  }
0x1: {  	(tag) =	ssettag $0x0;
	lr =	simm.s32 $0x1  }
0x2: {  	[smem:$0x3F9B] =	sst lr;
	_ =	strace $0xD0000000  }
0x3: {  	_ = 	snop  }
0x4: {  	_ = 	snop  }
0x5: {  	_ = 	snop  }
0x6: {  	_ = 	snop  }
0x7: {  	_ = 	snop  }
__scs_overlays_trampoline_lowered:
0x8: {  	[smem:$0x3FAA] =	sst s0  }
0x9: {  	[smem:$0x3FAB] =	sst s1  }
0xa: {  	[smem:$0x3FAC] =	sst s2  }
0xb: {  	[smem:$0x3FAD] =	sst s3  }
0xc: {  	[smem:$0x3FAE] =	sst s4  }
0xd: {  	[smem:$0x3FAF] =	sst s5  }
0xe: {  	[smem:$0x3FB0] =	sst s6  }
0xf: {  	[smem:$0x3FB1] =	sst s7  }
0x10: {  	[smem:$0x3FB2] =	sst s8  }
0x11: {  	[smem:$0x3FB3] =	sst s9;
	s0 =	simm.s32 @!p0 $0x0  }
0x12: {  	s1 =	sld [smem:$0x3F99];
	s0 =	simm.s32 @p0 $0x1  }
0x13: {  	[smem:$0x3FB4] =	sst s0;
	s0 =	simm.s32 @!p1 $0x0  }
0x14: {  	s2 =	sld [smem:$0x3F98];
	s0 =	simm.s32 @p1 $0x1  }
0x15: {  	[smem:$0x3FB5] =	sst s0;
	s0 =	simm.s32 @!p2 $0x0  }
0x16: {  	s3 =	sld [smem:$0x3FDB];
	s0 =	simm.s32 @p2 $0x1  }
0x17: {  	s4 =	simm.s32 $0x1BF5;
	[smem:$0x3FB7] =	sst s0  }
0x18: {  	s0 =	sld [smem:$0x3F9A];
	_ =	swait.ge [sflag:s4], $0x0  }
0x19: {  	s7 =	sld [smem:$0x3F9B]  }
0x1a: {  	s8 =	sadd.s32 $0xFFFFE003, lr  }
0x1b: {  	s9 =	sadd.s32 $0xFFFFFEF7, lr;
	s5 =	simm.s32 $0xFFFFFFFF;
	p2 =	slt.u32 s8, $0xFFFFF086  }
0x1c: {  	p1 =	slt.u32 s9, $0xF7A;
	s5 =	simm.s32 @!p2 $0x0  }
0x1d: {  	s5 =	simm.s32 @p1 $0x1;
	p0 =	seq.s32 s7, s2  }
0x1e: {  	s7 =	smul.u32 @!p0 $0xF7A, s2;
	p2 =	seq.s32 @!p0 s5, $0x0  }
0x1f: {  	s9 =	smul.u32 $0xF7A, s1;
	s8 =	simm.s32 @!p0 $0x1BF5;
	p2 =	por !p2, p0  }
0x20: {  	[sflag:s8] =	ssyncset.s32 @!p0 $0xFFFFF086;
	s6 =	sadd.s32 @!p0 s3, s7;
	s7 =	simm.s32 @!p0 $0x108  }
0x21: {  	s3 =	sadd.s32 s3, s9;
	s6 =	sadd.s32 @!p0 $0x88, s6;
	s7 =	simm.s32 @p2 $0x1082  }
0x22: {  	[simem:s7], [sflag:s8] =	dma.local @!p0 [hbm:s6], $0xF7A  }
0x23: {  	s9 =	sor.u32 $0xD0000000, s2;
	s6 =	simm.s32 $0x108;
	_ =	swait.ge @!p0 [sflag:s8], $0x0  }
0x24: {  	s3 =	sadd.s32 $0x88, s3;
	s6 =	simm.s32 @!p1 $0x1082;
	[sflag:s4] =	ssyncset.s32 $0xFFFFF086  }
0x25: {  	[simem:s6], [sflag:s4] =	dma.local [hbm:s3], $0xF7A  }
0x26: {  	[smem:$0x3F9B] =	sst s1;
	(tag) =	ssettag s2;
	_ =	strace s9  }
0x27: {  	s1 =	sld [smem:$0x3FAB]  }
0x28: {  	s2 =	sld [smem:$0x3FAC]  }
0x29: {  	s4 =	sld [smem:$0x3FAE]  }
0x2a: {  	p0 =	seq.s32 s5, $0x0;
	s5 =	sld [smem:$0x3FAF]  }
0x2b: {  	s6 =	sld [smem:$0x3FB0]  }
0x2c: {  	s7 =	sld [smem:$0x3FB1]  }
0x2d: {  	s3 =	simm.s32 $0x108;
	s8 =	sld [smem:$0x3FB2]  }
0x2e: {  	s3 =	simm.s32 @!p0 $0x1082;
	s9 =	sld [smem:$0x3FB3]  }
0x2f: {  	lr =	sadd.s32 s0, s3;
	s0 =	sld [smem:$0x3FAA]  }
0x30: {  	s3 =	sld [smem:$0x3FAD]  }
0x31: {  	[smem:$0x3FB6] =	sst s10  }
0x32: {  	s10 =	sld [smem:$0x3FB4];
	_ =	sdelay $0x3  }
0x33: {  	p0 =	seq.s32 s10, $0x1;
	s10 =	sld [smem:$0x3FB6];
	_ =	sdelay $0x3  }
0x34: {  	[smem:$0x3FB6] =	sst s10  }
0x35: {  	s10 =	sld [smem:$0x3FB5];
	_ =	sdelay $0x3  }
0x36: {  	p1 =	seq.s32 s10, $0x1;
	s10 =	sld [smem:$0x3FB6];
	_ =	sdelay $0x3  }
0x37: {  	[smem:$0x3FB6] =	sst s10  }
0x38: {  	s10 =	sld [smem:$0x3FB7]  }
0x39: {  	_ = 	snop;
	(pc) =	sbr.ind lr, $3  }
0x3a: {  	_ = 	snop  }
0x3b: {  	_ = 	snop  }
0x3c: {  	p2 =	seq.s32 s10, $0x1;
	s10 =	sld [smem:$0x3FB6]  }
0x3d: {  	_ =	shalt  }
0x3e: {  	_ =	shalt  }
0x3f: {  	_ =	shalt  }
0x40: {  	_ =	shalt  }
0x41: {  	_ =	shalt  }
0x42: {  	_ =	shalt  }
0x43: {  	_ =	shalt  }
0x44: {  	_ =	shalt  }
0x45: {  	_ =	shalt  }
0x46: {  	_ =	shalt  }
0x47: {  	_ =	shalt  }
0x48: {  	_ =	shalt  }
0x49: {  	_ =	shalt  }
0x4a: {  	_ =	shalt  }
0x4b: {  	_ =	shalt  }
0x4c: {  	_ =	shalt  }
0x4d: {  	_ =	shalt  }
0x4e: {  	_ =	shalt  }
0x4f: {  	_ =	shalt  }
0x50: {  	_ =	shalt  }
0x51: {  	_ =	shalt  }
0x52: {  	_ =	shalt  }
0x53: {  	_ =	shalt  }
0x54: {  	_ =	shalt  }
0x55: {  	_ =	shalt  }
0x56: {  	_ =	shalt  }
0x57: {  	_ =	shalt  }
0x58: {  	_ =	shalt  }
0x59: {  	_ =	shalt  }
0x5a: {  	_ =	shalt  }
0x5b: {  	_ =	shalt  }
0x5c: {  	_ =	shalt  }
0x5d: {  	_ =	shalt  }
0x5e: {  	_ =	shalt  }
0x5f: {  	_ =	shalt  }
0x60: {  	_ =	shalt  }
0x61: {  	_ =	shalt  }
0x62: {  	_ =	shalt  }
0x63: {  	_ =	shalt  }
0x64: {  	_ =	shalt  }
0x65: {  	_ =	shalt  }
0x66: {  	_ =	shalt  }
0x67: {  	_ =	shalt  }
0x68: {  	_ =	shalt  }
0x69: {  	_ =	shalt  }
0x6a: {  	_ =	shalt  }
0x6b: {  	_ =	shalt  }
0x6c: {  	_ =	shalt  }
0x6d: {  	_ =	shalt  }
0x6e: {  	_ =	shalt  }
0x6f: {  	_ =	shalt  }
0x70: {  	_ =	shalt  }
0x71: {  	_ =	shalt  }
0x72: {  	_ =	shalt  }
0x73: {  	_ =	shalt  }
0x74: {  	_ =	shalt  }
0x75: {  	_ =	shalt  }
0x76: {  	_ =	shalt  }
0x77: {  	_ =	shalt  }
0x78: {  	_ =	shalt  }
0x79: {  	_ =	shalt  }
0x7a: {  	_ =	shalt  }
0x7b: {  	_ =	shalt  }
0x7c: {  	_ =	shalt  }
0x7d: {  	_ =	shalt  }
0x7e: {  	_ =	shalt  }
0x7f: {  	_ =	shalt  }
0x80: {  	_ =	shalt  }
0x81: {  	_ =	shalt  }
0x82: {  	_ =	shalt  }
0x83: {  	_ =	shalt  }
0x84: {  	_ =	shalt  }
0x85: {  	_ =	shalt  }
0x86: {  	_ =	shalt  }
0x87: {  	_ =	shalt  }
.Lfunc_end0:
.L_simem_size_0:
called_computation.2_lowered:
.L_overlay_start_0:
0x88: {  	s2 =	sld [smem:$0x3FD9]  }
0x89: {  	s3 =	sld [smem:$0x3FFE];
	_ =	sdelay $0x1  }
0x8a: {  	s1 =	srdreg.scid  }
0x8b: {  	s0 =	sand.u32 $0x1, s1  }
0x8c: {  	s17 =	sshll.u32 s0, $0xA;
	s2 =	sadd.s32 s3, s2  }
0x8d: {  	s2 =	sadd.s32 s2, s17  }
0x8e: {  	[smem:$0x3FC2] =	sst s2  }
0x8f: {  	_ = 	snop  }
0x90: {  	s2 =	sld [smem:$0x3FD0];
	(tm) =	ssettm $0x1  }
0x91: {  	s18 =	sld [smem:$0x3FFB];
	_ =	sdelay $0x3  }
0x92: {  	_ =	strace s18  }
0x93: {  	s3 =	sld [smem:$0x3FFC];
	_ =	sdelay $0x3  }
0x94: {  	_ =	strace s3  }
0x95: {  	s3 =	sld [smem:$0x3FFD];
	_ =	sdelay $0x3  }
0x96: {  	_ =	strace s3  }
0x97: {  	_ =	strace $0x8FFFFFFF  }
0x98: {  	s19 =	sld [smem:$0x3FDB];
	_ =	sdelay $0x1  }
0x99: {  	s4 =	simm.s32 $_scs_section_size  }
0x9a: {  	s5 =	simm.s32 $_size__tile_overlayer_lowered;
	s6 =	simm.s32 $_tile_overlayer_lowered  }
0x9b: {  	s22 =	simm.s32 $0x1BFF;
	s21 =	sshll.u32 s6, $0x1;
	s3 =	sadd.s32 s4, s19  }
0x9c: {  	s7 =	simm.s32 $0x0;
	s20 =	sshll.u32 s5, $0x1;
	s5 =	sadd.s32 s21, s3  }
0x9d: {  	[timem:s7], [sflag:s22] =	dma.local [hbm:s5], s20  }
0x9e: {  	_ =	swait.ge [sflag:s22], s20  }
0x9f: {  	s4 =	ssub.s32 $0x0, s20;
	[sflag:s22] =	ssyncset.done $0x0  }
0xa0: {  	[sflag:s22] =	ssyncadd.s32 s4;
	_ =	sdelay $0x1  }
0xa1: {  	s23 =	simm.s32 $0x1B8B  }
0xa2: {  	_ =	swait.ge [sflag:s23], $0x1  }
0xa3: {  	[sflag:s23] =	ssyncset.done $0x0  }
0xa4: {  	s25 =	simm.s32 $0x1B8E;
	s24 =	sld [smem:$0x3FFE];
	[sflag:s23] =	ssyncadd.s32 $0xFFFFFFFF  }
0xa5: {  	s26 =	simm.s32 $execute0_lowered;
	[smem:$0x3FD2] =	sst s25  }
0xa6: {  	s5 =	sshll.u32 s26, $0x1;
	_ =	strace $0x8000004C;
	[dreg:$0x1] =	wrdreg $0xFFFFFFFF  }
0xa7: {  	s28 =	simm.s32 $_size_execute0_lowered;
	s3 =	sadd.s32 s3, s5;
	[dreg:$0x0] =	wrdreg $0x0  }
0xa8: {  	s5 =	sshll.u32 s28, $0x1;
	[dreg:$0x2] =	wrdreg s3  }
0xa9: {  	[dreg:$0x3] =	wrdreg s5  }
0xaa: {  	[dreg:$0x4] =	wrdreg $0xC0  }
0xab: {  	_ =	task [dreg:s7], $0x5FFFF  }
0xac: {  	[dreg:$0x1] =	wrdreg $0xFFFFFFFF  }
0xad: {  	[dreg:$0x0] =	wrdreg $0x60  }
0xae: {  	[dreg:$0x2] =	wrdreg s2  }
0xaf: {  	[dreg:$0x3] =	wrdreg s24  }
0xb0: {  	[dreg:$0x4] =	wrdreg $0xCE400  }
0xb1: {  	[dreg:$0x5] =	wrdreg $0x9  }
0xb2: {  	_ =	task.clear_ibuf [dreg:s7], $0x6FFFF;
	_ =	strace $0x9000004C  }
0xb3: {  	s29 =	simm.s32 $0x9;
	_ =	strace $0x8000004E  }
0xb4: {  	_ =	swait.ge [sflag:s29], $0x1  }
0xb5: {  	[sflag:s29] =	ssyncadd.s32 $0xFFFFFFFF  }
0xb6: {  	_ =	strace $0x9000004E  }
0xb7: {  	_ =	sfence  }
0xb8: {  	s30 =	sld [smem:$0x0];
	_ =	sdelay $0x2  }
0xb9: {  	s31 =	sshll.u32 s1, $0xD;
	s1 =	sshrl.u32 s1, $0x2  }
0xba: {  	s3 =	sand.u32 $0x4000, s31;
	s1 =	sadd.s32 s1, s30  }
0xbb: {  	s0 =	sor.u32 s3, s0;
	s1 =	sshll.u32 s1, $0x11  }
0xbc: {  	s0 =	sor.u32 s1, s0  }
0xbd: {  	s0 =	sadd.s32 $0x8F2B, s0  }
0xbe: {  	[sflag:s0] =	ssyncadd.remote.s32 $0x1  }
0xbf: {  	_ =	sfence.sel $0xFFFF  }
0xc0: {  	[dreg:$0x0] =	wrdreg $0xFFFFFFFF;
	(pc) =	sbr.abs _section_cstart, $3  }
0xc1: {  	[dreg:$0x1] =	wrdreg $0xFFFFFFFF  }
0xc2: {  	_ =	task.clear_ibuf [dreg:s7], $0x2FFFF;
	_ =	strace $0x9FFFFFFF  }
0xc3: {  	(tm) =	ssettm $0x7FFFFFFF  }
tec
execute0_lowered:
.L_overlay_start_1:
0x0: {  	(tag) =	ssettag $0x1  }
0x1: {  	s1 =	rddreg [dreg:$0x0]  }
0x2: {  	s0 =	srdreg.scid;
	s2 =	rddreg [dreg:$0x1]  }
0x3: {  	s11 =	stileid.u32;
	s3 =	rddreg [dreg:$0x2]  }
0x4: {  	s5 =	simm.s32 $0x0;
	s13 =	simm.s32 $0x15;
	s15 =	simm.s32 $0x64  }
0x5: {  	s16 =	simm.s32 $0x5140;
	s29 =	simm.s32 $0x8FC0;
	s17 =	smul.u32 $0x514, s11  }
0x6: {  	s14 =	simm.s32 $0xA8C0;
	s28 =	simm.s32 $0x6;
	s6 =	smul.u32 $0x13800, s11  }
0x7: {  	s30 =	simm.s32 $0x8;
	s31 =	simm.s32 $0xA;
	s10 =	smul.u32 $0x9C0, s11  }
0x8: {  	s0 =	sand.u32 $0x1, s0;
	[smem:$0x7FF] =	sst s5;
	s20 =	smul.u32 $0x4E00, s11  }
0x9: {  	s24 =	sadd.s32 $0x49200, s3;
	p0 =	seq.s32 s11, $0xF;
	s4 =	sshll.u32 s0, $0x4  }
0xa: {  	_ =	strace $0x8000004D;
	s7 =	ssub.s32 $0x2, s0;
	s8 =	smul.u32 $0x9C40, s0  }
0xb: {  	s0 =	smul.u32 $0x4E200, s0;
	[dreg:$0x7] =	wrdreg s24;
	s4 =	sor.u32 s11, s4  }
0xc: {  	s5 =	sadd.s32 s17, s2;
	s9 =	sshrl.u32 s7, $0x1;
	s19 =	sshrl.u32 s6, $0x2  }
0xd: {  	s11 =	simm.s32 $0x0;
	s4 =	smul.u32 $0x514, s4;
	s7 =	ssub.s32 s7, s9  }
0xe: {  	s18 =	sadd.s32 $0xACA00, s5;
	s21 =	sadd.s32 s10, s8;
	s22 =	sshrl.u32 s0, $0x3  }
0xf: {  	s0 =	sadd.s32 s20, s0;
	s8 =	simm.s32 $0x12;
	s9 =	simm.s32 $0x13  }
0x10: {  	s10 =	simm.s32 $0x14;
	[dreg:$0x5] =	wrdreg s18;
	s6 =	sadd.s32 s1, s21  }
0x11: {  	s23 =	sadd.s32 $0x9240, s22;
	s0 =	sshrl.u32 s0, $0x3;
	s26 =	smax.u32 s7, $0x1  }
0x12: {  	s18 =	simm.s32 $0x5DC0;
	s22 =	simm.s32 $0x76C0;
	[dreg:$0x6] =	wrdreg s6  }
0x13: {  	s4 =	sadd.s32 s4, s2;
	s25 =	sadd.s32 s1, s23;
	[dreg:$0xb] =	wrdreg s26  }
0x14: {  	s2 =	sadd.s32 $0x1200, s2;
	s4 =	sadd.s32 $0xA2600, s4;
	[dreg:$0x8] =	wrdreg s25  }
0x15: {  	s21 =	simm.s32 $0xC1C0;
	s0 =	sadd.s32 s2, s0;
	[dreg:$0x4] =	wrdreg s4  }
0x16: {  	s2 =	sadd.s32 s2, s23;
	s4 =	sadd.s32 s19, s3;
	[dreg:$0x9] =	wrdreg s0  }
0x17: {  	s0 =	sadd.s32 s20, s3;
	[dreg:$0xa] =	wrdreg s2;
	s2 =	sshrl.u32 @!p0 s4, $0x3  }
0x18: {  	s26 =	simm.s32 $0x4;
	s0 =	sshrl.u32 @!p0 s0, $0x3;
	[dreg:$0xc] =	wrdreg s2  }
0x19: {  	s23 =	simm.s32 $0x2;
	s20 =	simm.s32 $0x1;
	[dreg:$0xd] =	wrdreg s0  }
.LBB2_1:
0x1a: {  	s0 =	simm.s32 $0x0;
	s2 =	rddreg [dreg:$0x4]  }
0x1b: {  	[tilespmem:s0], [sflag:$0x15] =	stream.linear.gather [hbm4b:s2+s0], $0x28A0, $0x38;
	[tilespmem:$0x11C60] =	vst v63  }
0x1c: {  	_ =	swait.ge [sflag:s13], $0x28A0  }
0x1d: {  	[sflag:s13] =	ssyncset.done $0x0  }
0x1e: {  	s4 =	simm.s32 $0x28A0;
	s17 =	rddreg [dreg:$0x5];
	[sflag:s13] =	ssyncadd.s32 $0xFFFFD760  }
0x1f: {  	[tilespmem:s4], [sflag:$0x15] =	stream.linear.gather [hbm4b:s17+s0], $0x28A0, $0x38;
	[tilespmem:$0x11C60] =	vst v63  }
0x20: {  	_ =	swait.ge [sflag:s13], $0x28A0  }
0x21: {  	[sflag:s13] =	ssyncset.done $0x0  }
0x22: {  	[sflag:s13] =	ssyncadd.s32 $0xFFFFD760  }
0x23: {  	[tilespmem:s16], [sflag:$0x1] =	stream.indirect.gather [hbm4b:s1+s15], $0x20, s0, s15, $0xb8;
	[tilespmem:$0x11C60] =	vst v63  }
0x24: {  	s19 =	simm.s32 $0x68  }
0x25: {  	[tilespmem:s18], [sflag:$0x2] =	stream.indirect.gather [hbm4b:s1+s15], $0x20, s19, s15, $0xb8;
	[tilespmem:$0x11C60] =	vst v63  }
0x26: {  	s24 =	simm.s32 $0xD0;
	s25 =	simm.s32 $0x6A40  }
0x27: {  	[tilespmem:s25], [sflag:$0x3] =	stream.indirect.gather [hbm4b:s1+s15], $0x20, s24, s15, $0xb8;
	[tilespmem:$0x11C60] =	vst v63  }
0x28: {  	s4 =	simm.s32 $0x138  }
0x29: {  	[tilespmem:s22], [sflag:$0x4] =	stream.indirect.gather [hbm4b:s1+s15], $0x20, s4, s15, $0xb8;
	[tilespmem:$0x11C60] =	vst v63  }
0x2a: {  	s5 =	simm.s32 $0x1A0;
	s6 =	simm.s32 $0x8340  }
0x2b: {  	[tilespmem:s6], [sflag:$0x5] =	stream.indirect.gather [hbm4b:s1+s15], $0x20, s5, s15, $0xb8;
	[tilespmem:$0x11C60] =	vst v63  }
0x2c: {  	s7 =	simm.s32 $0x208  }
0x2d: {  	[tilespmem:s29], [sflag:$0x6] =	stream.indirect.gather [hbm4b:s1+s15], $0x20, s7, s15, $0xb8;
	[tilespmem:$0x11C60] =	vst v63  }
0x2e: {  	s12 =	simm.s32 $0x270;
	s17 =	simm.s32 $0x9C40;
	s2 =	rddreg [dreg:$0x8]  }
0x2f: {  	[tilespmem:s17], [sflag:$0x7] =	stream.indirect.gather [hbm4b:s1+s15], $0x20, s12, s15, $0xb8;
	[tilespmem:$0x11C60] =	vst v63  }
0x30: {  	s0 =	rddreg [dreg:$0x7];
	s19 =	simm.s32 $0x2D8;
	s24 =	simm.s32 $0x340  }
0x31: {  	[tilespmem:s14], [sflag:$0x8] =	stream.indirect.gather [hbm4b:s1+s15], $0x20, s19, s15, $0xb8;
	[tilespmem:$0x11C60] =	vst v63  }
0x32: {  	s25 =	simm.s32 $0xB540;
	s12 =	sshrl.u32 @p0 s0, $0x3;
	s0 =	simm.s32 @p0 $0x1FD5  }
0x33: {  	[tilespmem:s25], [sflag:$0x9] =	stream.indirect.gather [hbm4b:s1+s15], $0x20, s24, s15, $0xb8;
	[tilespmem:$0x11C60] =	vst v63  }
0x34: {  	[spmem:s12], [sflag:s0] =	dma.local @p0 [hbm:s2], $0xA00  }
0x35: {  	s0 =	simm.s32 @p0 $0x15;
	s2 =	stileid.u32  }
0x36: {  	_ =	swait.ge @p0 [sflag:s0], $0xA00;
	s2 =	sshll.u32 @!p0 s2, $0x6  }
0x37: {  	[sflag:s0] =	ssyncset.done @p0 $0x0;
	s24 =	sor.u32 @!p0 $0x1C15, s2;
	s2 =	rddreg [dreg:$0xc]  }
0x38: {  	[sflag:s0] =	ssyncadd.s32 @p0 $0xFFFFF600;
	s0 =	rddreg [dreg:$0x6]  }
0x39: {  	[spmem:s2], [sflag:s24] =	dma.local @!p0 [hbm:s0], $0x9C0  }
0x3a: {  	s0 =	simm.s32 @!p0 $0x15  }
0x3b: {  	_ =	swait.ge @!p0 [sflag:s0], $0x9C0  }
0x3c: {  	[sflag:s0] =	ssyncset.done @!p0 $0x0  }
0x3d: {  	[sflag:s0] =	ssyncadd.s32 @!p0 $0xFFFFF640  }
0x3e: {  	s25 =	simm.s32 $0x0;
	[bflag:$0x0] =	sbarrier.arrive $0xFFFF  }
.LBB2_2:
0x3f: {  	_ =	swait.ge [sflag:s20], $0xC80  }
0x40: {  	s4 =	sshra.s32 s25, $0x2;
	[sflag:s20] =	ssyncset.done $0x0  }
0x41: {  	p1 =	seq.s32 s25, $0x0;
	s0 =	sadd.s32 $0x28A0, s4;
	[sflag:s20] =	ssyncadd.s32 $0xFFFFF380  }
0x42: {  	[spmem:s3] =	stream.indirect.scatter.add.f32 [tilespmem:s16], [sflag:$0xB], $0x20, s0, s15, $0xb8;
	[tilespmem:$0x11C60] =	vst v63  }
0x43: {  	s0 =	simm.s32 @!p1 $0x14  }
0x44: {  	_ =	swait.ge @!p1 [sflag:s0], $0xC80  }
0x45: {  	[sflag:s0] =	ssyncset.done @!p1 $0x0  }
0x46: {  	s5 =	sadd.s32 $0x3A8, s4;
	[sflag:s0] =	ssyncadd.s32 @!p1 $0xFFFFF380  }
0x47: {  	[tilespmem:s21], [sflag:$0xA] =	stream.indirect.gather [hbm4b:s1+s15], $0x20, s5, s15, $0xb8;
	[tilespmem:$0x11C60] =	vst v63  }
0x48: {  	_ =	swait.ge [sflag:s23], $0xC80  }
0x49: {  	p1 =	seq.s32 s25, $0x9240;
	[sflag:s23] =	ssyncset.done $0x0  }
0x4a: {  	s6 =	sadd.s32 $0x2908, s4;
	s0 =	simm.s32 @p1 $0x3;
	[sflag:s23] =	ssyncadd.s32 $0xFFFFF380  }
0x4b: {  	[spmem:s3] =	stream.indirect.scatter.add.f32 [tilespmem:s18], [sflag:$0xC], $0x20, s6, s15, $0xb8;
	[tilespmem:$0x11C60] =	vst v63  }
0x4c: {  	_ =	swait.ge @p1 [sflag:s0], $0xC80  }
0x4d: {  	s17 =	sshra.s32 @p1 s25, $0x2;
	s19 =	simm.s32 @p1 $0x64;
	[sflag:s0] =	ssyncset.done @p1 $0x0  }
0x4e: {  	s2 =	simm.s32 @p1 $0x6A40;
	[sflag:s0] =	ssyncadd.s32 @p1 $0xFFFFF380;
	s0 =	sadd.s32 @p1 $0x2970, s17  }
0x4f: {  	[spmem:s3] =	stream.indirect.scatter.add.f32 @p1 [tilespmem:s2], [sflag:$0xD], $0x20, s0, s19, $0xb8;
	[tilespmem:$0x11C60] =	vst v63  }
0x50: {  	s0 =	simm.s32 @!p1 $0xB  }
0x51: {  	_ =	swait.ge @!p1 [sflag:s0], $0xC80  }
0x52: {  	s6 =	simm.s32 @!p1 $0x5140;
	s2 =	sshra.s32 @!p1 s25, $0x2;
	[sflag:s0] =	ssyncset.done @!p1 $0x0  }
0x53: {  	s5 =	sadd.s32 @!p1 $0x410, s2;
	[sflag:s0] =	ssyncadd.s32 @!p1 $0xFFFFF380;
	s0 =	simm.s32 @!p1 $0x64  }
0x54: {  	[tilespmem:s6], [sflag:$0x1] =	stream.indirect.gather @!p1 [hbm4b:s1+s0], $0x20, s5, s0, $0xb8;
	[tilespmem:$0x11C60] =	vst v63  }
0x55: {  	s5 =	simm.s32 @!p1 $0x3  }
0x56: {  	_ =	swait.ge @!p1 [sflag:s5], $0xC80  }
0x57: {  	[sflag:s5] =	ssyncset.done @!p1 $0x0  }
0x58: {  	s6 =	simm.s32 @!p1 $0x6A40;
	[sflag:s5] =	ssyncadd.s32 @!p1 $0xFFFFF380;
	s5 =	sadd.s32 @!p1 $0x2970, s2  }
0x59: {  	[spmem:s3] =	stream.indirect.scatter.add.f32 @!p1 [tilespmem:s6], [sflag:$0xD], $0x20, s5, s0, $0xb8;
	[tilespmem:$0x11C60] =	vst v63  }
0x5a: {  	s5 =	simm.s32 @!p1 $0xC  }
0x5b: {  	_ =	swait.ge @!p1 [sflag:s5], $0xC80  }
0x5c: {  	[sflag:s5] =	ssyncset.done @!p1 $0x0  }
0x5d: {  	s7 =	simm.s32 @!p1 $0x5DC0;
	[sflag:s5] =	ssyncadd.s32 @!p1 $0xFFFFF380;
	s5 =	sadd.s32 @!p1 $0x478, s2  }
0x5e: {  	[tilespmem:s7], [sflag:$0x2] =	stream.indirect.gather @!p1 [hbm4b:s1+s0], $0x20, s5, s0, $0xb8;
	[tilespmem:$0x11C60] =	vst v63  }
0x5f: {  	_ =	swait.ge [sflag:s26], $0xC80  }
0x60: {  	[sflag:s26] =	ssyncset.done $0x0  }
0x61: {  	s7 =	sadd.s32 $0x29D8, s4;
	s5 =	simm.s32 @p1 $0x5;
	[sflag:s26] =	ssyncadd.s32 $0xFFFFF380  }
0x62: {  	[spmem:s3] =	stream.indirect.scatter.add.f32 [tilespmem:s22], [sflag:$0xE], $0x20, s7, s15, $0xb8;
	[tilespmem:$0x11C60] =	vst v63  }
0x63: {  	_ =	swait.ge @p1 [sflag:s5], $0xC80  }
0x64: {  	[sflag:s5] =	ssyncset.done @p1 $0x0  }
0x65: {  	s7 =	simm.s32 @p1 $0x8340;
	[sflag:s5] =	ssyncadd.s32 @p1 $0xFFFFF380;
	s5 =	sadd.s32 @p1 $0x2A40, s17  }
0x66: {  	[spmem:s3] =	stream.indirect.scatter.add.f32 @p1 [tilespmem:s7], [sflag:$0xF], $0x20, s5, s19, $0xb8;
	[tilespmem:$0x11C60] =	vst v63  }
0x67: {  	s5 =	simm.s32 @!p1 $0xD  }
0x68: {  	_ =	swait.ge @!p1 [sflag:s5], $0xC80  }
0x69: {  	[sflag:s5] =	ssyncset.done @!p1 $0x0  }
0x6a: {  	[sflag:s5] =	ssyncadd.s32 @!p1 $0xFFFFF380;
	s5 =	sadd.s32 @!p1 $0x4E0, s2  }
0x6b: {  	[tilespmem:s6], [sflag:$0x3] =	stream.indirect.gather @!p1 [hbm4b:s1+s0], $0x20, s5, s0, $0xb8;
	[tilespmem:$0x11C60] =	vst v63  }
0x6c: {  	s5 =	simm.s32 @!p1 $0x5  }
0x6d: {  	_ =	swait.ge @!p1 [sflag:s5], $0xC80  }
0x6e: {  	[sflag:s5] =	ssyncset.done @!p1 $0x0  }
0x6f: {  	s6 =	simm.s32 @!p1 $0x8340;
	[sflag:s5] =	ssyncadd.s32 @!p1 $0xFFFFF380;
	s5 =	sadd.s32 @!p1 $0x2A40, s2  }
0x70: {  	[spmem:s3] =	stream.indirect.scatter.add.f32 @!p1 [tilespmem:s6], [sflag:$0xF], $0x20, s5, s0, $0xb8;
	[tilespmem:$0x11C60] =	vst v63  }
0x71: {  	s5 =	simm.s32 @!p1 $0xE  }
0x72: {  	_ =	swait.ge @!p1 [sflag:s5], $0xC80  }
0x73: {  	[sflag:s5] =	ssyncset.done @!p1 $0x0  }
0x74: {  	s7 =	simm.s32 @!p1 $0x76C0;
	[sflag:s5] =	ssyncadd.s32 @!p1 $0xFFFFF380;
	s5 =	sadd.s32 @!p1 $0x548, s2  }
0x75: {  	[tilespmem:s7], [sflag:$0x4] =	stream.indirect.gather @!p1 [hbm4b:s1+s0], $0x20, s5, s0, $0xb8;
	[tilespmem:$0x11C60] =	vst v63  }
0x76: {  	_ =	swait.ge [sflag:s28], $0xC80  }
0x77: {  	[sflag:s28] =	ssyncset.done $0x0  }
0x78: {  	s7 =	sadd.s32 $0x2AA8, s4;
	s5 =	simm.s32 @p1 $0x7;
	[sflag:s28] =	ssyncadd.s32 $0xFFFFF380  }
0x79: {  	[spmem:s3] =	stream.indirect.scatter.add.f32 [tilespmem:s29], [sflag:$0x10], $0x20, s7, s15, $0xb8;
	[tilespmem:$0x11C60] =	vst v63  }
0x7a: {  	_ =	swait.ge @p1 [sflag:s5], $0xC80  }
0x7b: {  	[sflag:s5] =	ssyncset.done @p1 $0x0  }
0x7c: {  	s7 =	simm.s32 @p1 $0x9C40;
	[sflag:s5] =	ssyncadd.s32 @p1 $0xFFFFF380;
	s5 =	sadd.s32 @p1 $0x2B10, s17  }
0x7d: {  	[spmem:s3] =	stream.indirect.scatter.add.f32 @p1 [tilespmem:s7], [sflag:$0x11], $0x20, s5, s19, $0xb8;
	[tilespmem:$0x11C60] =	vst v63  }
0x7e: {  	s5 =	simm.s32 @!p1 $0xF  }
0x7f: {  	_ =	swait.ge @!p1 [sflag:s5], $0xC80  }
0x80: {  	[sflag:s5] =	ssyncset.done @!p1 $0x0  }
0x81: {  	[sflag:s5] =	ssyncadd.s32 @!p1 $0xFFFFF380;
	s5 =	sadd.s32 @!p1 $0x5B0, s2  }
0x82: {  	[tilespmem:s6], [sflag:$0x5] =	stream.indirect.gather @!p1 [hbm4b:s1+s0], $0x20, s5, s0, $0xb8;
	[tilespmem:$0x11C60] =	vst v63  }
0x83: {  	s5 =	simm.s32 @!p1 $0x7  }
0x84: {  	_ =	swait.ge @!p1 [sflag:s5], $0xC80  }
0x85: {  	[sflag:s5] =	ssyncset.done @!p1 $0x0  }
0x86: {  	s6 =	simm.s32 @!p1 $0x9C40;
	[sflag:s5] =	ssyncadd.s32 @!p1 $0xFFFFF380;
	s5 =	sadd.s32 @!p1 $0x2B10, s2  }
0x87: {  	[spmem:s3] =	stream.indirect.scatter.add.f32 @!p1 [tilespmem:s6], [sflag:$0x11], $0x20, s5, s0, $0xb8;
	[tilespmem:$0x11C60] =	vst v63  }
0x88: {  	s5 =	simm.s32 @!p1 $0x10  }
0x89: {  	_ =	swait.ge @!p1 [sflag:s5], $0xC80  }
0x8a: {  	[sflag:s5] =	ssyncset.done @!p1 $0x0  }
0x8b: {  	s7 =	simm.s32 @!p1 $0x8FC0;
	[sflag:s5] =	ssyncadd.s32 @!p1 $0xFFFFF380;
	s5 =	sadd.s32 @!p1 $0x618, s2  }
0x8c: {  	[tilespmem:s7], [sflag:$0x6] =	stream.indirect.gather @!p1 [hbm4b:s1+s0], $0x20, s5, s0, $0xb8;
	[tilespmem:$0x11C60] =	vst v63  }
0x8d: {  	_ =	swait.ge [sflag:s30], $0xC80  }
0x8e: {  	[sflag:s30] =	ssyncset.done $0x0  }
0x8f: {  	s7 =	sadd.s32 $0x2B78, s4;
	s5 =	simm.s32 @p1 $0x9;
	[sflag:s30] =	ssyncadd.s32 $0xFFFFF380  }
0x90: {  	[spmem:s3] =	stream.indirect.scatter.add.f32 [tilespmem:s14], [sflag:$0x12], $0x20, s7, s15, $0xb8;
	[tilespmem:$0x11C60] =	vst v63  }
0x91: {  	_ =	swait.ge @p1 [sflag:s5], $0xC80  }
0x92: {  	[sflag:s5] =	ssyncset.done @p1 $0x0  }
0x93: {  	s7 =	simm.s32 @p1 $0xB540;
	[sflag:s5] =	ssyncadd.s32 @p1 $0xFFFFF380;
	s5 =	sadd.s32 @p1 $0x2BE0, s17  }
0x94: {  	[spmem:s3] =	stream.indirect.scatter.add.f32 @p1 [tilespmem:s7], [sflag:$0x13], $0x20, s5, s19, $0xb8;
	[tilespmem:$0x11C60] =	vst v63  }
0x95: {  	s5 =	simm.s32 @!p1 $0x11  }
0x96: {  	_ =	swait.ge @!p1 [sflag:s5], $0xC80  }
0x97: {  	[sflag:s5] =	ssyncset.done @!p1 $0x0  }
0x98: {  	[sflag:s5] =	ssyncadd.s32 @!p1 $0xFFFFF380;
	s5 =	sadd.s32 @!p1 $0x680, s2  }
0x99: {  	[tilespmem:s6], [sflag:$0x7] =	stream.indirect.gather @!p1 [hbm4b:s1+s0], $0x20, s5, s0, $0xb8;
	[tilespmem:$0x11C60] =	vst v63  }
0x9a: {  	s5 =	simm.s32 @!p1 $0x9  }
0x9b: {  	_ =	swait.ge @!p1 [sflag:s5], $0xC80  }
0x9c: {  	[sflag:s5] =	ssyncset.done @!p1 $0x0  }
0x9d: {  	s6 =	simm.s32 @!p1 $0xB540;
	[sflag:s5] =	ssyncadd.s32 @!p1 $0xFFFFF380;
	s5 =	sadd.s32 @!p1 $0x2BE0, s2  }
0x9e: {  	[spmem:s3] =	stream.indirect.scatter.add.f32 @!p1 [tilespmem:s6], [sflag:$0x13], $0x20, s5, s0, $0xb8;
	[tilespmem:$0x11C60] =	vst v63  }
0x9f: {  	s5 =	simm.s32 @!p1 $0x12  }
0xa0: {  	_ =	swait.ge @!p1 [sflag:s5], $0xC80  }
0xa1: {  	[sflag:s5] =	ssyncset.done @!p1 $0x0  }
0xa2: {  	s7 =	simm.s32 @!p1 $0xA8C0;
	[sflag:s5] =	ssyncadd.s32 @!p1 $0xFFFFF380;
	s5 =	sadd.s32 @!p1 $0x6E8, s2  }
0xa3: {  	[tilespmem:s7], [sflag:$0x8] =	stream.indirect.gather @!p1 [hbm4b:s1+s0], $0x20, s5, s0, $0xb8;
	[tilespmem:$0x11C60] =	vst v63  }
0xa4: {  	_ =	swait.ge [sflag:s31], $0xC80  }
0xa5: {  	[sflag:s31] =	ssyncset.done $0x0  }
0xa6: {  	s4 =	sadd.s32 $0x2C48, s4;
	[sflag:s31] =	ssyncadd.s32 $0xFFFFF380  }
0xa7: {  	[spmem:s3] =	stream.indirect.scatter.add.f32 [tilespmem:s21], [sflag:$0x14], $0x20, s4, s15, $0xb8;
	[tilespmem:$0x11C60] =	vst v63  }
0xa8: {  	s4 =	simm.s32 @!p1 $0x13  }
0xa9: {  	_ =	swait.ge @!p1 [sflag:s4], $0xC80  }
0xaa: {  	s25 =	sadd.s32 @!p1 $0x1040, s25;
	[sflag:s4] =	ssyncset.done @!p1 $0x0  }
0xab: {  	p2 =	sne.s32 @!p1 s25, $0xA280;
	s2 =	sadd.s32 @!p1 $0x750, s2;
	[sflag:s4] =	ssyncadd.s32 @!p1 $0xFFFFF380  }
0xac: {  	[tilespmem:s6], [sflag:$0x9] =	stream.indirect.gather @!p1 [hbm4b:s1+s0], $0x20, s2, s0, $0xb8;
	[tilespmem:$0x11C60] =	vst v63  }
0xad: {  	p1 =	por p1, !p2  }
.Ltmp0:
0xae: {  	_ = 	snop;
	(pc) =	sbr.rel @!p1 .LBB2_2-.Ltmp0, $1  }
0xaf: {  	_ =	sdelay $0x3  }
0xb0: {  	s0 =	simm.s32 $0xB  }
0xb1: {  	_ =	swait.ge [sflag:s0], $0xC80  }
0xb2: {  	[sflag:s0] =	ssyncset.done $0x0  }
0xb3: {  	s4 =	simm.s32 $0xC;
	[sflag:s0] =	ssyncadd.s32 $0xFFFFF380  }
0xb4: {  	_ =	swait.ge [sflag:s4], $0xC80  }
0xb5: {  	[sflag:s4] =	ssyncset.done $0x0  }
0xb6: {  	s5 =	simm.s32 $0xD;
	[sflag:s4] =	ssyncadd.s32 $0xFFFFF380  }
0xb7: {  	_ =	swait.ge [sflag:s5], $0xC80  }
0xb8: {  	[sflag:s5] =	ssyncset.done $0x0  }
0xb9: {  	s6 =	simm.s32 $0xE;
	[sflag:s5] =	ssyncadd.s32 $0xFFFFF380  }
0xba: {  	_ =	swait.ge [sflag:s6], $0xC80  }
0xbb: {  	[sflag:s6] =	ssyncset.done $0x0  }
0xbc: {  	s7 =	simm.s32 $0xF;
	[sflag:s6] =	ssyncadd.s32 $0xFFFFF380  }
0xbd: {  	_ =	swait.ge [sflag:s7], $0xC80  }
0xbe: {  	[sflag:s7] =	ssyncset.done $0x0  }
0xbf: {  	s17 =	simm.s32 $0x10;
	[sflag:s7] =	ssyncadd.s32 $0xFFFFF380  }
0xc0: {  	_ =	swait.ge [sflag:s17], $0xC80  }
0xc1: {  	[sflag:s17] =	ssyncset.done $0x0  }
0xc2: {  	s19 =	simm.s32 $0x11;
	[sflag:s17] =	ssyncadd.s32 $0xFFFFF380  }
0xc3: {  	_ =	swait.ge [sflag:s19], $0xC80  }
0xc4: {  	[sflag:s19] =	ssyncset.done $0x0  }
0xc5: {  	[sflag:s19] =	ssyncadd.s32 $0xFFFFF380  }
0xc6: {  	_ =	swait.ge [sflag:s8], $0xC80  }
0xc7: {  	[sflag:s8] =	ssyncset.done $0x0  }
0xc8: {  	[sflag:s8] =	ssyncadd.s32 $0xFFFFF380  }
0xc9: {  	_ =	swait.ge [sflag:s9], $0xC80  }
0xca: {  	[sflag:s9] =	ssyncset.done $0x0  }
0xcb: {  	[sflag:s9] =	ssyncadd.s32 $0xFFFFF380  }
0xcc: {  	_ =	swait.ge [sflag:s10], $0xC80  }
0xcd: {  	[sflag:s10] =	ssyncset.done $0x0  }
0xce: {  	[sflag:s10] =	ssyncadd.s32 $0xFFFFF380  }
0xcf: {  	[bflag:$0x0] =	sbarrier.arrive $0xFFFF  }
0xd0: {  	s0 =	simm.s32 @p0 $0x1FD5;
	s2 =	rddreg [dreg:$0xa]  }
0xd1: {  	[hbm:s2], [sflag:s0] =	dma.local @p0 [spmem:s12], $0xA00  }
0xd2: {  	s0 =	simm.s32 @p0 $0x15  }
0xd3: {  	_ =	swait.ge @p0 [sflag:s0], $0xA00  }
0xd4: {  	[sflag:s0] =	ssyncset.done @p0 $0x0;
	s2 =	rddreg [dreg:$0xd]  }
0xd5: {  	[sflag:s0] =	ssyncadd.s32 @p0 $0xFFFFF600;
	s0 =	rddreg [dreg:$0x9]  }
0xd6: {  	[hbm:s0], [sflag:s24] =	dma.local @!p0 [spmem:s2], $0x9C0  }
0xd7: {  	s0 =	simm.s32 @!p0 $0x15  }
0xd8: {  	_ =	swait.ge @!p0 [sflag:s0], $0x9C0  }
0xd9: {  	s11 =	sadd.s32 $0x1, s11;
	s25 =	rddreg [dreg:$0xb]  }
0xda: {  	p1 =	sne.s32 s11, s25  }
.Ltmp1:
0xdb: {  	_ = 	snop;
	(pc) =	sbr.rel @p1 .LBB2_1-.Ltmp1, $3  }
0xdc: {  	_ =	sdelay $0x1  }
0xdd: {  	[sflag:s0] =	ssyncset.done @!p0 $0x0  }
0xde: {  	[sflag:s0] =	ssyncadd.s32 @!p0 $0xFFFFF640  }
0xdf: {  	_ =	sfence.sel $0x180000  }
0xe0: {  	[bflag:$0x0] =	sbarrier.arrive $0xFFFF  }
0xe1: {  	_ =	strace $0x9000004D  }
0xe2: {  	s0 =	stileid.u32;
	[bflag:$0x2] =	sbarrier.arrive $0xFFFF  }
0xe3: {  	p0 =	sne.s32 s0, $0x0;
	s0 =	rddreg [dreg:$0x3]  }
0xe4: {  	s0 =	sadd.s32 @!p0 $0x100000, s0  }
0xe5: {  	[sflag:s0] =	ssyncadd.tile.s32 @!p0 $0x1;
	_ =	shalt  }
.Lfunc_end2:
_tile_overlayer_lowered:
.L_overlay_start_2:
0xe6: {  	(tag) =	ssettag $0x2  }
0xe7: {  	s0 =	rddreg [dreg:$0x0];
	s2 =	stileid.u32  }
0xe8: {  	s1 =	rddreg [dreg:$0x1];
	p0 =	sne.s32 s2, $0x0  }
0xe9: {  	s3 =	rddreg [dreg:$0x2];
	[bflag:$0x3] =	sbarrier.arrive $0xFFFF;
	s2 =	simm.s32 @!p0 $0x1C15  }
0xea: {  	[timem:s3], [sflag:s2] =	dma.local @!p0 [hbm:s0], s1  }
0xeb: {  	s0 =	simm.s32 @!p0 $0x15  }
0xec: {  	_ =	swait.ge @!p0 [sflag:s0], s1  }
0xed: {  	s1 =	ssub.s32 @!p0 $0x0, s1;
	[sflag:s0] =	ssyncset.done @!p0 $0x0  }
0xee: {  	[sflag:s0] =	ssyncadd.s32 @!p0 s1  }
0xef: {  	[bflag:$0x3] =	sbarrier.arrive $0xFFFF  }
0xf0: {  	_ =	shalt  }

// kernel: kernel.8.cloned.1.call-start
scs
__scs_entry_jumppad:
0x0: {  	(pc) =	sbr.rel $0x88, $3  }
0x1: {  	(tag) =	ssettag $0x0;
	lr =	simm.s32 $0x1  }
0x2: {  	[smem:$0x3F9B] =	sst lr;
	_ =	strace $0xD0000000  }
0x3: {  	_ = 	snop  }
0x4: {  	_ = 	snop  }
0x5: {  	_ = 	snop  }
0x6: {  	_ = 	snop  }
0x7: {  	_ = 	snop  }
__scs_overlays_trampoline_lowered:
0x8: {  	[smem:$0x3FAA] =	sst s0  }
0x9: {  	[smem:$0x3FAB] =	sst s1  }
0xa: {  	[smem:$0x3FAC] =	sst s2  }
0xb: {  	[smem:$0x3FAD] =	sst s3  }
0xc: {  	[smem:$0x3FAE] =	sst s4  }
0xd: {  	[smem:$0x3FAF] =	sst s5  }
0xe: {  	[smem:$0x3FB0] =	sst s6  }
0xf: {  	[smem:$0x3FB1] =	sst s7  }
0x10: {  	[smem:$0x3FB2] =	sst s8  }
0x11: {  	[smem:$0x3FB3] =	sst s9;
	s0 =	simm.s32 @!p0 $0x0  }
0x12: {  	s1 =	sld [smem:$0x3F99];
	s0 =	simm.s32 @p0 $0x1  }
0x13: {  	[smem:$0x3FB4] =	sst s0;
	s0 =	simm.s32 @!p1 $0x0  }
0x14: {  	s2 =	sld [smem:$0x3F98];
	s0 =	simm.s32 @p1 $0x1  }
0x15: {  	[smem:$0x3FB5] =	sst s0;
	s0 =	simm.s32 @!p2 $0x0  }
0x16: {  	s3 =	sld [smem:$0x3FDB];
	s0 =	simm.s32 @p2 $0x1  }
0x17: {  	s4 =	simm.s32 $0x1BF5;
	[smem:$0x3FB7] =	sst s0  }
0x18: {  	s0 =	sld [smem:$0x3F9A];
	_ =	swait.ge [sflag:s4], $0x0  }
0x19: {  	s7 =	sld [smem:$0x3F9B]  }
0x1a: {  	s8 =	sadd.s32 $0xFFFFE003, lr  }
0x1b: {  	s9 =	sadd.s32 $0xFFFFFEF7, lr;
	s5 =	simm.s32 $0xFFFFFFFF;
	p2 =	slt.u32 s8, $0xFFFFF086  }
0x1c: {  	p1 =	slt.u32 s9, $0xF7A;
	s5 =	simm.s32 @!p2 $0x0  }
0x1d: {  	s5 =	simm.s32 @p1 $0x1;
	p0 =	seq.s32 s7, s2  }
0x1e: {  	s7 =	smul.u32 @!p0 $0xF7A, s2;
	p2 =	seq.s32 @!p0 s5, $0x0  }
0x1f: {  	s9 =	smul.u32 $0xF7A, s1;
	s8 =	simm.s32 @!p0 $0x1BF5;
	p2 =	por !p2, p0  }
0x20: {  	[sflag:s8] =	ssyncset.s32 @!p0 $0xFFFFF086;
	s6 =	sadd.s32 @!p0 s3, s7;
	s7 =	simm.s32 @!p0 $0x108  }
0x21: {  	s3 =	sadd.s32 s3, s9;
	s6 =	sadd.s32 @!p0 $0x88, s6;
	s7 =	simm.s32 @p2 $0x1082  }
0x22: {  	[simem:s7], [sflag:s8] =	dma.local @!p0 [hbm:s6], $0xF7A  }
0x23: {  	s9 =	sor.u32 $0xD0000000, s2;
	s6 =	simm.s32 $0x108;
	_ =	swait.ge @!p0 [sflag:s8], $0x0  }
0x24: {  	s3 =	sadd.s32 $0x88, s3;
	s6 =	simm.s32 @!p1 $0x1082;
	[sflag:s4] =	ssyncset.s32 $0xFFFFF086  }
0x25: {  	[simem:s6], [sflag:s4] =	dma.local [hbm:s3], $0xF7A  }
0x26: {  	[smem:$0x3F9B] =	sst s1;
	(tag) =	ssettag s2;
	_ =	strace s9  }
0x27: {  	s1 =	sld [smem:$0x3FAB]  }
0x28: {  	s2 =	sld [smem:$0x3FAC]  }
0x29: {  	s4 =	sld [smem:$0x3FAE]  }
0x2a: {  	p0 =	seq.s32 s5, $0x0;
	s5 =	sld [smem:$0x3FAF]  }
0x2b: {  	s6 =	sld [smem:$0x3FB0]  }
0x2c: {  	s7 =	sld [smem:$0x3FB1]  }
0x2d: {  	s3 =	simm.s32 $0x108;
	s8 =	sld [smem:$0x3FB2]  }
0x2e: {  	s3 =	simm.s32 @!p0 $0x1082;
	s9 =	sld [smem:$0x3FB3]  }
0x2f: {  	lr =	sadd.s32 s0, s3;
	s0 =	sld [smem:$0x3FAA]  }
0x30: {  	s3 =	sld [smem:$0x3FAD]  }
0x31: {  	[smem:$0x3FB6] =	sst s10  }
0x32: {  	s10 =	sld [smem:$0x3FB4];
	_ =	sdelay $0x3  }
0x33: {  	p0 =	seq.s32 s10, $0x1;
	s10 =	sld [smem:$0x3FB6];
	_ =	sdelay $0x3  }
0x34: {  	[smem:$0x3FB6] =	sst s10  }
0x35: {  	s10 =	sld [smem:$0x3FB5];
	_ =	sdelay $0x3  }
0x36: {  	p1 =	seq.s32 s10, $0x1;
	s10 =	sld [smem:$0x3FB6];
	_ =	sdelay $0x3  }
0x37: {  	[smem:$0x3FB6] =	sst s10  }
0x38: {  	s10 =	sld [smem:$0x3FB7]  }
0x39: {  	_ = 	snop;
	(pc) =	sbr.ind lr, $3  }
0x3a: {  	_ = 	snop  }
0x3b: {  	_ = 	snop  }
0x3c: {  	p2 =	seq.s32 s10, $0x1;
	s10 =	sld [smem:$0x3FB6]  }
0x3d: {  	_ =	shalt  }
0x3e: {  	_ =	shalt  }
0x3f: {  	_ =	shalt  }
0x40: {  	_ =	shalt  }
0x41: {  	_ =	shalt  }
0x42: {  	_ =	shalt  }
0x43: {  	_ =	shalt  }
0x44: {  	_ =	shalt  }
0x45: {  	_ =	shalt  }
0x46: {  	_ =	shalt  }
0x47: {  	_ =	shalt  }
0x48: {  	_ =	shalt  }
0x49: {  	_ =	shalt  }
0x4a: {  	_ =	shalt  }
0x4b: {  	_ =	shalt  }
0x4c: {  	_ =	shalt  }
0x4d: {  	_ =	shalt  }
0x4e: {  	_ =	shalt  }
0x4f: {  	_ =	shalt  }
0x50: {  	_ =	shalt  }
0x51: {  	_ =	shalt  }
0x52: {  	_ =	shalt  }
0x53: {  	_ =	shalt  }
0x54: {  	_ =	shalt  }
0x55: {  	_ =	shalt  }
0x56: {  	_ =	shalt  }
0x57: {  	_ =	shalt  }
0x58: {  	_ =	shalt  }
0x59: {  	_ =	shalt  }
0x5a: {  	_ =	shalt  }
0x5b: {  	_ =	shalt  }
0x5c: {  	_ =	shalt  }
0x5d: {  	_ =	shalt  }
0x5e: {  	_ =	shalt  }
0x5f: {  	_ =	shalt  }
0x60: {  	_ =	shalt  }
0x61: {  	_ =	shalt  }
0x62: {  	_ =	shalt  }
0x63: {  	_ =	shalt  }
0x64: {  	_ =	shalt  }
0x65: {  	_ =	shalt  }
0x66: {  	_ =	shalt  }
0x67: {  	_ =	shalt  }
0x68: {  	_ =	shalt  }
0x69: {  	_ =	shalt  }
0x6a: {  	_ =	shalt  }
0x6b: {  	_ =	shalt  }
0x6c: {  	_ =	shalt  }
0x6d: {  	_ =	shalt  }
0x6e: {  	_ =	shalt  }
0x6f: {  	_ =	shalt  }
0x70: {  	_ =	shalt  }
0x71: {  	_ =	shalt  }
0x72: {  	_ =	shalt  }
0x73: {  	_ =	shalt  }
0x74: {  	_ =	shalt  }
0x75: {  	_ =	shalt  }
0x76: {  	_ =	shalt  }
0x77: {  	_ =	shalt  }
0x78: {  	_ =	shalt  }
0x79: {  	_ =	shalt  }
0x7a: {  	_ =	shalt  }
0x7b: {  	_ =	shalt  }
0x7c: {  	_ =	shalt  }
0x7d: {  	_ =	shalt  }
0x7e: {  	_ =	shalt  }
0x7f: {  	_ =	shalt  }
0x80: {  	_ =	shalt  }
0x81: {  	_ =	shalt  }
0x82: {  	_ =	shalt  }
0x83: {  	_ =	shalt  }
0x84: {  	_ =	shalt  }
0x85: {  	_ =	shalt  }
0x86: {  	_ =	shalt  }
0x87: {  	_ =	shalt  }
.Lfunc_end0:
.L_simem_size_0:
called_computation_lowered:
.L_overlay_start_0:
0x88: {  	s2 =	sld [smem:$0x3FD9]  }
0x89: {  	s3 =	sld [smem:$0x3FFE];
	_ =	sdelay $0x1  }
0x8a: {  	s1 =	srdreg.scid  }
0x8b: {  	s0 =	sand.u32 $0x1, s1  }
0x8c: {  	s16 =	sshll.u32 s0, $0xA;
	s2 =	sadd.s32 s3, s2  }
0x8d: {  	s2 =	sadd.s32 s2, s16  }
0x8e: {  	[smem:$0x3FC2] =	sst s2  }
0x8f: {  	_ = 	snop  }
0x90: {  	(tm) =	ssettm $0x1  }
0x91: {  	s17 =	sld [smem:$0x3FFB];
	_ =	sdelay $0x3  }
0x92: {  	_ =	strace s17  }
0x93: {  	s2 =	sld [smem:$0x3FFC];
	_ =	sdelay $0x3  }
0x94: {  	_ =	strace s2  }
0x95: {  	s2 =	sld [smem:$0x3FFD];
	_ =	sdelay $0x3  }
0x96: {  	_ =	strace s2  }
0x97: {  	_ =	strace $0x8FFFFFFF  }
0x98: {  	s18 =	sld [smem:$0x3FDB];
	_ =	sdelay $0x1  }
0x99: {  	s19 =	simm.s32 $_scs_section_size  }
0x9a: {  	s4 =	simm.s32 $_size__tile_overlayer_lowered;
	s5 =	simm.s32 $_tile_overlayer_lowered  }
0x9b: {  	s22 =	simm.s32 $0x1BFF;
	s21 =	sshll.u32 s5, $0x1;
	s2 =	sadd.s32 s19, s18  }
0x9c: {  	s6 =	simm.s32 $0x0;
	s20 =	sshll.u32 s4, $0x1;
	s4 =	sadd.s32 s21, s2  }
0x9d: {  	[timem:s6], [sflag:s22] =	dma.local [hbm:s4], s20  }
0x9e: {  	_ =	swait.ge [sflag:s22], s20  }
0x9f: {  	s3 =	ssub.s32 $0x0, s20;
	[sflag:s22] =	ssyncset.done $0x0  }
0xa0: {  	[sflag:s22] =	ssyncadd.s32 s3;
	_ =	sdelay $0x1  }
0xa1: {  	s23 =	simm.s32 $0x1B8B  }
0xa2: {  	_ =	swait.ge [sflag:s23], $0x1  }
0xa3: {  	[sflag:s23] =	ssyncset.done $0x0  }
0xa4: {  	s25 =	simm.s32 $0x1B8E;
	s24 =	sld [smem:$0x3FFE];
	[sflag:s23] =	ssyncadd.s32 $0xFFFFFFFF  }
0xa5: {  	s26 =	simm.s32 $execute0_lowered;
	[smem:$0x3FD2] =	sst s25  }
0xa6: {  	s4 =	sshll.u32 s26, $0x1;
	_ =	strace $0x80000046;
	[dreg:$0x1] =	wrdreg $0xFFFFFFFF  }
0xa7: {  	s28 =	simm.s32 $_size_execute0_lowered;
	s2 =	sadd.s32 s2, s4;
	[dreg:$0x0] =	wrdreg $0x0  }
0xa8: {  	s4 =	sshll.u32 s28, $0x1;
	[dreg:$0x2] =	wrdreg s2  }
0xa9: {  	[dreg:$0x3] =	wrdreg s4  }
0xaa: {  	[dreg:$0x4] =	wrdreg $0xC0  }
0xab: {  	_ =	task [dreg:s6], $0x5FFFF  }
0xac: {  	[dreg:$0x1] =	wrdreg $0xFFFFFFFF  }
0xad: {  	[dreg:$0x0] =	wrdreg $0x60  }
0xae: {  	[dreg:$0x2] =	wrdreg s24  }
0xaf: {  	[dreg:$0x3] =	wrdreg $0x14C80  }
0xb0: {  	[dreg:$0x4] =	wrdreg $0x9  }
0xb1: {  	_ =	task.clear_ibuf [dreg:s6], $0x5FFFF;
	_ =	strace $0x90000046  }
0xb2: {  	s29 =	simm.s32 $0x9;
	_ =	strace $0x80000048  }
0xb3: {  	_ =	swait.ge [sflag:s29], $0x1  }
0xb4: {  	[sflag:s29] =	ssyncadd.s32 $0xFFFFFFFF  }
0xb5: {  	_ =	strace $0x90000048  }
0xb6: {  	_ =	sfence  }
0xb7: {  	s30 =	sld [smem:$0x0];
	_ =	sdelay $0x2  }
0xb8: {  	s31 =	sshll.u32 s1, $0xD;
	s1 =	sshrl.u32 s1, $0x2  }
0xb9: {  	s3 =	sand.u32 $0x4000, s31;
	s1 =	sadd.s32 s1, s30  }
0xba: {  	s0 =	sor.u32 s3, s0;
	s1 =	sshll.u32 s1, $0x11  }
0xbb: {  	s0 =	sor.u32 s1, s0  }
0xbc: {  	s0 =	sadd.s32 $0x8F2B, s0  }
0xbd: {  	[sflag:s0] =	ssyncadd.remote.s32 $0x1  }
0xbe: {  	_ =	sfence.sel $0xFFFF  }
0xbf: {  	[dreg:$0x0] =	wrdreg $0xFFFFFFFF;
	(pc) =	sbr.abs _section_cstart, $3  }
0xc0: {  	[dreg:$0x1] =	wrdreg $0xFFFFFFFF  }
0xc1: {  	_ =	task.clear_ibuf [dreg:s6], $0x2FFFF;
	_ =	strace $0x9FFFFFFF  }
0xc2: {  	(tm) =	ssettm $0x7FFFFFFF  }
0xc3: {  	_ =	shalt  }
tec
execute0_lowered:
.L_overlay_start_1:
0x0: {  	(tag) =	ssettag $0x1  }
0x1: {  	s7 =	rddreg [dreg:$0x0];
	s0 =	srdreg.scid  }
0x2: {  	s2 =	rddreg [dreg:$0x1];
	s1 =	stileid.u32;
	s3 =	simm.s32 $0x0  }
0x3: {  	s17 =	simm.s32 $0x1;
	s5 =	sand.u32 $0x1, s0;
	s0 =	rddreg [dreg:$0x2]  }
0x4: {  	s18 =	simm.s32 $0x0;
	s8 =	smul.u32 $0x1380, s1;
	[smem:$0x7FF] =	sst s3  }
0x5: {  	s13 =	sadd.s32 $0x8C00, s7;
	s14 =	sadd.s32 $0x12480, s2;
	p0 =	seq.s32 s1, $0xF  }
0x6: {  	s4 =	sshll.u32 s5, $0x4;
	_ =	strace $0x80000047;
	s10 =	ssub.s32 $0x2, s5  }
0x7: {  	s12 =	smul.u32 $0x13880, s5;
	s16 =	sshll.u32 @!p0 s1, $0x6;
	s4 =	sor.u32 s1, s4  }
0x8: {  	s6 =	sshrl.u32 s8, $0x3;
	s11 =	sshrl.u32 s10, $0x1;
	s15 =	sadd.s32 s8, s2  }
0x9: {  	s4 =	smul.u32 $0x271, s4;
	s6 =	sadd.s32 s6, s7;
	s10 =	ssub.s32 s10, s11  }
0xa: {  	s8 =	sadd.s32 s8, s12;
	s31 =	sshrl.u32 s12, $0x3;
	s11 =	simm.s32 $0x2  }
0xb: {  	s12 =	simm.s32 $0x1388;
	s15 =	sshrl.u32 @!p0 s15, $0x3;
	s6 =	sadd.s32 $0x6200, s6  }
0xc: {  	s8 =	sshrl.u32 s8, $0x3;
	s10 =	smax.u32 s10, $0x1;
	s9 =	sadd.s32 s4, s7  }
0xd: {  	s4 =	sadd.s32 $0x8A00, s7;
	s7 =	sadd.s32 $0x8690, s7;
	s8 =	sadd.s32 s13, s8  }
0xe: {  	s5 =	sadd.s32 $0x1200, s9;
	s9 =	sadd.s32 s13, s31;
	s13 =	sshrl.u32 @p0 s14, $0x3  }
0xf: {  	s14 =	sor.u32 @!p0 $0x1C02, s16;
	s16 =	simm.s32 $0x28;
	s9 =	sadd.s32 $0x2490, s9  }
.LBB2_1:
0x10: {  	[tilespmem:s3], [sflag:$0x2] =	stream.linear.gather [hbm4b:s5+s3], $0x1388, $0x38;
	[tilespmem:$0x2850] =	vst v63  }
0x11: {  	_ =	swait.ge [sflag:s11], $0x1388  }
0x12: {  	[sflag:s11] =	ssyncset.done $0x0  }
0x13: {  	[sflag:s11] =	ssyncadd.s32 $0xFFFFEC78  }
0x14: {  	[tilespmem:s12], [sflag:$0x2] =	stream.linear.gather [hbm4b:s4+s3], $0x140, $0x38;
	[tilespmem:$0x2850] =	vst v63  }
0x15: {  	_ =	swait.ge [sflag:s11], $0x140  }
0x16: {  	[sflag:s11] =	ssyncset.done $0x0  }
0x17: {  	s19 =	simm.s32 @p0 $0x1FC2;
	[sflag:s11] =	ssyncadd.s32 $0xFFFFFEC0  }
0x18: {  	[spmem:s13], [sflag:s19] =	dma.local @p0 [hbm:s7], $0x280  }
0x19: {  	s19 =	simm.s32 @p0 $0x2  }
0x1a: {  	_ =	swait.ge @p0 [sflag:s19], $0x280  }
0x1b: {  	[sflag:s19] =	ssyncset.done @p0 $0x0  }
0x1c: {  	[sflag:s19] =	ssyncadd.s32 @p0 $0xFFFFFD80;
	s19 =	simm.s32 @!p0 $0x2  }
0x1d: {  	[spmem:s15], [sflag:s14] =	dma.local @!p0 [hbm:s6], $0x270  }
0x1e: {  	_ =	swait.ge @!p0 [sflag:s19], $0x270  }
0x1f: {  	[sflag:s19] =	ssyncset.done @!p0 $0x0  }
0x20: {  	[sflag:s19] =	ssyncadd.s32 @!p0 $0xFFFFFD90  }
0x21: {  	s19 =	simm.s32 $0x0;
	[bflag:$0x0] =	sbarrier.arrive $0xFFFF  }
.LBB2_2:
0x22: {  	p1 =	sne.s32 s19, $0x4D80  }
.Ltmp0:
0x23: {  	_ = 	snop;
	(pc) =	sbr.rel @p1 .LBB2_2-.Ltmp0, $3  }
0x24: {  	_ =	sdelay $0x1  }
0x25: {  	s20 =	sshra.s32 s19, $0x2;
	s19 =	sadd.s32 $0xA0, s19  }
0x26: {  	[spmem:s2] =	stream.indirect.scatter.add.f32 [tilespmem:s12], [sflag:$0x1], $0x8, s20, s16, $0xb8;
	[tilespmem:$0x2850] =	vst v63  }
0x27: {  	_ =	swait.ge [sflag:s17], $0x140  }
0x28: {  	s19 =	simm.s32 $0x7C;
	[sflag:s17] =	ssyncset.done $0x0  }
.LBB2_4:
0x29: {  	p1 =	sne.s32 s19, $0x1;
	s19 =	sadd.s32 $0xFFFFFFFF, s19;
	[sflag:s17] =	ssyncadd.s32 $0xFFFFFEC0  }
.Ltmp1:
0x2a: {  	(pc) =	sbr.rel @p1 .LBB2_4-.Ltmp1, $3  }
0x2b: {  	_ =	sdelay $0x1  }
0x2c: {  	_ =	swait.ge [sflag:s17], $0x140  }
0x2d: {  	[sflag:s17] =	ssyncset.done $0x0  }
0x2e: {  	[sflag:s17] =	ssyncadd.s32 $0xFFFFFEC0  }
0x2f: {  	s19 =	simm.s32 @p0 $0x1FC2;
	[bflag:$0x0] =	sbarrier.arrive $0xFFFF  }
0x30: {  	[hbm:s9], [sflag:s19] =	dma.local @p0 [spmem:s13], $0x280  }
0x31: {  	s19 =	simm.s32 @p0 $0x2  }
0x32: {  	s18 =	sadd.s32 $0x1, s18;
	_ =	swait.ge @p0 [sflag:s19], $0x280  }
0x33: {  	p1 =	sne.s32 s18, s10;
	[sflag:s19] =	ssyncset.done @p0 $0x0  }
.Ltmp2:
0x34: {  	[sflag:s19] =	ssyncadd.s32 @p0 $0xFFFFFD80;
	s19 =	simm.s32 @!p0 $0x2;
	(pc) =	sbr.rel @p1 .LBB2_1-.Ltmp2, $4  }
0x35: {  	[hbm:s8], [sflag:s14] =	dma.local @!p0 [spmem:s15], $0x270  }
0x36: {  	_ =	swait.ge @!p0 [sflag:s19], $0x270  }
0x37: {  	[sflag:s19] =	ssyncset.done @!p0 $0x0  }
0x38: {  	[sflag:s19] =	ssyncadd.s32 @!p0 $0xFFFFFD90  }
0x39: {  	_ =	sfence.sel $0x180000  }
0x3a: {  	[bflag:$0x0] =	sbarrier.arrive $0xFFFF  }
0x3b: {  	p0 =	sne.s32 s1, $0x0;
	_ =	strace $0x90000047  }
0x3c: {  	s0 =	sadd.s32 @!p0 $0x100000, s0;
	[bflag:$0x2] =	sbarrier.arrive $0xFFFF  }
0x3d: {  	[sflag:s0] =	ssyncadd.tile.s32 @!p0 $0x1;
	_ =	shalt  }
.Lfunc_end2:
_tile_overlayer_lowered:
.L_overlay_start_2:
0x3e: {  	(tag) =	ssettag $0x2  }
0x3f: {  	s0 =	rddreg [dreg:$0x0];
	s2 =	stileid.u32  }
0x40: {  	s1 =	rddreg [dreg:$0x1];
	p0 =	sne.s32 s2, $0x0  }
0x41: {  	s3 =	rddreg [dreg:$0x2];
	[bflag:$0x3] =	sbarrier.arrive $0xFFFF;
	s2 =	simm.s32 @!p0 $0x1C02  }
0x42: {  	[timem:s3], [sflag:s2] =	dma.local @!p0 [hbm:s0], s1  }
0x43: {  	s0 =	simm.s32 @!p0 $0x2  }
0x44: {  	_ =	swait.ge @!p0 [sflag:s0], s1  }
0x45: {  	s1 =	ssub.s32 @!p0 $0x0, s1;
	[sflag:s0] =	ssyncset.done @!p0 $0x0  }
0x46: {  	[sflag:s0] =	ssyncadd.s32 @!p0 s1  }
0x47: {  	[bflag:$0x3] =	sbarrier.arrive $0xFFFF  }
0x48: {  	_ =	shalt  }

</sc_bundles>
